<compile_context>
chip_gen: v7x
topology: tpu7x:2x2x1
jax: 0.10.2.dev20260603
libtpu: 0.0.44.dev20260713+nightly
codegen_flags: <defaults>
</compile_context>

<pallas_src>
import dataclasses

import jax
import jax.numpy as jnp
from jax import lax
from jax.experimental import pallas as pl
from jax.experimental.pallas import tpu as pltpu
from jax.experimental.pallas import tpu_sc as plsc

B, N, T, C, H, W = 2, 8, 4, 3, 256, 256
P = N * H * W
NR = B * T
HWD = H * W
NS = 16
PPT = P // NS
CH = 2048
NCH = PPT // CH
ZP = 66048
STRIP = ZP // NS
GRP = 2


def _proj_body(params_ref, depth_ref, pix_ref, zc_ref):
    g = pl.program_id(0)
    d = depth_ref[0]
    u = lax.broadcasted_iota(jnp.int32, (H, W), 1).astype(jnp.float32)
    v = lax.broadcasted_iota(jnp.int32, (H, W), 0).astype(jnp.float32)

    def s(j):
        return params_ref[g, j]

    def bf(t):
        return t.astype(jnp.bfloat16).astype(jnp.float32)

    x = (u - s(0)) / s(2) * d
    y = (v - s(1)) / s(3) * d
    z = d
    xb, yb, zb = bf(x - s(13)), bf(y - s(14)), bf(z - s(15))
    pwx = xb * bf(s(4)) + yb * bf(s(7)) + zb * bf(s(10))
    pwy = xb * bf(s(5)) + yb * bf(s(8)) + zb * bf(s(11))
    pwz = xb * bf(s(6)) + yb * bf(s(9)) + zb * bf(s(12))
    wxb, wyb, wzb = bf(pwx), bf(pwy), bf(pwz)
    X = wxb * bf(s(16)) + wyb * bf(s(17)) + wzb * bf(s(18)) + s(25)
    Y = wxb * bf(s(19)) + wyb * bf(s(20)) + wzb * bf(s(21)) + s(26)
    Z = wxb * bf(s(22)) + wyb * bf(s(23)) + wzb * bf(s(24)) + s(27)
    px = bf(s(28)) * bf(X) + bf(s(30)) * bf(Z)
    py = bf(s(29)) * bf(Y) + bf(s(31)) * bf(Z)
    zs = jnp.maximum(Z, 1e-6)
    ui = jnp.floor(px / zs).astype(jnp.int32)
    vi = jnp.floor(py / zs).astype(jnp.int32)
    valid = (Z > 1e-6) & (ui >= 0) & (ui < W) & (vi >= 0) & (vi < H)
    pix_ref[0] = jnp.where(valid, vi * W + ui, HWD)
    zc_ref[0] = jnp.where(valid, Z, jnp.float32(1e9))


def _project(depths_fl, params):
    return pl.pallas_call(
        _proj_body,
        grid=(B * T * N,),
        in_specs=[
            pl.BlockSpec(memory_space=pltpu.SMEM),
            pl.BlockSpec((1, H, W), lambda g: (g // (T * N) * N + g % N, 0, 0)),
        ],
        out_specs=[
            pl.BlockSpec((1, H, W), lambda g: (g, 0, 0)),
            pl.BlockSpec((1, H, W), lambda g: (g, 0, 0)),
        ],
        out_shape=[
            jax.ShapeDtypeStruct((B * T * N, H, W), jnp.int32),
            jax.ShapeDtypeStruct((B * T * N, H, W), jnp.float32),
        ],
    )(params, depths_fl)


def _take16(a, i):
    dn = lax.GatherDimensionNumbers(
        offset_dims=(), collapsed_slice_dims=(0,), start_index_map=(0,))
    return lax.gather(a, i[:, None], dn, (1,),
                      mode=lax.GatherScatterMode.PROMISE_IN_BOUNDS)


def _segmin_scatter(zpart, kv, zv):
    idx = lax.iota(jnp.int32, 16)
    k, z = plsc.sort_key_val(kv, zv)
    for d in (1, 2, 4, 8):
        sh = jnp.maximum(idx - d, 0)
        kd = _take16(k, sh)
        zd = _take16(z, sh)
        z = jnp.where((kd == k) & (idx >= d), jnp.minimum(z, zd), z)
    kn = _take16(k, jnp.minimum(idx + 1, 15))
    last = (idx == 15) | (kn != k)
    cur = plsc.load_gather(zpart, [k])
    plsc.store_scatter(zpart, [k], jnp.minimum(z, cur), mask=last)


def _sc_render(pix_hbm, zc_hbm, cols_hbm, outr_hbm, outg_hbm, outb_hbm,
               zpart, pixb, zcb, colr, colg, colb,
               pixb2, zcb2, colr2, colg2, colb2, str_, std,
               mstrip, tbuf, tb1, zslots,
               accr, accg, accb, accd, sem, sema, semb):
    cid = lax.axis_index("c")
    sid = lax.axis_index("s")

    @pl.loop(0, T)
    def _render(rl):
        r = cid * T + rl
        b = cid

        def issue_a(c, pb, zb, s):
            base = sid * PPT + c * CH
            pltpu.async_copy(pix_hbm.at[pl.ds(r * P + base, CH)], pb, s)
            pltpu.async_copy(zc_hbm.at[pl.ds(r * P + base, CH)], zb, s)

        def drain_a(c, pb, zb, s):
            base = sid * PPT + c * CH
            pltpu.make_async_copy(pix_hbm.at[pl.ds(r * P + base, CH)],
                                  pb, s).wait()
            pltpu.make_async_copy(zc_hbm.at[pl.ds(r * P + base, CH)],
                                  zb, s).wait()

        def proc_a(pb, zb):
            @pl.loop(0, CH, step=16)
            def _vec(i):
                _segmin_scatter(zpart, pb[pl.ds(i, 16)], zb[pl.ds(i, 16)])

        issue_a(0, pixb, zcb, sema)

        @pl.loop(0, ZP, step=16)
        def _init(i):
            zpart[pl.ds(i, 16)] = jnp.full((16,), 1e9, jnp.float32)

        @pl.loop(0, NCH, step=2)
        def _chunk_a(c):
            issue_a(c + 1, pixb2, zcb2, semb)
            drain_a(c, pixb, zcb, sema)
            proc_a(pixb, zcb)

            @pl.when(c + 2 < NCH)
            def _pf():
                issue_a(c + 2, pixb, zcb, sema)

            drain_a(c + 1, pixb2, zcb2, semb)
            proc_a(pixb2, zcb2)

        so = sid * STRIP

        @pl.loop(0, STRIP, step=16)
        def _minit(i):
            mstrip[pl.ds(i, 16)] = jnp.full((16,), 1e9, jnp.float32)

        @pl.loop(0, NS // GRP)
        def _round(g):
            @pl.when(sid // GRP == g)
            def _pub():
                pltpu.sync_copy(zpart, zslots.at[pl.ds((sid % GRP) * ZP, ZP)])

            plsc.subcore_barrier()

            hs = [pltpu.async_copy(zslots.at[pl.ds(j * ZP + so, STRIP)], tb,
                                   sem)
                  for j, tb in enumerate((tbuf, tb1))]
            for h in hs:
                h.wait()

            @pl.loop(0, STRIP, step=16)
            def _mvec(i):
                sl = pl.ds(i, 16)
                mstrip[sl] = jnp.minimum(
                    mstrip[sl], jnp.minimum(tbuf[sl], tb1[sl]))

            plsc.subcore_barrier()

        pltpu.sync_copy(mstrip, zslots.at[pl.ds(so, STRIP)])
        plsc.subcore_barrier()
        pltpu.sync_copy(zslots.at[pl.ds(0, ZP)], zpart)

        @pl.loop(0, CH, step=16)
        def _zero(i):
            str_[pl.ds(i, 16)] = jnp.zeros((16,), jnp.float32)

        hz = []
        for acc in (accr, accg, accb, accd):
            hz.append(pltpu.async_copy(str_.at[pl.ds(0, CH)],
                                       acc.at[pl.ds(so, CH)], sem))
            hz.append(pltpu.async_copy(str_.at[pl.ds(0, CH)],
                                       acc.at[pl.ds(so + CH, CH)], sem))
            hz.append(pltpu.async_copy(str_.at[pl.ds(0, 32)],
                                       acc.at[pl.ds(so + 2 * CH, 32)], sem))
        for h in hz:
            h.wait()
        plsc.subcore_barrier()

        def srcs_b(c):
            base = sid * PPT + c * CH
            n = base // (H * W)
            off = base % (H * W)
            cbase = ((b * N + n) * C) * (H * W) + off
            return (pix_hbm.at[pl.ds(r * P + base, CH)],
                    zc_hbm.at[pl.ds(r * P + base, CH)],
                    cols_hbm.at[pl.ds(cbase, CH)],
                    cols_hbm.at[pl.ds(cbase + H * W, CH)],
                    cols_hbm.at[pl.ds(cbase + 2 * H * W, CH)])

        def issue_b(c, bufs, s):
            for sr, dsts in zip(srcs_b(c), bufs):
                pltpu.async_copy(sr, dsts, s)

        def drain_b(c, bufs, s):
            for sr, dsts in zip(srcs_b(c), bufs):
                pltpu.make_async_copy(sr, dsts, s).wait()

        def proc_b(pb, zb, cr_, cg_, cb_, sd):
            @pl.loop(0, CH, step=16)
            def _vec(i):
                sl = pl.ds(i, 16)
                k = pb[sl]
                z = zb[sl]
                zv = plsc.load_gather(zpart, [k])
                wf = jnp.where(z <= zv * jnp.float32(1.0 + 1e-4),
                               jnp.float32(1.0), jnp.float32(0.0))
                cr_[sl] = cr_[sl] * wf
                cg_[sl] = cg_[sl] * wf
                cb_[sl] = cb_[sl] * wf
                sd[sl] = wf

            ha = [pltpu.async_copy(cr_, accr.at[pb], sem, add=True),
                  pltpu.async_copy(cg_, accg.at[pb], sem, add=True),
                  pltpu.async_copy(cb_, accb.at[pb], sem, add=True),
                  pltpu.async_copy(sd, accd.at[pb], sem, add=True)]
            for h in ha:
                h.wait()

        bufs0 = (pixb, zcb, colr, colg, colb)
        bufs1 = (pixb2, zcb2, colr2, colg2, colb2)
        issue_b(0, bufs0, sema)

        @pl.loop(0, NCH, step=2)
        def _chunk_b(c):
            issue_b(c + 1, bufs1, semb)
            drain_b(c, bufs0, sema)
            proc_b(*bufs0, str_)

            @pl.when(c + 2 < NCH)
            def _pf():
                issue_b(c + 2, bufs0, sema)

            drain_b(c + 1, bufs1, semb)
            proc_b(*bufs1, std)

        plsc.subcore_barrier()

        zhead = zpart.at[pl.ds(0, STRIP)]
        he = [pltpu.async_copy(accd.at[pl.ds(so, STRIP)], tbuf, sem),
              pltpu.async_copy(accr.at[pl.ds(so, STRIP)], tb1, sem),
              pltpu.async_copy(accg.at[pl.ds(so, STRIP)], mstrip, sem),
              pltpu.async_copy(accb.at[pl.ds(so, STRIP)], zhead, sem)]
        for h in he:
            h.wait()

        @pl.loop(0, STRIP, step=16)
        def _norm(i):
            sl = pl.ds(i, 16)
            dq = jnp.maximum(tbuf[sl], jnp.float32(1.0))
            tb1[sl] = tb1[sl] / dq
            mstrip[sl] = mstrip[sl] / dq
            zpart[sl] = zpart[sl] / dq

        ho = [pltpu.async_copy(tb1, outr_hbm.at[pl.ds(r * ZP + so, STRIP)],
                               sem),
              pltpu.async_copy(mstrip, outg_hbm.at[pl.ds(r * ZP + so, STRIP)],
                               sem),
              pltpu.async_copy(zhead, outb_hbm.at[pl.ds(r * ZP + so, STRIP)],
                               sem)]
        for h in ho:
            h.wait()
        plsc.subcore_barrier()


def _sc_rasterize(pix2, zc2, colsf):
    cp = pltpu.CompilerParams()
    if "needs_layout_passes" in pltpu.CompilerParams.__dataclass_fields__:
        cp = dataclasses.replace(cp, needs_layout_passes=False)
    f32 = jnp.float32
    kern = pl.kernel(
        _sc_render,
        out_type=[jax.ShapeDtypeStruct((NR * ZP,), f32)] * 3,
        mesh=plsc.VectorSubcoreMesh(core_axis_name="c", subcore_axis_name="s"),
        scratch_types=[
            pltpu.VMEM((ZP,), f32),
            pltpu.VMEM((CH,), jnp.int32),
            pltpu.VMEM((CH,), f32),
            pltpu.VMEM((CH,), f32),
            pltpu.VMEM((CH,), f32),
            pltpu.VMEM((CH,), f32),
            pltpu.VMEM((CH,), jnp.int32),
            pltpu.VMEM((CH,), f32),
            pltpu.VMEM((CH,), f32),
            pltpu.VMEM((CH,), f32),
            pltpu.VMEM((CH,), f32),
            pltpu.VMEM((CH,), f32),
            pltpu.VMEM((CH,), f32),
            pltpu.VMEM((STRIP,), f32),
            pltpu.VMEM((STRIP,), f32),
            pltpu.VMEM((STRIP,), f32),
            pltpu.VMEM_SHARED((GRP * ZP,), f32),
            pltpu.VMEM_SHARED((ZP,), f32),
            pltpu.VMEM_SHARED((ZP,), f32),
            pltpu.VMEM_SHARED((ZP,), f32),
            pltpu.VMEM_SHARED((ZP,), f32),
            pltpu.SemaphoreType.DMA,
            pltpu.SemaphoreType.DMA,
            pltpu.SemaphoreType.DMA,
        ],
        compiler_params=cp,
    )
    return kern(pix2, zc2, colsf)


def _frontend(images, depths, extrinsics, intrinsics,
              target_extrinsics, target_intrinsics):
    f32 = jnp.float32
    Rn = extrinsics[:, :, :3, :3]
    tn = extrinsics[:, :, :3, 3]
    Rt = target_extrinsics[:, :, :3, :3]
    tt = target_extrinsics[:, :, :3, 3]

    def bn(a):
        return jnp.broadcast_to(a[:, None, :], (B, T, N))[..., None]

    def bt(a):
        return jnp.broadcast_to(a[:, :, None], (B, T, N))[..., None]

    RnB = jnp.broadcast_to(Rn[:, None], (B, T, N, 3, 3)).reshape(B, T, N, 9)
    RtB = jnp.broadcast_to(Rt[:, :, None], (B, T, N, 3, 3)).reshape(B, T, N, 9)
    tnB = jnp.broadcast_to(tn[:, None], (B, T, N, 3))
    ttB = jnp.broadcast_to(tt[:, :, None], (B, T, N, 3))
    params = jnp.concatenate([
        bn(intrinsics[:, :, 0, 2]), bn(intrinsics[:, :, 1, 2]),
        bn(intrinsics[:, :, 0, 0]), bn(intrinsics[:, :, 1, 1]),
        RnB,
        tnB,
        RtB,
        ttB,
        bt(target_intrinsics[:, :, 0, 0]), bt(target_intrinsics[:, :, 1, 1]),
        bt(target_intrinsics[:, :, 0, 2]), bt(target_intrinsics[:, :, 1, 2]),
    ], axis=-1).astype(f32).reshape(B * T * N, 32)

    depths_fl = depths.reshape(B * N, H, W)
    pix, zc = _project(depths_fl, params)
    pix2 = pix.reshape(NR * P)
    zc2 = zc.reshape(NR * P)
    colsf = images.reshape(B * N * C * H * W)
    return pix2, zc2, colsf


def kernel(images, depths, extrinsics, intrinsics,
           target_extrinsics, target_intrinsics):
    pix2, zc2, colsf = _frontend(images, depths, extrinsics, intrinsics,
                                 target_extrinsics, target_intrinsics)
    outr, outg, outb = (o.reshape(NR, ZP)[:, :HWD]
                        for o in _sc_rasterize(pix2, zc2, colsf))
    img = jnp.stack([outr, outg, outb], axis=-1)
    return img.reshape(B, T, H, W, C)

# --- scband reference (transcript-rebuilt; emitter-appended) ---
"""Pipeline reference for scband-cache3-dpcd-6399501271057 (READ-ONLY COPY).

The authoritative reference and input builder live on the scoring server;
editing this copy changes nothing except your own understanding.
"""

import jax, jax.numpy as jnp
import numpy as np

B, N, T, C, H, W = 2, 8, 4, 3, 256, 256


def _make_extrinsics(rng, num):
    ang = rng.uniform(-0.1, 0.1, size=(num,)).astype(np.float32)
    E = np.tile(np.eye(4, dtype=np.float32), (num, 1, 1))
    for i in range(num):
        c, s = np.cos(ang[i]), np.sin(ang[i])
        E[i, :3, :3] = np.array([[c, 0.0, s], [0.0, 1.0, 0.0], [-s, 0.0, c]], dtype=np.float32)
    E[:, :3, 3] = rng.uniform(-0.2, 0.2, size=(num, 3)).astype(np.float32)
    return E


def _make_intrinsics(num):
    K = np.zeros((num, 3, 3), dtype=np.float32)
    K[:, 0, 0] = float(H)
    K[:, 1, 1] = float(H)
    K[:, 0, 2] = W / 2.0
    K[:, 1, 2] = H / 2.0
    K[:, 2, 2] = 1.0
    return K


def setup_inputs(seed: int = 0) -> dict:
    key = jax.random.key(seed)
    k0, k1 = jax.random.split(key)
    rng = np.random.RandomState(0)
    images = jax.random.uniform(k0, (B, N, C, H, W), dtype=jnp.float32)
    depths = jax.random.uniform(k1, (B, N, 1, H, W), dtype=jnp.float32) * 4.0 + 1.0
    extrinsics = jnp.asarray(_make_extrinsics(rng, B * N).reshape(B, N, 4, 4))
    intrinsics = jnp.asarray(_make_intrinsics(B * N).reshape(B, N, 3, 3))
    target_extrinsics = jnp.asarray(_make_extrinsics(rng, B * T).reshape(B, T, 4, 4))
    target_intrinsics = jnp.asarray(_make_intrinsics(B * T).reshape(B, T, 3, 3))
    return {
        "images": images,
        "depths": depths,
        "extrinsics": extrinsics,
        "intrinsics": intrinsics,
        "target_extrinsics": target_extrinsics,
        "target_intrinsics": target_intrinsics,
    }


def _unproject(depth, E, K):
    # depth: [1, H, W]; E: [4,4] world->cam; K: [3,3]
    d = depth[0]
    uu, vv = jnp.meshgrid(jnp.arange(W, dtype=jnp.float32), jnp.arange(H, dtype=jnp.float32))
    x = (uu - K[0, 2]) / K[0, 0] * d
    y = (vv - K[1, 2]) / K[1, 1] * d
    pcam = jnp.stack([x, y, d], axis=-1).reshape(-1, 3)
    Rm = E[:3, :3]
    tv = E[:3, 3]
    # p_world = R^T (p_cam - t)  ==  (p_cam - t) @ R  (row-vector form)
    return (pcam - tv) @ Rm


def _render_one(pts, cols, E, K):
    # pts: [P,3] world, cols: [P,C], E: [4,4] world->cam, K: [3,3]
    Rm = E[:3, :3]
    tv = E[:3, 3]
    pcam = pts @ Rm.T + tv
    z = pcam[:, 2]
    proj = pcam @ K.T
    zs = jnp.maximum(z, 1e-6)
    ui = jnp.floor(proj[:, 0] / zs).astype(jnp.int32)
    vi = jnp.floor(proj[:, 1] / zs).astype(jnp.int32)
    valid = (z > 1e-6) & (ui >= 0) & (ui < W) & (vi >= 0) & (vi < H)
    pix = jnp.where(valid, vi * W + ui, H * W)  # H*W = dump bin
    zc = jnp.where(valid, z, jnp.float32(1e9))
    # z-buffer via scatter-min (pixel binning)
    zbuf = jnp.full((H * W + 1,), jnp.float32(1e9)).at[pix].min(jax.lax.stop_gradient(zc))
    win = (zc <= zbuf[pix] * (1.0 + 1e-4)) & valid
    wf = win.astype(jnp.float32)
    # alpha compositing of surviving points via scatter-add
    num = jnp.zeros((H * W + 1, C), dtype=jnp.float32).at[pix].add(cols * wf[:, None])
    den = jnp.zeros((H * W + 1,), dtype=jnp.float32).at[pix].add(wf)
    img = num[: H * W] / jnp.maximum(den[: H * W], 1.0)[:, None]
    return img.reshape(H, W, C)


def reference(images, depths, extrinsics, intrinsics, target_extrinsics, target_intrinsics):
    # unproject every source view to a world point cloud
    unproj = jax.vmap(jax.vmap(_unproject))
    pts = unproj(depths, extrinsics, intrinsics)  # [B, N, H*W, 3]
    pts = pts.reshape(B, N * H * W, 3)
    cols = jnp.transpose(images, (0, 1, 3, 4, 2)).reshape(B, N * H * W, C)
    # render each target view: bin points into pixels, z-buffer, composite
    render_t = jax.vmap(_render_one, in_axes=(None, None, 0, 0))
    rendered = jax.vmap(render_t, in_axes=(0, 0, 0, 0))(pts, cols, target_extrinsics, target_intrinsics)
    return rendered  # [B, T, H, W, C]

if __name__ == "__main__":
    import jax
    _d = setup_inputs()
    print(jax.jit(kernel)(*tuple(_d.values())))

</pallas_src>

<mosaic_0001>
#map = affine_map<(d0, d1) -> (0)>
module attributes {stable_mosaic.version = 14 : i64} {
  func.func @_sc_render(%arg0: i32, %arg1: i32, %arg2: memref<4194304xi32, #tpu.memory_space<hbm>>, %arg3: memref<4194304xf32, #tpu.memory_space<hbm>>, %arg4: memref<3145728xf32, #tpu.memory_space<hbm>>, %arg5: memref<528384xf32, #tpu.memory_space<hbm>>, %arg6: memref<528384xf32, #tpu.memory_space<hbm>>, %arg7: memref<528384xf32, #tpu.memory_space<hbm>>, %arg8: memref<66048xf32, #tpu.memory_space<vmem>>, %arg9: memref<2048xi32, #tpu.memory_space<vmem>>, %arg10: memref<2048xf32, #tpu.memory_space<vmem>>, %arg11: memref<2048xf32, #tpu.memory_space<vmem>>, %arg12: memref<2048xf32, #tpu.memory_space<vmem>>, %arg13: memref<2048xf32, #tpu.memory_space<vmem>>, %arg14: memref<2048xi32, #tpu.memory_space<vmem>>, %arg15: memref<2048xf32, #tpu.memory_space<vmem>>, %arg16: memref<2048xf32, #tpu.memory_space<vmem>>, %arg17: memref<2048xf32, #tpu.memory_space<vmem>>, %arg18: memref<2048xf32, #tpu.memory_space<vmem>>, %arg19: memref<2048xf32, #tpu.memory_space<vmem>>, %arg20: memref<2048xf32, #tpu.memory_space<vmem>>, %arg21: memref<4128xf32, #tpu.memory_space<vmem>>, %arg22: memref<4128xf32, #tpu.memory_space<vmem>>, %arg23: memref<4128xf32, #tpu.memory_space<vmem>>, %arg24: memref<132096xf32, #tpu.memory_space<vmem_shared>>, %arg25: memref<66048xf32, #tpu.memory_space<vmem_shared>>, %arg26: memref<66048xf32, #tpu.memory_space<vmem_shared>>, %arg27: memref<66048xf32, #tpu.memory_space<vmem_shared>>, %arg28: memref<66048xf32, #tpu.memory_space<vmem_shared>>, %arg29: memref<!tpu.dma_semaphore, #tpu.memory_space<semaphore_mem>>, %arg30: memref<!tpu.dma_semaphore, #tpu.memory_space<semaphore_mem>>, %arg31: memref<!tpu.dma_semaphore, #tpu.memory_space<semaphore_mem>>) attributes {dimension_semantics = [#tpu.dimension_semantics<core_parallel>, #tpu.dimension_semantics<subcore_parallel>], iteration_bounds = array<i64: 2, 16>, scalar_prefetch = 0 : i64, scratch_operands = 24 : i64, tpu.core_type = #tpu.core_type<sc_vector_subcore>, window_params = [{transform_indices = #map}, {transform_indices = #map}, {transform_indices = #map}, {transform_indices = #map}, {transform_indices = #map}, {transform_indices = #map}]} {
    %scan3A = arith.constant 0 : i32
    %scan3A_0 = arith.constant 4 : i32
    %scan3A_1 = arith.addi %scan3A, %scan3A_0 : i32
    %scan3A_2 = arith.constant 1 : i32
    scf.for %scan3A_4 = %scan3A to %scan3A_1 step %scan3A_2  : i32 {
      %mul3A = arith.constant 1 : i32
      %mul3A_5 = arith.muli %scan3A_4, %mul3A : i32
      %add3A = arith.constant 0 : i32
      %add3A_6 = arith.addi %add3A, %mul3A_5 : i32
      %mul3A_7 = arith.constant 4 : i32
      %mul3A_8 = arith.muli %arg0, %mul3A_7 : i32
      %add3A_9 = arith.addi %mul3A_8, %add3A_6 : i32
      %mul3A_10 = arith.constant 32768 : i32
      %mul3A_11 = arith.muli %arg1, %mul3A_10 : i32
      %add3A_12 = arith.constant 0 : i32
      %add3A_13 = arith.addi %mul3A_11, %add3A_12 : i32
      %mul3A_14 = arith.constant 524288 : i32
      %mul3A_15 = arith.muli %add3A_9, %mul3A_14 : i32
      %add3A_16 = arith.addi %mul3A_15, %add3A_13 : i32
      %dma_start3A = tpu.memref_slice %arg2[%add3A_16] : memref<4194304xi32, #tpu.memory_space<hbm>> -> memref<2048xi32, #tpu.memory_space<hbm>>
      %dma_start3A_17 = tpu.memref_slice %arg2[%add3A_16] : memref<4194304xi32, #tpu.memory_space<hbm>> -> memref<2048xi32, #tpu.memory_space<hbm>>
      tpu.enqueue_dma source(%dma_start3A_17 : memref<2048xi32, #tpu.memory_space<hbm>>) target(%arg9 : memref<2048xi32, #tpu.memory_space<vmem>>) target_semaphore(%arg30 : memref<!tpu.dma_semaphore, #tpu.memory_space<semaphore_mem>>)
      %mul3A_18 = arith.constant 524288 : i32
      %mul3A_19 = arith.muli %add3A_9, %mul3A_18 : i32
      %add3A_20 = arith.addi %mul3A_19, %add3A_13 : i32
      %dma_start3A_21 = tpu.memref_slice %arg3[%add3A_20] : memref<4194304xf32, #tpu.memory_space<hbm>> -> memref<2048xf32, #tpu.memory_space<hbm>>
      %dma_start3A_22 = tpu.memref_slice %arg3[%add3A_20] : memref<4194304xf32, #tpu.memory_space<hbm>> -> memref<2048xf32, #tpu.memory_space<hbm>>
      tpu.enqueue_dma source(%dma_start3A_22 : memref<2048xf32, #tpu.memory_space<hbm>>) target(%arg10 : memref<2048xf32, #tpu.memory_space<vmem>>) target_semaphore(%arg30 : memref<!tpu.dma_semaphore, #tpu.memory_space<semaphore_mem>>)
      %scan3A_23 = arith.constant 0 : i32
      %scan3A_24 = arith.constant 4128 : i32
      %scan3A_25 = arith.addi %scan3A_23, %scan3A_24 : i32
      %scan3A_26 = arith.constant 1 : i32
      scf.for %scan3A_337 = %scan3A_23 to %scan3A_25 step %scan3A_26  : i32 {
        %mul3A_338 = arith.constant 16 : i32
        %mul3A_339 = arith.muli %scan3A_337, %mul3A_338 : i32
        %add3A_340 = arith.constant 0 : i32
        %add3A_341 = arith.addi %add3A_340, %mul3A_339 : i32
        %broadcast_in_dim3A = arith.constant 1.000000e+09 : f32
        %broadcast_in_dim3A_342 = vector.broadcast %broadcast_in_dim3A : f32 to vector<16xf32>
        %swap3A = arith.index_cast %add3A_341 : i32 to index
        %swap3A_343 = tpu.vector_load %arg8[%swap3A] {strides = array<i32>} : memref<66048xf32, #tpu.memory_space<vmem>>, vector<16xf32>,
        tpu.vector_store %arg8[%swap3A], %broadcast_in_dim3A_342 {strides = array<i32>} : memref<66048xf32, #tpu.memory_space<vmem>>, vector<16xf32>,
      }
      %scan3A_27 = arith.constant 4128 : i32
      %scan3A_28 = arith.constant 0 : i32
      %scan3A_29 = arith.constant 8 : i32
      %scan3A_30 = arith.addi %scan3A_28, %scan3A_29 : i32
      %scan3A_31 = arith.constant 1 : i32
      scf.for %scan3A_337 = %scan3A_28 to %scan3A_30 step %scan3A_31  : i32 {
        %mul3A_338 = arith.constant 2 : i32
        %mul3A_339 = arith.muli %scan3A_337, %mul3A_338 : i32
        %add3A_340 = arith.constant 0 : i32
        %add3A_341 = arith.addi %add3A_340, %mul3A_339 : i32
        %add3A_342 = arith.constant 1 : i32
        %add3A_343 = arith.addi %add3A_341, %add3A_342 : i32
        %mul3A_344 = arith.constant 32768 : i32
        %mul3A_345 = arith.muli %arg1, %mul3A_344 : i32
        %mul3A_346 = arith.constant 2048 : i32
        %mul3A_347 = arith.muli %add3A_343, %mul3A_346 : i32
        %add3A_348 = arith.addi %mul3A_345, %mul3A_347 : i32
        %mul3A_349 = arith.constant 524288 : i32
        %mul3A_350 = arith.muli %add3A_9, %mul3A_349 : i32
        %add3A_351 = arith.addi %mul3A_350, %add3A_348 : i32
        %dma_start3A_352 = tpu.memref_slice %arg2[%add3A_351] : memref<4194304xi32, #tpu.memory_space<hbm>> -> memref<2048xi32, #tpu.memory_space<hbm>>
        %dma_start3A_353 = tpu.memref_slice %arg2[%add3A_351] : memref<4194304xi32, #tpu.memory_space<hbm>> -> memref<2048xi32, #tpu.memory_space<hbm>>
        tpu.enqueue_dma source(%dma_start3A_353 : memref<2048xi32, #tpu.memory_space<hbm>>) target(%arg14 : memref<2048xi32, #tpu.memory_space<vmem>>) target_semaphore(%arg31 : memref<!tpu.dma_semaphore, #tpu.memory_space<semaphore_mem>>)
        %mul3A_354 = arith.constant 524288 : i32
        %mul3A_355 = arith.muli %add3A_9, %mul3A_354 : i32
        %add3A_356 = arith.addi %mul3A_355, %add3A_348 : i32
        %dma_start3A_357 = tpu.memref_slice %arg3[%add3A_356] : memref<4194304xf32, #tpu.memory_space<hbm>> -> memref<2048xf32, #tpu.memory_space<hbm>>
        %dma_start3A_358 = tpu.memref_slice %arg3[%add3A_356] : memref<4194304xf32, #tpu.memory_space<hbm>> -> memref<2048xf32, #tpu.memory_space<hbm>>
        tpu.enqueue_dma source(%dma_start3A_358 : memref<2048xf32, #tpu.memory_space<hbm>>) target(%arg15 : memref<2048xf32, #tpu.memory_space<vmem>>) target_semaphore(%arg31 : memref<!tpu.dma_semaphore, #tpu.memory_space<semaphore_mem>>)
        %mul3A_359 = arith.constant 32768 : i32
        %mul3A_360 = arith.muli %arg1, %mul3A_359 : i32
        %mul3A_361 = arith.constant 2048 : i32
        %mul3A_362 = arith.muli %add3A_341, %mul3A_361 : i32
        %add3A_363 = arith.addi %mul3A_360, %mul3A_362 : i32
        %mul3A_364 = arith.constant 524288 : i32
        %mul3A_365 = arith.muli %add3A_9, %mul3A_364 : i32
        %add3A_366 = arith.addi %mul3A_365, %add3A_363 : i32
        %dma_wait3A_367 = tpu.memref_slice %arg2[%add3A_366] : memref<4194304xi32, #tpu.memory_space<hbm>> -> memref<2048xi32, #tpu.memory_space<hbm>>
        %dma_wait3A_368 = tpu.memref_slice %arg2[%add3A_366] : memref<4194304xi32, #tpu.memory_space<hbm>> -> memref<2048xi32, #tpu.memory_space<hbm>>
        tpu.wait_dma2 semaphore(%arg30 : memref<!tpu.dma_semaphore, #tpu.memory_space<semaphore_mem>>) src(%dma_wait3A_368 : memref<2048xi32, #tpu.memory_space<hbm>>) dst(%arg9 : memref<2048xi32, #tpu.memory_space<vmem>>)
        %mul3A_369 = arith.constant 524288 : i32
        %mul3A_370 = arith.muli %add3A_9, %mul3A_369 : i32
        %add3A_371 = arith.addi %mul3A_370, %add3A_363 : i32
        %dma_wait3A_372 = tpu.memref_slice %arg3[%add3A_371] : memref<4194304xf32, #tpu.memory_space<hbm>> -> memref<2048xf32, #tpu.memory_space<hbm>>
        %dma_wait3A_373 = tpu.memref_slice %arg3[%add3A_371] : memref<4194304xf32, #tpu.memory_space<hbm>> -> memref<2048xf32, #tpu.memory_space<hbm>>
        tpu.wait_dma2 semaphore(%arg30 : memref<!tpu.dma_semaphore, #tpu.memory_space<semaphore_mem>>) src(%dma_wait3A_373 : memref<2048xf32, #tpu.memory_space<hbm>>) dst(%arg10 : memref<2048xf32, #tpu.memory_space<vmem>>)
        %scan3A_374 = arith.constant 0 : i32
        %scan3A_375 = arith.constant 128 : i32
        %scan3A_376 = arith.addi %scan3A_374, %scan3A_375 : i32
        %scan3A_377 = arith.constant 1 : i32
        scf.for %scan3A_406 = %scan3A_374 to %scan3A_376 step %scan3A_377  : i32 {
          %mul3A_407 = arith.constant 16 : i32
          %mul3A_408 = arith.muli %scan3A_406, %mul3A_407 : i32
          %add3A_409 = arith.constant 0 : i32
          %add3A_410 = arith.addi %add3A_409, %mul3A_408 : i32
          %get3A = arith.index_cast %add3A_410 : i32 to index
          %get3A_411 = tpu.vector_load %arg9[%get3A] {strides = array<i32>} : memref<2048xi32, #tpu.memory_space<vmem>>, vector<16xi32>,
          %get3A_412 = arith.index_cast %add3A_410 : i32 to index
          %get3A_413 = tpu.vector_load %arg10[%get3A_412] {strides = array<i32>} : memref<2048xf32, #tpu.memory_space<vmem>>, vector<16xf32>,
          %iota3A = tpu.iota {dimensions = array<i32: 0>} : vector<16xi32>
          %masked_sort3A = arith.constant dense<true> : vector<16xi1>
          %masked_sort3A_414 = arith.constant -2147483648 : i32
          %masked_sort3A_415 = vector.broadcast %masked_sort3A_414 : i32 to vector<16xi32>
          %masked_sort3A_416 = arith.xori %get3A_411, %masked_sort3A_415 : vector<16xi32>
          %masked_sort3A_417, %masked_sort3A_418, %masked_sort3A_419 = tpu.sort %masked_sort3A_416, %get3A_413 masked %masked_sort3A : (vector<16xi32>, vector<16xf32>, vector<16xi1>) -> (vector<16xi1>, vector<16xi32>, vector<16xf32>)
          %masked_sort3A_420 = arith.xori %masked_sort3A_418, %masked_sort3A_415 : vector<16xi32>
          %sub3A_421 = arith.constant 1 : i32
          %sub3A_422 = vector.broadcast %sub3A_421 : i32 to vector<16xi32>
          %sub3A_423 = arith.subi %iota3A, %sub3A_422 : vector<16xi32>
          %max3A = arith.constant 0 : i32
          %max3A_424 = vector.broadcast %max3A : i32 to vector<16xi32>
          %max3A_425 = arith.maxsi %sub3A_423, %max3A_424 : vector<16xi32>
          %broadcast_in_dim3A = vector.shape_cast %max3A_425 : vector<16xi32> to vector<16x1xi32>
          %gather3A = vector.shape_cast %broadcast_in_dim3A : vector<16x1xi32> to vector<16xi32>
          %gather3A_426 = tpu.dynamic_gather %masked_sort3A_420[%gather3A] in [0] : vector<16xi32>, vector<16xi32> -> vector<16xi32>
          %broadcast_in_dim3A_427 = vector.shape_cast %max3A_425 : vector<16xi32> to vector<16x1xi32>
          %gather3A_428 = vector.shape_cast %broadcast_in_dim3A_427 : vector<16x1xi32> to vector<16xi32>
          %gather3A_429 = tpu.dynamic_gather %masked_sort3A_419[%gather3A_428] in [0] : vector<16xf32>, vector<16xi32> -> vector<16xf32>
          %eq3A_430 = arith.cmpi eq, %gather3A_426, %masked_sort3A_420 : vector<16xi32>
          %ge3A = arith.constant 1 : i32
          %ge3A_431 = vector.broadcast %ge3A : i32 to vector<16xi32>
          %ge3A_432 = arith.cmpi sge, %iota3A, %ge3A_431 : vector<16xi32>
          %and3A_433 = arith.andi %eq3A_430, %ge3A_432 : vector<16xi1>
          %min3A = arith.minimumf %masked_sort3A_419, %gather3A_429 : vector<16xf32>
          %select_n3A_434 = arith.select %and3A_433, %min3A, %masked_sort3A_419 : vector<16xi1>, vector<16xf32>
          %sub3A_435 = arith.constant 2 : i32
          %sub3A_436 = vector.broadcast %sub3A_435 : i32 to vector<16xi32>
          %sub3A_437 = arith.subi %iota3A, %sub3A_436 : vector<16xi32>
          %max3A_438 = arith.constant 0 : i32
          %max3A_439 = vector.broadcast %max3A_438 : i32 to vector<16xi32>
          %max3A_440 = arith.maxsi %sub3A_437, %max3A_439 : vector<16xi32>
          %broadcast_in_dim3A_441 = vector.shape_cast %max3A_440 : vector<16xi32> to vector<16x1xi32>
          %gather3A_442 = vector.shape_cast %broadcast_in_dim3A_441 : vector<16x1xi32> to vector<16xi32>
          %gather3A_443 = tpu.dynamic_gather %masked_sort3A_420[%gather3A_442] in [0] : vector<16xi32>, vector<16xi32> -> vector<16xi32>
          %broadcast_in_dim3A_444 = vector.shape_cast %max3A_440 : vector<16xi32> to vector<16x1xi32>
          %gather3A_445 = vector.shape_cast %broadcast_in_dim3A_444 : vector<16x1xi32> to vector<16xi32>
          %gather3A_446 = tpu.dynamic_gather %select_n3A_434[%gather3A_445] in [0] : vector<16xf32>, vector<16xi32> -> vector<16xf32>
          %eq3A_447 = arith.cmpi eq, %gather3A_443, %masked_sort3A_420 : vector<16xi32>
          %ge3A_448 = arith.constant 2 : i32
          %ge3A_449 = vector.broadcast %ge3A_448 : i32 to vector<16xi32>
          %ge3A_450 = arith.cmpi sge, %iota3A, %ge3A_449 : vector<16xi32>
          %and3A_451 = arith.andi %eq3A_447, %ge3A_450 : vector<16xi1>
          %min3A_452 = arith.minimumf %select_n3A_434, %gather3A_446 : vector<16xf32>
          %select_n3A_453 = arith.select %and3A_451, %min3A_452, %select_n3A_434 : vector<16xi1>, vector<16xf32>
          %sub3A_454 = arith.constant 4 : i32
          %sub3A_455 = vector.broadcast %sub3A_454 : i32 to vector<16xi32>
          %sub3A_456 = arith.subi %iota3A, %sub3A_455 : vector<16xi32>
          %max3A_457 = arith.constant 0 : i32
          %max3A_458 = vector.broadcast %max3A_457 : i32 to vector<16xi32>
          %max3A_459 = arith.maxsi %sub3A_456, %max3A_458 : vector<16xi32>
          %broadcast_in_dim3A_460 = vector.shape_cast %max3A_459 : vector<16xi32> to vector<16x1xi32>
          %gather3A_461 = vector.shape_cast %broadcast_in_dim3A_460 : vector<16x1xi32> to vector<16xi32>
          %gather3A_462 = tpu.dynamic_gather %masked_sort3A_420[%gather3A_461] in [0] : vector<16xi32>, vector<16xi32> -> vector<16xi32>
          %broadcast_in_dim3A_463 = vector.shape_cast %max3A_459 : vector<16xi32> to vector<16x1xi32>
          %gather3A_464 = vector.shape_cast %broadcast_in_dim3A_463 : vector<16x1xi32> to vector<16xi32>
          %gather3A_465 = tpu.dynamic_gather %select_n3A_453[%gather3A_464] in [0] : vector<16xf32>, vector<16xi32> -> vector<16xf32>
          %eq3A_466 = arith.cmpi eq, %gather3A_462, %masked_sort3A_420 : vector<16xi32>
          %ge3A_467 = arith.constant 4 : i32
          %ge3A_468 = vector.broadcast %ge3A_467 : i32 to vector<16xi32>
          %ge3A_469 = arith.cmpi sge, %iota3A, %ge3A_468 : vector<16xi32>
          %and3A_470 = arith.andi %eq3A_466, %ge3A_469 : vector<16xi1>
          %min3A_471 = arith.minimumf %select_n3A_453, %gather3A_465 : vector<16xf32>
          %select_n3A_472 = arith.select %and3A_470, %min3A_471, %select_n3A_453 : vector<16xi1>, vector<16xf32>
          %sub3A_473 = arith.constant 8 : i32
          %sub3A_474 = vector.broadcast %sub3A_473 : i32 to vector<16xi32>
          %sub3A_475 = arith.subi %iota3A, %sub3A_474 : vector<16xi32>
          %max3A_476 = arith.constant 0 : i32
          %max3A_477 = vector.broadcast %max3A_476 : i32 to vector<16xi32>
          %max3A_478 = arith.maxsi %sub3A_475, %max3A_477 : vector<16xi32>
          %broadcast_in_dim3A_479 = vector.shape_cast %max3A_478 : vector<16xi32> to vector<16x1xi32>
          %gather3A_480 = vector.shape_cast %broadcast_in_dim3A_479 : vector<16x1xi32> to vector<16xi32>
          %gather3A_481 = tpu.dynamic_gather %masked_sort3A_420[%gather3A_480] in [0] : vector<16xi32>, vector<16xi32> -> vector<16xi32>
          %broadcast_in_dim3A_482 = vector.shape_cast %max3A_478 : vector<16xi32> to vector<16x1xi32>
          %gather3A_483 = vector.shape_cast %broadcast_in_dim3A_482 : vector<16x1xi32> to vector<16xi32>
          %gather3A_484 = tpu.dynamic_gather %select_n3A_472[%gather3A_483] in [0] : vector<16xf32>, vector<16xi32> -> vector<16xf32>
          %eq3A_485 = arith.cmpi eq, %gather3A_481, %masked_sort3A_420 : vector<16xi32>
          %ge3A_486 = arith.constant 8 : i32
          %ge3A_487 = vector.broadcast %ge3A_486 : i32 to vector<16xi32>
          %ge3A_488 = arith.cmpi sge, %iota3A, %ge3A_487 : vector<16xi32>
          %and3A_489 = arith.andi %eq3A_485, %ge3A_488 : vector<16xi1>
          %min3A_490 = arith.minimumf %select_n3A_472, %gather3A_484 : vector<16xf32>
          %select_n3A_491 = arith.select %and3A_489, %min3A_490, %select_n3A_472 : vector<16xi1>, vector<16xf32>
          %add3A_492 = arith.constant 1 : i32
          %add3A_493 = vector.broadcast %add3A_492 : i32 to vector<16xi32>
          %add3A_494 = arith.addi %iota3A, %add3A_493 : vector<16xi32>
          %min3A_495 = arith.constant 15 : i32
          %min3A_496 = vector.broadcast %min3A_495 : i32 to vector<16xi32>
          %min3A_497 = arith.minsi %add3A_494, %min3A_496 : vector<16xi32>
          %broadcast_in_dim3A_498 = vector.shape_cast %min3A_497 : vector<16xi32> to vector<16x1xi32>
          %gather3A_499 = vector.shape_cast %broadcast_in_dim3A_498 : vector<16x1xi32> to vector<16xi32>
          %gather3A_500 = tpu.dynamic_gather %masked_sort3A_420[%gather3A_499] in [0] : vector<16xi32>, vector<16xi32> -> vector<16xi32>
          %eq3A_501 = arith.constant 15 : i32
          %eq3A_502 = vector.broadcast %eq3A_501 : i32 to vector<16xi32>
          %eq3A_503 = arith.cmpi eq, %iota3A, %eq3A_502 : vector<16xi32>
          %ne3A_504 = arith.cmpi ne, %gather3A_500, %masked_sort3A_420 : vector<16xi32>
          %or3A = arith.ori %eq3A_503, %ne3A_504 : vector<16xi1>
          %gather3A_505 = tpu.vector_load_idx %arg8[%masked_sort3A_420] : memref<66048xf32, #tpu.memory_space<vmem>>[vector<16xi32>], vector<16xf32>,
          %min3A_506 = arith.minimumf %select_n3A_491, %gather3A_505 : vector<16xf32>
          tpu.vector_store_idx %arg8[%masked_sort3A_420], %min3A_506 masked %or3A : memref<66048xf32, #tpu.memory_space<vmem>>[vector<16xi32>], vector<16xf32>, vector<16xi1>
        }
        %scan3A_378 = arith.constant 128 : i32
        %add3A_379 = arith.constant 2 : i32
        %add3A_380 = arith.addi %add3A_341, %add3A_379 : i32
        %lt3A_381 = arith.constant 16 : i32
        %lt3A_382 = arith.cmpi slt, %add3A_380, %lt3A_381 : i32
        %convert_element_type3A = arith.extui %lt3A_382 : i1 to i32
        %cond3A = arith.constant 0 : i32
        %cond3A_383 = arith.cmpi ne, %convert_element_type3A, %cond3A : i32
        scf.if %cond3A_383 {
          %add3A_406 = arith.constant 2 : i32
          %add3A_407 = arith.addi %add3A_341, %add3A_406 : i32
          %mul3A_408 = arith.constant 32768 : i32
          %mul3A_409 = arith.muli %arg1, %mul3A_408 : i32
          %mul3A_410 = arith.constant 2048 : i32
          %mul3A_411 = arith.muli %add3A_407, %mul3A_410 : i32
          %add3A_412 = arith.addi %mul3A_409, %mul3A_411 : i32
          %mul3A_413 = arith.constant 524288 : i32
          %mul3A_414 = arith.muli %add3A_9, %mul3A_413 : i32
          %add3A_415 = arith.addi %mul3A_414, %add3A_412 : i32
          %dma_start3A_416 = tpu.memref_slice %arg2[%add3A_415] : memref<4194304xi32, #tpu.memory_space<hbm>> -> memref<2048xi32, #tpu.memory_space<hbm>>
          %dma_start3A_417 = tpu.memref_slice %arg2[%add3A_415] : memref<4194304xi32, #tpu.memory_space<hbm>> -> memref<2048xi32, #tpu.memory_space<hbm>>
          tpu.enqueue_dma source(%dma_start3A_417 : memref<2048xi32, #tpu.memory_space<hbm>>) target(%arg9 : memref<2048xi32, #tpu.memory_space<vmem>>) target_semaphore(%arg30 : memref<!tpu.dma_semaphore, #tpu.memory_space<semaphore_mem>>)
          %mul3A_418 = arith.constant 524288 : i32
          %mul3A_419 = arith.muli %add3A_9, %mul3A_418 : i32
          %add3A_420 = arith.addi %mul3A_419, %add3A_412 : i32
          %dma_start3A_421 = tpu.memref_slice %arg3[%add3A_420] : memref<4194304xf32, #tpu.memory_space<hbm>> -> memref<2048xf32, #tpu.memory_space<hbm>>
          %dma_start3A_422 = tpu.memref_slice %arg3[%add3A_420] : memref<4194304xf32, #tpu.memory_space<hbm>> -> memref<2048xf32, #tpu.memory_space<hbm>>
          tpu.enqueue_dma source(%dma_start3A_422 : memref<2048xf32, #tpu.memory_space<hbm>>) target(%arg10 : memref<2048xf32, #tpu.memory_space<vmem>>) target_semaphore(%arg30 : memref<!tpu.dma_semaphore, #tpu.memory_space<semaphore_mem>>)
        } else {
        }
        %add3A_384 = arith.constant 1 : i32
        %add3A_385 = arith.addi %add3A_341, %add3A_384 : i32
        %mul3A_386 = arith.constant 32768 : i32
        %mul3A_387 = arith.muli %arg1, %mul3A_386 : i32
        %mul3A_388 = arith.constant 2048 : i32
        %mul3A_389 = arith.muli %add3A_385, %mul3A_388 : i32
        %add3A_390 = arith.addi %mul3A_387, %mul3A_389 : i32
        %mul3A_391 = arith.constant 524288 : i32
        %mul3A_392 = arith.muli %add3A_9, %mul3A_391 : i32
        %add3A_393 = arith.addi %mul3A_392, %add3A_390 : i32
        %dma_wait3A_394 = tpu.memref_slice %arg2[%add3A_393] : memref<4194304xi32, #tpu.memory_space<hbm>> -> memref<2048xi32, #tpu.memory_space<hbm>>
        %dma_wait3A_395 = tpu.memref_slice %arg2[%add3A_393] : memref<4194304xi32, #tpu.memory_space<hbm>> -> memref<2048xi32, #tpu.memory_space<hbm>>
        tpu.wait_dma2 semaphore(%arg31 : memref<!tpu.dma_semaphore, #tpu.memory_space<semaphore_mem>>) src(%dma_wait3A_395 : memref<2048xi32, #tpu.memory_space<hbm>>) dst(%arg14 : memref<2048xi32, #tpu.memory_space<vmem>>)
        %mul3A_396 = arith.constant 524288 : i32
        %mul3A_397 = arith.muli %add3A_9, %mul3A_396 : i32
        %add3A_398 = arith.addi %mul3A_397, %add3A_390 : i32
        %dma_wait3A_399 = tpu.memref_slice %arg3[%add3A_398] : memref<4194304xf32, #tpu.memory_space<hbm>> -> memref<2048xf32, #tpu.memory_space<hbm>>
        %dma_wait3A_400 = tpu.memref_slice %arg3[%add3A_398] : memref<4194304xf32, #tpu.memory_space<hbm>> -> memref<2048xf32, #tpu.memory_space<hbm>>
        tpu.wait_dma2 semaphore(%arg31 : memref<!tpu.dma_semaphore, #tpu.memory_space<semaphore_mem>>) src(%dma_wait3A_400 : memref<2048xf32, #tpu.memory_space<hbm>>) dst(%arg15 : memref<2048xf32, #tpu.memory_space<vmem>>)
        %scan3A_401 = arith.constant 0 : i32
        %scan3A_402 = arith.constant 128 : i32
        %scan3A_403 = arith.addi %scan3A_401, %scan3A_402 : i32
        %scan3A_404 = arith.constant 1 : i32
        scf.for %scan3A_406 = %scan3A_401 to %scan3A_403 step %scan3A_404  : i32 {
          %mul3A_407 = arith.constant 16 : i32
          %mul3A_408 = arith.muli %scan3A_406, %mul3A_407 : i32
          %add3A_409 = arith.constant 0 : i32
          %add3A_410 = arith.addi %add3A_409, %mul3A_408 : i32
          %get3A = arith.index_cast %add3A_410 : i32 to index
          %get3A_411 = tpu.vector_load %arg14[%get3A] {strides = array<i32>} : memref<2048xi32, #tpu.memory_space<vmem>>, vector<16xi32>,
          %get3A_412 = arith.index_cast %add3A_410 : i32 to index
          %get3A_413 = tpu.vector_load %arg15[%get3A_412] {strides = array<i32>} : memref<2048xf32, #tpu.memory_space<vmem>>, vector<16xf32>,
          %iota3A = tpu.iota {dimensions = array<i32: 0>} : vector<16xi32>
          %masked_sort3A = arith.constant dense<true> : vector<16xi1>
          %masked_sort3A_414 = arith.constant -2147483648 : i32
          %masked_sort3A_415 = vector.broadcast %masked_sort3A_414 : i32 to vector<16xi32>
          %masked_sort3A_416 = arith.xori %get3A_411, %masked_sort3A_415 : vector<16xi32>
          %masked_sort3A_417, %masked_sort3A_418, %masked_sort3A_419 = tpu.sort %masked_sort3A_416, %get3A_413 masked %masked_sort3A : (vector<16xi32>, vector<16xf32>, vector<16xi1>) -> (vector<16xi1>, vector<16xi32>, vector<16xf32>)
          %masked_sort3A_420 = arith.xori %masked_sort3A_418, %masked_sort3A_415 : vector<16xi32>
          %sub3A_421 = arith.constant 1 : i32
          %sub3A_422 = vector.broadcast %sub3A_421 : i32 to vector<16xi32>
          %sub3A_423 = arith.subi %iota3A, %sub3A_422 : vector<16xi32>
          %max3A = arith.constant 0 : i32
          %max3A_424 = vector.broadcast %max3A : i32 to vector<16xi32>
          %max3A_425 = arith.maxsi %sub3A_423, %max3A_424 : vector<16xi32>
          %broadcast_in_dim3A = vector.shape_cast %max3A_425 : vector<16xi32> to vector<16x1xi32>
          %gather3A = vector.shape_cast %broadcast_in_dim3A : vector<16x1xi32> to vector<16xi32>
          %gather3A_426 = tpu.dynamic_gather %masked_sort3A_420[%gather3A] in [0] : vector<16xi32>, vector<16xi32> -> vector<16xi32>
          %broadcast_in_dim3A_427 = vector.shape_cast %max3A_425 : vector<16xi32> to vector<16x1xi32>
          %gather3A_428 = vector.shape_cast %broadcast_in_dim3A_427 : vector<16x1xi32> to vector<16xi32>
          %gather3A_429 = tpu.dynamic_gather %masked_sort3A_419[%gather3A_428] in [0] : vector<16xf32>, vector<16xi32> -> vector<16xf32>
          %eq3A_430 = arith.cmpi eq, %gather3A_426, %masked_sort3A_420 : vector<16xi32>
          %ge3A = arith.constant 1 : i32
          %ge3A_431 = vector.broadcast %ge3A : i32 to vector<16xi32>
          %ge3A_432 = arith.cmpi sge, %iota3A, %ge3A_431 : vector<16xi32>
          %and3A_433 = arith.andi %eq3A_430, %ge3A_432 : vector<16xi1>
          %min3A = arith.minimumf %masked_sort3A_419, %gather3A_429 : vector<16xf32>
          %select_n3A_434 = arith.select %and3A_433, %min3A, %masked_sort3A_419 : vector<16xi1>, vector<16xf32>
          %sub3A_435 = arith.constant 2 : i32
          %sub3A_436 = vector.broadcast %sub3A_435 : i32 to vector<16xi32>
          %sub3A_437 = arith.subi %iota3A, %sub3A_436 : vector<16xi32>
          %max3A_438 = arith.constant 0 : i32
          %max3A_439 = vector.broadcast %max3A_438 : i32 to vector<16xi32>
          %max3A_440 = arith.maxsi %sub3A_437, %max3A_439 : vector<16xi32>
          %broadcast_in_dim3A_441 = vector.shape_cast %max3A_440 : vector<16xi32> to vector<16x1xi32>
          %gather3A_442 = vector.shape_cast %broadcast_in_dim3A_441 : vector<16x1xi32> to vector<16xi32>
          %gather3A_443 = tpu.dynamic_gather %masked_sort3A_420[%gather3A_442] in [0] : vector<16xi32>, vector<16xi32> -> vector<16xi32>
          %broadcast_in_dim3A_444 = vector.shape_cast %max3A_440 : vector<16xi32> to vector<16x1xi32>
          %gather3A_445 = vector.shape_cast %broadcast_in_dim3A_444 : vector<16x1xi32> to vector<16xi32>
          %gather3A_446 = tpu.dynamic_gather %select_n3A_434[%gather3A_445] in [0] : vector<16xf32>, vector<16xi32> -> vector<16xf32>
          %eq3A_447 = arith.cmpi eq, %gather3A_443, %masked_sort3A_420 : vector<16xi32>
          %ge3A_448 = arith.constant 2 : i32
          %ge3A_449 = vector.broadcast %ge3A_448 : i32 to vector<16xi32>
          %ge3A_450 = arith.cmpi sge, %iota3A, %ge3A_449 : vector<16xi32>
          %and3A_451 = arith.andi %eq3A_447, %ge3A_450 : vector<16xi1>
          %min3A_452 = arith.minimumf %select_n3A_434, %gather3A_446 : vector<16xf32>
          %select_n3A_453 = arith.select %and3A_451, %min3A_452, %select_n3A_434 : vector<16xi1>, vector<16xf32>
          %sub3A_454 = arith.constant 4 : i32
          %sub3A_455 = vector.broadcast %sub3A_454 : i32 to vector<16xi32>
          %sub3A_456 = arith.subi %iota3A, %sub3A_455 : vector<16xi32>
          %max3A_457 = arith.constant 0 : i32
          %max3A_458 = vector.broadcast %max3A_457 : i32 to vector<16xi32>
          %max3A_459 = arith.maxsi %sub3A_456, %max3A_458 : vector<16xi32>
          %broadcast_in_dim3A_460 = vector.shape_cast %max3A_459 : vector<16xi32> to vector<16x1xi32>
          %gather3A_461 = vector.shape_cast %broadcast_in_dim3A_460 : vector<16x1xi32> to vector<16xi32>
          %gather3A_462 = tpu.dynamic_gather %masked_sort3A_420[%gather3A_461] in [0] : vector<16xi32>, vector<16xi32> -> vector<16xi32>
          %broadcast_in_dim3A_463 = vector.shape_cast %max3A_459 : vector<16xi32> to vector<16x1xi32>
          %gather3A_464 = vector.shape_cast %broadcast_in_dim3A_463 : vector<16x1xi32> to vector<16xi32>
          %gather3A_465 = tpu.dynamic_gather %select_n3A_453[%gather3A_464] in [0] : vector<16xf32>, vector<16xi32> -> vector<16xf32>
          %eq3A_466 = arith.cmpi eq, %gather3A_462, %masked_sort3A_420 : vector<16xi32>
          %ge3A_467 = arith.constant 4 : i32
          %ge3A_468 = vector.broadcast %ge3A_467 : i32 to vector<16xi32>
          %ge3A_469 = arith.cmpi sge, %iota3A, %ge3A_468 : vector<16xi32>
          %and3A_470 = arith.andi %eq3A_466, %ge3A_469 : vector<16xi1>
          %min3A_471 = arith.minimumf %select_n3A_453, %gather3A_465 : vector<16xf32>
          %select_n3A_472 = arith.select %and3A_470, %min3A_471, %select_n3A_453 : vector<16xi1>, vector<16xf32>
          %sub3A_473 = arith.constant 8 : i32
          %sub3A_474 = vector.broadcast %sub3A_473 : i32 to vector<16xi32>
          %sub3A_475 = arith.subi %iota3A, %sub3A_474 : vector<16xi32>
          %max3A_476 = arith.constant 0 : i32
          %max3A_477 = vector.broadcast %max3A_476 : i32 to vector<16xi32>
          %max3A_478 = arith.maxsi %sub3A_475, %max3A_477 : vector<16xi32>
          %broadcast_in_dim3A_479 = vector.shape_cast %max3A_478 : vector<16xi32> to vector<16x1xi32>
          %gather3A_480 = vector.shape_cast %broadcast_in_dim3A_479 : vector<16x1xi32> to vector<16xi32>
          %gather3A_481 = tpu.dynamic_gather %masked_sort3A_420[%gather3A_480] in [0] : vector<16xi32>, vector<16xi32> -> vector<16xi32>
          %broadcast_in_dim3A_482 = vector.shape_cast %max3A_478 : vector<16xi32> to vector<16x1xi32>
          %gather3A_483 = vector.shape_cast %broadcast_in_dim3A_482 : vector<16x1xi32> to vector<16xi32>
          %gather3A_484 = tpu.dynamic_gather %select_n3A_472[%gather3A_483] in [0] : vector<16xf32>, vector<16xi32> -> vector<16xf32>
          %eq3A_485 = arith.cmpi eq, %gather3A_481, %masked_sort3A_420 : vector<16xi32>
          %ge3A_486 = arith.constant 8 : i32
          %ge3A_487 = vector.broadcast %ge3A_486 : i32 to vector<16xi32>
          %ge3A_488 = arith.cmpi sge, %iota3A, %ge3A_487 : vector<16xi32>
          %and3A_489 = arith.andi %eq3A_485, %ge3A_488 : vector<16xi1>
          %min3A_490 = arith.minimumf %select_n3A_472, %gather3A_484 : vector<16xf32>
          %select_n3A_491 = arith.select %and3A_489, %min3A_490, %select_n3A_472 : vector<16xi1>, vector<16xf32>
          %add3A_492 = arith.constant 1 : i32
          %add3A_493 = vector.broadcast %add3A_492 : i32 to vector<16xi32>
          %add3A_494 = arith.addi %iota3A, %add3A_493 : vector<16xi32>
          %min3A_495 = arith.constant 15 : i32
          %min3A_496 = vector.broadcast %min3A_495 : i32 to vector<16xi32>
          %min3A_497 = arith.minsi %add3A_494, %min3A_496 : vector<16xi32>
          %broadcast_in_dim3A_498 = vector.shape_cast %min3A_497 : vector<16xi32> to vector<16x1xi32>
          %gather3A_499 = vector.shape_cast %broadcast_in_dim3A_498 : vector<16x1xi32> to vector<16xi32>
          %gather3A_500 = tpu.dynamic_gather %masked_sort3A_420[%gather3A_499] in [0] : vector<16xi32>, vector<16xi32> -> vector<16xi32>
          %eq3A_501 = arith.constant 15 : i32
          %eq3A_502 = vector.broadcast %eq3A_501 : i32 to vector<16xi32>
          %eq3A_503 = arith.cmpi eq, %iota3A, %eq3A_502 : vector<16xi32>
          %ne3A_504 = arith.cmpi ne, %gather3A_500, %masked_sort3A_420 : vector<16xi32>
          %or3A = arith.ori %eq3A_503, %ne3A_504 : vector<16xi1>
          %gather3A_505 = tpu.vector_load_idx %arg8[%masked_sort3A_420] : memref<66048xf32, #tpu.memory_space<vmem>>[vector<16xi32>], vector<16xf32>,
          %min3A_506 = arith.minimumf %select_n3A_491, %gather3A_505 : vector<16xf32>
          tpu.vector_store_idx %arg8[%masked_sort3A_420], %min3A_506 masked %or3A : memref<66048xf32, #tpu.memory_space<vmem>>[vector<16xi32>], vector<16xf32>, vector<16xi1>
        }
        %scan3A_405 = arith.constant 128 : i32
      }
      %scan3A_32 = arith.constant 8 : i32
      %mul3A_33 = arith.constant 4128 : i32
      %mul3A_34 = arith.muli %arg1, %mul3A_33 : i32
      %scan3A_35 = arith.constant 0 : i32
      %scan3A_36 = arith.constant 258 : i32
      %scan3A_37 = arith.addi %scan3A_35, %scan3A_36 : i32
      %scan3A_38 = arith.constant 1 : i32
      scf.for %scan3A_337 = %scan3A_35 to %scan3A_37 step %scan3A_38  : i32 {
        %mul3A_338 = arith.constant 16 : i32
        %mul3A_339 = arith.muli %scan3A_337, %mul3A_338 : i32
        %add3A_340 = arith.constant 0 : i32
        %add3A_341 = arith.addi %add3A_340, %mul3A_339 : i32
        %broadcast_in_dim3A = arith.constant 1.000000e+09 : f32
        %broadcast_in_dim3A_342 = vector.broadcast %broadcast_in_dim3A : f32 to vector<16xf32>
        %swap3A = arith.index_cast %add3A_341 : i32 to index
        %swap3A_343 = tpu.vector_load %arg21[%swap3A] {strides = array<i32>} : memref<4128xf32, #tpu.memory_space<vmem>>, vector<16xf32>,
        tpu.vector_store %arg21[%swap3A], %broadcast_in_dim3A_342 {strides = array<i32>} : memref<4128xf32, #tpu.memory_space<vmem>>, vector<16xf32>,
      }
      %scan3A_39 = arith.constant 258 : i32
      %scan3A_40 = arith.constant 0 : i32
      %scan3A_41 = arith.constant 8 : i32
      %scan3A_42 = arith.addi %scan3A_40, %scan3A_41 : i32
      %scan3A_43 = arith.constant 1 : i32
      scf.for %scan3A_337 = %scan3A_40 to %scan3A_42 step %scan3A_43  : i32 {
        %mul3A_338 = arith.constant 1 : i32
        %mul3A_339 = arith.muli %scan3A_337, %mul3A_338 : i32
        %add3A_340 = arith.constant 0 : i32
        %add3A_341 = arith.addi %add3A_340, %mul3A_339 : i32
        %jit3A_342 = arith.constant 2 : i32
        %div3A_343 = arith.divsi %arg1, %jit3A_342 : i32
        %sign3A_344 = arith.constant 0 : i32
        %sign3A_345 = arith.cmpi sgt, %arg1, %sign3A_344 : i32
        %sign3A_346 = arith.extui %sign3A_345 : i1 to i32
        %sign3A_347 = arith.constant 0 : i32
        %sign3A_348 = arith.cmpi slt, %arg1, %sign3A_347 : i32
        %sign3A_349 = arith.extui %sign3A_348 : i1 to i32
        %sign3A_350 = arith.subi %sign3A_346, %sign3A_349 : i32
        %sign3A_351 = arith.constant 0 : i32
        %sign3A_352 = arith.cmpi sgt, %jit3A_342, %sign3A_351 : i32
        %sign3A_353 = arith.extui %sign3A_352 : i1 to i32
        %sign3A_354 = arith.constant 0 : i32
        %sign3A_355 = arith.cmpi slt, %jit3A_342, %sign3A_354 : i32
        %sign3A_356 = arith.extui %sign3A_355 : i1 to i32
        %sign3A_357 = arith.subi %sign3A_353, %sign3A_356 : i32
        %ne3A_358 = arith.cmpi ne, %sign3A_350, %sign3A_357 : i32
        %rem3A_359 = arith.remsi %arg1, %jit3A_342 : i32
        %ne3A_360 = arith.constant 0 : i32
        %ne3A_361 = arith.cmpi ne, %rem3A_359, %ne3A_360 : i32
        %and3A_362 = arith.andi %ne3A_358, %ne3A_361 : i1
        %sub3A_363 = arith.constant 1 : i32
        %sub3A_364 = arith.subi %div3A_343, %sub3A_363 : i32
        %select_n3A_365 = arith.select %and3A_362, %sub3A_364, %div3A_343 : i32
        %eq3A_366 = arith.cmpi eq, %select_n3A_365, %add3A_341 : i32
        %convert_element_type3A = arith.extui %eq3A_366 : i1 to i32
        %cond3A = arith.constant 0 : i32
        %cond3A_367 = arith.cmpi ne, %convert_element_type3A, %cond3A : i32
        scf.if %cond3A_367 {
          %jit3A_387 = arith.constant 2 : i32
          %eq3A_388 = arith.constant 0 : i32
          %eq3A_389 = arith.cmpi eq, %jit3A_387, %eq3A_388 : i32
          %jit3A_390 = arith.constant 1 : i32
          %select_n3A_391 = arith.select %eq3A_389, %jit3A_390, %jit3A_387 : i32
          %rem3A_392 = arith.remsi %arg1, %select_n3A_391 : i32
          %ne3A_393 = arith.constant 0 : i32
          %ne3A_394 = arith.cmpi ne, %rem3A_392, %ne3A_393 : i32
          %lt3A_395 = arith.constant 0 : i32
          %lt3A_396 = arith.cmpi slt, %rem3A_392, %lt3A_395 : i32
          %lt3A_397 = arith.constant 0 : i32
          %lt3A_398 = arith.cmpi slt, %select_n3A_391, %lt3A_397 : i32
          %ne3A_399 = arith.xori %lt3A_396, %lt3A_398 : i1
          %and3A_400 = arith.andi %ne3A_399, %ne3A_394 : i1
          %add3A_401 = arith.addi %rem3A_392, %select_n3A_391 : i32
          %select_n3A_402 = arith.select %and3A_400, %add3A_401, %rem3A_392 : i32
          %mul3A_403 = arith.constant 66048 : i32
          %mul3A_404 = arith.muli %select_n3A_402, %mul3A_403 : i32
          "tpu.region"() ({
            %run_scoped3A = tpu.sem_alloc : memref<!tpu.dma_semaphore, #tpu.memory_space<semaphore_mem>>
            %dma_start3A_405 = tpu.memref_slice %arg24[%mul3A_404] : memref<132096xf32, #tpu.memory_space<vmem_shared>> -> memref<66048xf32, #tpu.memory_space<vmem_shared>>
            %dma_start3A_406 = tpu.memref_slice %arg24[%mul3A_404] : memref<132096xf32, #tpu.memory_space<vmem_shared>> -> memref<66048xf32, #tpu.memory_space<vmem_shared>>
            tpu.enqueue_dma source(%arg8 : memref<66048xf32, #tpu.memory_space<vmem>>) target(%dma_start3A_406 : memref<66048xf32, #tpu.memory_space<vmem_shared>>) target_semaphore(%run_scoped3A : memref<!tpu.dma_semaphore, #tpu.memory_space<semaphore_mem>>)
            %dma_wait3A_407 = tpu.memref_slice %arg24[%mul3A_404] : memref<132096xf32, #tpu.memory_space<vmem_shared>> -> memref<66048xf32, #tpu.memory_space<vmem_shared>>
            %dma_wait3A_408 = tpu.memref_slice %arg24[%mul3A_404] : memref<132096xf32, #tpu.memory_space<vmem_shared>> -> memref<66048xf32, #tpu.memory_space<vmem_shared>>
            tpu.wait_dma2 semaphore(%run_scoped3A : memref<!tpu.dma_semaphore, #tpu.memory_space<semaphore_mem>>) src(%arg8 : memref<66048xf32, #tpu.memory_space<vmem>>) dst(%dma_wait3A_408 : memref<66048xf32, #tpu.memory_space<vmem_shared>>)
            tpu.yield
          }) : () -> ()
        } else {
        }
        %barrier3A_368 = arith.constant 0 : index
        tpu.barrier barrier_id(%barrier3A_368)
        %add3A_369 = arith.constant 0 : i32
        %add3A_370 = arith.addi %add3A_369, %mul3A_34 : i32
        %dma_start3A_371 = tpu.memref_slice %arg24[%add3A_370] : memref<132096xf32, #tpu.memory_space<vmem_shared>> -> memref<4128xf32, #tpu.memory_space<vmem_shared>>
        %dma_start3A_372 = tpu.memref_slice %arg24[%add3A_370] : memref<132096xf32, #tpu.memory_space<vmem_shared>> -> memref<4128xf32, #tpu.memory_space<vmem_shared>>
        tpu.enqueue_dma source(%dma_start3A_372 : memref<4128xf32, #tpu.memory_space<vmem_shared>>) target(%arg22 : memref<4128xf32, #tpu.memory_space<vmem>>) target_semaphore(%arg29 : memref<!tpu.dma_semaphore, #tpu.memory_space<semaphore_mem>>)
        %add3A_373 = arith.constant 66048 : i32
        %add3A_374 = arith.addi %add3A_373, %mul3A_34 : i32
        %dma_start3A_375 = tpu.memref_slice %arg24[%add3A_374] : memref<132096xf32, #tpu.memory_space<vmem_shared>> -> memref<4128xf32, #tpu.memory_space<vmem_shared>>
        %dma_start3A_376 = tpu.memref_slice %arg24[%add3A_374] : memref<132096xf32, #tpu.memory_space<vmem_shared>> -> memref<4128xf32, #tpu.memory_space<vmem_shared>>
        tpu.enqueue_dma source(%dma_start3A_376 : memref<4128xf32, #tpu.memory_space<vmem_shared>>) target(%arg23 : memref<4128xf32, #tpu.memory_space<vmem>>) target_semaphore(%arg29 : memref<!tpu.dma_semaphore, #tpu.memory_space<semaphore_mem>>)
        %dma_wait3A_377 = tpu.memref_slice %arg24[%add3A_370] : memref<132096xf32, #tpu.memory_space<vmem_shared>> -> memref<4128xf32, #tpu.memory_space<vmem_shared>>
        %dma_wait3A_378 = tpu.memref_slice %arg24[%add3A_370] : memref<132096xf32, #tpu.memory_space<vmem_shared>> -> memref<4128xf32, #tpu.memory_space<vmem_shared>>
        tpu.wait_dma2 semaphore(%arg29 : memref<!tpu.dma_semaphore, #tpu.memory_space<semaphore_mem>>) src(%dma_wait3A_378 : memref<4128xf32, #tpu.memory_space<vmem_shared>>) dst(%arg22 : memref<4128xf32, #tpu.memory_space<vmem>>)
        %dma_wait3A_379 = tpu.memref_slice %arg24[%add3A_374] : memref<132096xf32, #tpu.memory_space<vmem_shared>> -> memref<4128xf32, #tpu.memory_space<vmem_shared>>
        %dma_wait3A_380 = tpu.memref_slice %arg24[%add3A_374] : memref<132096xf32, #tpu.memory_space<vmem_shared>> -> memref<4128xf32, #tpu.memory_space<vmem_shared>>
        tpu.wait_dma2 semaphore(%arg29 : memref<!tpu.dma_semaphore, #tpu.memory_space<semaphore_mem>>) src(%dma_wait3A_380 : memref<4128xf32, #tpu.memory_space<vmem_shared>>) dst(%arg23 : memref<4128xf32, #tpu.memory_space<vmem>>)
        %scan3A_381 = arith.constant 0 : i32
        %scan3A_382 = arith.constant 258 : i32
        %scan3A_383 = arith.addi %scan3A_381, %scan3A_382 : i32
        %scan3A_384 = arith.constant 1 : i32
        scf.for %scan3A_387 = %scan3A_381 to %scan3A_383 step %scan3A_384  : i32 {
          %mul3A_388 = arith.constant 16 : i32
          %mul3A_389 = arith.muli %scan3A_387, %mul3A_388 : i32
          %add3A_390 = arith.constant 0 : i32
          %add3A_391 = arith.addi %add3A_390, %mul3A_389 : i32
          %get3A = arith.index_cast %add3A_391 : i32 to index
          %get3A_392 = tpu.vector_load %arg21[%get3A] {strides = array<i32>} : memref<4128xf32, #tpu.memory_space<vmem>>, vector<16xf32>,
          %get3A_393 = arith.index_cast %add3A_391 : i32 to index
          %get3A_394 = tpu.vector_load %arg22[%get3A_393] {strides = array<i32>} : memref<4128xf32, #tpu.memory_space<vmem>>, vector<16xf32>,
          %get3A_395 = arith.index_cast %add3A_391 : i32 to index
          %get3A_396 = tpu.vector_load %arg23[%get3A_395] {strides = array<i32>} : memref<4128xf32, #tpu.memory_space<vmem>>, vector<16xf32>,
          %min3A = arith.minimumf %get3A_394, %get3A_396 : vector<16xf32>
          %min3A_397 = arith.minimumf %get3A_392, %min3A : vector<16xf32>
          %swap3A = arith.index_cast %add3A_391 : i32 to index
          %swap3A_398 = tpu.vector_load %arg21[%swap3A] {strides = array<i32>} : memref<4128xf32, #tpu.memory_space<vmem>>, vector<16xf32>,
          tpu.vector_store %arg21[%swap3A], %min3A_397 {strides = array<i32>} : memref<4128xf32, #tpu.memory_space<vmem>>, vector<16xf32>,
        }
        %scan3A_385 = arith.constant 258 : i32
        %barrier3A_386 = arith.constant 0 : index
        tpu.barrier barrier_id(%barrier3A_386)
      }
      %scan3A_44 = arith.constant 8 : i32
      "tpu.region"() ({
        %run_scoped3A = tpu.sem_alloc : memref<!tpu.dma_semaphore, #tpu.memory_space<semaphore_mem>>
        %dma_start3A_337 = tpu.memref_slice %arg24[%mul3A_34] : memref<132096xf32, #tpu.memory_space<vmem_shared>> -> memref<4128xf32, #tpu.memory_space<vmem_shared>>
        %dma_start3A_338 = tpu.memref_slice %arg24[%mul3A_34] : memref<132096xf32, #tpu.memory_space<vmem_shared>> -> memref<4128xf32, #tpu.memory_space<vmem_shared>>
        tpu.enqueue_dma source(%arg21 : memref<4128xf32, #tpu.memory_space<vmem>>) target(%dma_start3A_338 : memref<4128xf32, #tpu.memory_space<vmem_shared>>) target_semaphore(%run_scoped3A : memref<!tpu.dma_semaphore, #tpu.memory_space<semaphore_mem>>)
        %dma_wait3A_339 = tpu.memref_slice %arg24[%mul3A_34] : memref<132096xf32, #tpu.memory_space<vmem_shared>> -> memref<4128xf32, #tpu.memory_space<vmem_shared>>
        %dma_wait3A_340 = tpu.memref_slice %arg24[%mul3A_34] : memref<132096xf32, #tpu.memory_space<vmem_shared>> -> memref<4128xf32, #tpu.memory_space<vmem_shared>>
        tpu.wait_dma2 semaphore(%run_scoped3A : memref<!tpu.dma_semaphore, #tpu.memory_space<semaphore_mem>>) src(%arg21 : memref<4128xf32, #tpu.memory_space<vmem>>) dst(%dma_wait3A_340 : memref<4128xf32, #tpu.memory_space<vmem_shared>>)
        tpu.yield
      }) : () -> ()
      %barrier3A = arith.constant 0 : index
      tpu.barrier barrier_id(%barrier3A)
      "tpu.region"() ({
        %run_scoped3A = tpu.sem_alloc : memref<!tpu.dma_semaphore, #tpu.memory_space<semaphore_mem>>
        %dma_start3A_337 = arith.constant 0 : i32
        %dma_start3A_338 = tpu.memref_slice %arg24[%dma_start3A_337] : memref<132096xf32, #tpu.memory_space<vmem_shared>> -> memref<66048xf32, #tpu.memory_space<vmem_shared>>
        %dma_start3A_339 = arith.constant 0 : i32
        %dma_start3A_340 = tpu.memref_slice %arg24[%dma_start3A_339] : memref<132096xf32, #tpu.memory_space<vmem_shared>> -> memref<66048xf32, #tpu.memory_space<vmem_shared>>
        tpu.enqueue_dma source(%dma_start3A_340 : memref<66048xf32, #tpu.memory_space<vmem_shared>>) target(%arg8 : memref<66048xf32, #tpu.memory_space<vmem>>) target_semaphore(%run_scoped3A : memref<!tpu.dma_semaphore, #tpu.memory_space<semaphore_mem>>)
        %dma_wait3A_341 = arith.constant 0 : i32
        %dma_wait3A_342 = tpu.memref_slice %arg24[%dma_wait3A_341] : memref<132096xf32, #tpu.memory_space<vmem_shared>> -> memref<66048xf32, #tpu.memory_space<vmem_shared>>
        %dma_wait3A_343 = arith.constant 0 : i32
        %dma_wait3A_344 = tpu.memref_slice %arg24[%dma_wait3A_343] : memref<132096xf32, #tpu.memory_space<vmem_shared>> -> memref<66048xf32, #tpu.memory_space<vmem_shared>>
        tpu.wait_dma2 semaphore(%run_scoped3A : memref<!tpu.dma_semaphore, #tpu.memory_space<semaphore_mem>>) src(%dma_wait3A_344 : memref<66048xf32, #tpu.memory_space<vmem_shared>>) dst(%arg8 : memref<66048xf32, #tpu.memory_space<vmem>>)
        tpu.yield
      }) : () -> ()
      %scan3A_45 = arith.constant 0 : i32
      %scan3A_46 = arith.constant 128 : i32
      %scan3A_47 = arith.addi %scan3A_45, %scan3A_46 : i32
      %scan3A_48 = arith.constant 1 : i32
      scf.for %scan3A_337 = %scan3A_45 to %scan3A_47 step %scan3A_48  : i32 {
        %mul3A_338 = arith.constant 16 : i32
        %mul3A_339 = arith.muli %scan3A_337, %mul3A_338 : i32
        %add3A_340 = arith.constant 0 : i32
        %add3A_341 = arith.addi %add3A_340, %mul3A_339 : i32
        %broadcast_in_dim3A = arith.constant 0.000000e+00 : f32
        %broadcast_in_dim3A_342 = vector.broadcast %broadcast_in_dim3A : f32 to vector<16xf32>
        %swap3A = arith.index_cast %add3A_341 : i32 to index
        %swap3A_343 = tpu.vector_load %arg19[%swap3A] {strides = array<i32>} : memref<2048xf32, #tpu.memory_space<vmem>>, vector<16xf32>,
        tpu.vector_store %arg19[%swap3A], %broadcast_in_dim3A_342 {strides = array<i32>} : memref<2048xf32, #tpu.memory_space<vmem>>, vector<16xf32>,
      }
      %scan3A_49 = arith.constant 128 : i32
      %dma_start3A_50 = arith.constant 0 : i32
      %dma_start3A_51 = tpu.memref_slice %arg19[%dma_start3A_50] : memref<2048xf32, #tpu.memory_space<vmem>> -> memref<2048xf32, #tpu.memory_space<vmem>>
      %dma_start3A_52 = tpu.memref_slice %arg25[%mul3A_34] : memref<66048xf32, #tpu.memory_space<vmem_shared>> -> memref<2048xf32, #tpu.memory_space<vmem_shared>>
      %dma_start3A_53 = tpu.memref_slice %arg25[%mul3A_34] : memref<66048xf32, #tpu.memory_space<vmem_shared>> -> memref<2048xf32, #tpu.memory_space<vmem_shared>>
      %dma_start3A_54 = arith.constant 0 : i32
      %dma_start3A_55 = tpu.memref_slice %arg19[%dma_start3A_54] : memref<2048xf32, #tpu.memory_space<vmem>> -> memref<2048xf32, #tpu.memory_space<vmem>>
      tpu.enqueue_dma source(%dma_start3A_55 : memref<2048xf32, #tpu.memory_space<vmem>>) target(%dma_start3A_53 : memref<2048xf32, #tpu.memory_space<vmem_shared>>) target_semaphore(%arg29 : memref<!tpu.dma_semaphore, #tpu.memory_space<semaphore_mem>>)
      %add3A_56 = arith.constant 2048 : i32
      %add3A_57 = arith.addi %mul3A_34, %add3A_56 : i32
      %dma_start3A_58 = arith.constant 0 : i32
      %dma_start3A_59 = tpu.memref_slice %arg19[%dma_start3A_58] : memref<2048xf32, #tpu.memory_space<vmem>> -> memref<2048xf32, #tpu.memory_space<vmem>>
      %dma_start3A_60 = tpu.memref_slice %arg25[%add3A_57] : memref<66048xf32, #tpu.memory_space<vmem_shared>> -> memref<2048xf32, #tpu.memory_space<vmem_shared>>
      %dma_start3A_61 = tpu.memref_slice %arg25[%add3A_57] : memref<66048xf32, #tpu.memory_space<vmem_shared>> -> memref<2048xf32, #tpu.memory_space<vmem_shared>>
      %dma_start3A_62 = arith.constant 0 : i32
      %dma_start3A_63 = tpu.memref_slice %arg19[%dma_start3A_62] : memref<2048xf32, #tpu.memory_space<vmem>> -> memref<2048xf32, #tpu.memory_space<vmem>>
      tpu.enqueue_dma source(%dma_start3A_63 : memref<2048xf32, #tpu.memory_space<vmem>>) target(%dma_start3A_61 : memref<2048xf32, #tpu.memory_space<vmem_shared>>) target_semaphore(%arg29 : memref<!tpu.dma_semaphore, #tpu.memory_space<semaphore_mem>>)
      %add3A_64 = arith.constant 4096 : i32
      %add3A_65 = arith.addi %mul3A_34, %add3A_64 : i32
      %dma_start3A_66 = arith.constant 0 : i32
      %dma_start3A_67 = tpu.memref_slice %arg19[%dma_start3A_66] : memref<2048xf32, #tpu.memory_space<vmem>> -> memref<32xf32, #tpu.memory_space<vmem>>
      %dma_start3A_68 = tpu.memref_slice %arg25[%add3A_65] : memref<66048xf32, #tpu.memory_space<vmem_shared>> -> memref<32xf32, #tpu.memory_space<vmem_shared>>
      %dma_start3A_69 = tpu.memref_slice %arg25[%add3A_65] : memref<66048xf32, #tpu.memory_space<vmem_shared>> -> memref<32xf32, #tpu.memory_space<vmem_shared>>
      %dma_start3A_70 = arith.constant 0 : i32
      %dma_start3A_71 = tpu.memref_slice %arg19[%dma_start3A_70] : memref<2048xf32, #tpu.memory_space<vmem>> -> memref<32xf32, #tpu.memory_space<vmem>>
      tpu.enqueue_dma source(%dma_start3A_71 : memref<32xf32, #tpu.memory_space<vmem>>) target(%dma_start3A_69 : memref<32xf32, #tpu.memory_space<vmem_shared>>) target_semaphore(%arg29 : memref<!tpu.dma_semaphore, #tpu.memory_space<semaphore_mem>>)
      %dma_start3A_72 = arith.constant 0 : i32
      %dma_start3A_73 = tpu.memref_slice %arg19[%dma_start3A_72] : memref<2048xf32, #tpu.memory_space<vmem>> -> memref<2048xf32, #tpu.memory_space<vmem>>
      %dma_start3A_74 = tpu.memref_slice %arg26[%mul3A_34] : memref<66048xf32, #tpu.memory_space<vmem_shared>> -> memref<2048xf32, #tpu.memory_space<vmem_shared>>
      %dma_start3A_75 = tpu.memref_slice %arg26[%mul3A_34] : memref<66048xf32, #tpu.memory_space<vmem_shared>> -> memref<2048xf32, #tpu.memory_space<vmem_shared>>
      %dma_start3A_76 = arith.constant 0 : i32
      %dma_start3A_77 = tpu.memref_slice %arg19[%dma_start3A_76] : memref<2048xf32, #tpu.memory_space<vmem>> -> memref<2048xf32, #tpu.memory_space<vmem>>
      tpu.enqueue_dma source(%dma_start3A_77 : memref<2048xf32, #tpu.memory_space<vmem>>) target(%dma_start3A_75 : memref<2048xf32, #tpu.memory_space<vmem_shared>>) target_semaphore(%arg29 : memref<!tpu.dma_semaphore, #tpu.memory_space<semaphore_mem>>)
      %add3A_78 = arith.constant 2048 : i32
      %add3A_79 = arith.addi %mul3A_34, %add3A_78 : i32
      %dma_start3A_80 = arith.constant 0 : i32
      %dma_start3A_81 = tpu.memref_slice %arg19[%dma_start3A_80] : memref<2048xf32, #tpu.memory_space<vmem>> -> memref<2048xf32, #tpu.memory_space<vmem>>
      %dma_start3A_82 = tpu.memref_slice %arg26[%add3A_79] : memref<66048xf32, #tpu.memory_space<vmem_shared>> -> memref<2048xf32, #tpu.memory_space<vmem_shared>>
      %dma_start3A_83 = tpu.memref_slice %arg26[%add3A_79] : memref<66048xf32, #tpu.memory_space<vmem_shared>> -> memref<2048xf32, #tpu.memory_space<vmem_shared>>
      %dma_start3A_84 = arith.constant 0 : i32
      %dma_start3A_85 = tpu.memref_slice %arg19[%dma_start3A_84] : memref<2048xf32, #tpu.memory_space<vmem>> -> memref<2048xf32, #tpu.memory_space<vmem>>
      tpu.enqueue_dma source(%dma_start3A_85 : memref<2048xf32, #tpu.memory_space<vmem>>) target(%dma_start3A_83 : memref<2048xf32, #tpu.memory_space<vmem_shared>>) target_semaphore(%arg29 : memref<!tpu.dma_semaphore, #tpu.memory_space<semaphore_mem>>)
      %add3A_86 = arith.constant 4096 : i32
      %add3A_87 = arith.addi %mul3A_34, %add3A_86 : i32
      %dma_start3A_88 = arith.constant 0 : i32
      %dma_start3A_89 = tpu.memref_slice %arg19[%dma_start3A_88] : memref<2048xf32, #tpu.memory_space<vmem>> -> memref<32xf32, #tpu.memory_space<vmem>>
      %dma_start3A_90 = tpu.memref_slice %arg26[%add3A_87] : memref<66048xf32, #tpu.memory_space<vmem_shared>> -> memref<32xf32, #tpu.memory_space<vmem_shared>>
      %dma_start3A_91 = tpu.memref_slice %arg26[%add3A_87] : memref<66048xf32, #tpu.memory_space<vmem_shared>> -> memref<32xf32, #tpu.memory_space<vmem_shared>>
      %dma_start3A_92 = arith.constant 0 : i32
      %dma_start3A_93 = tpu.memref_slice %arg19[%dma_start3A_92] : memref<2048xf32, #tpu.memory_space<vmem>> -> memref<32xf32, #tpu.memory_space<vmem>>
      tpu.enqueue_dma source(%dma_start3A_93 : memref<32xf32, #tpu.memory_space<vmem>>) target(%dma_start3A_91 : memref<32xf32, #tpu.memory_space<vmem_shared>>) target_semaphore(%arg29 : memref<!tpu.dma_semaphore, #tpu.memory_space<semaphore_mem>>)
      %dma_start3A_94 = arith.constant 0 : i32
      %dma_start3A_95 = tpu.memref_slice %arg19[%dma_start3A_94] : memref<2048xf32, #tpu.memory_space<vmem>> -> memref<2048xf32, #tpu.memory_space<vmem>>
      %dma_start3A_96 = tpu.memref_slice %arg27[%mul3A_34] : memref<66048xf32, #tpu.memory_space<vmem_shared>> -> memref<2048xf32, #tpu.memory_space<vmem_shared>>
      %dma_start3A_97 = tpu.memref_slice %arg27[%mul3A_34] : memref<66048xf32, #tpu.memory_space<vmem_shared>> -> memref<2048xf32, #tpu.memory_space<vmem_shared>>
      %dma_start3A_98 = arith.constant 0 : i32
      %dma_start3A_99 = tpu.memref_slice %arg19[%dma_start3A_98] : memref<2048xf32, #tpu.memory_space<vmem>> -> memref<2048xf32, #tpu.memory_space<vmem>>
      tpu.enqueue_dma source(%dma_start3A_99 : memref<2048xf32, #tpu.memory_space<vmem>>) target(%dma_start3A_97 : memref<2048xf32, #tpu.memory_space<vmem_shared>>) target_semaphore(%arg29 : memref<!tpu.dma_semaphore, #tpu.memory_space<semaphore_mem>>)
      %add3A_100 = arith.constant 2048 : i32
      %add3A_101 = arith.addi %mul3A_34, %add3A_100 : i32
      %dma_start3A_102 = arith.constant 0 : i32
      %dma_start3A_103 = tpu.memref_slice %arg19[%dma_start3A_102] : memref<2048xf32, #tpu.memory_space<vmem>> -> memref<2048xf32, #tpu.memory_space<vmem>>
      %dma_start3A_104 = tpu.memref_slice %arg27[%add3A_101] : memref<66048xf32, #tpu.memory_space<vmem_shared>> -> memref<2048xf32, #tpu.memory_space<vmem_shared>>
      %dma_start3A_105 = tpu.memref_slice %arg27[%add3A_101] : memref<66048xf32, #tpu.memory_space<vmem_shared>> -> memref<2048xf32, #tpu.memory_space<vmem_shared>>
      %dma_start3A_106 = arith.constant 0 : i32
      %dma_start3A_107 = tpu.memref_slice %arg19[%dma_start3A_106] : memref<2048xf32, #tpu.memory_space<vmem>> -> memref<2048xf32, #tpu.memory_space<vmem>>
      tpu.enqueue_dma source(%dma_start3A_107 : memref<2048xf32, #tpu.memory_space<vmem>>) target(%dma_start3A_105 : memref<2048xf32, #tpu.memory_space<vmem_shared>>) target_semaphore(%arg29 : memref<!tpu.dma_semaphore, #tpu.memory_space<semaphore_mem>>)
      %add3A_108 = arith.constant 4096 : i32
      %add3A_109 = arith.addi %mul3A_34, %add3A_108 : i32
      %dma_start3A_110 = arith.constant 0 : i32
      %dma_start3A_111 = tpu.memref_slice %arg19[%dma_start3A_110] : memref<2048xf32, #tpu.memory_space<vmem>> -> memref<32xf32, #tpu.memory_space<vmem>>
      %dma_start3A_112 = tpu.memref_slice %arg27[%add3A_109] : memref<66048xf32, #tpu.memory_space<vmem_shared>> -> memref<32xf32, #tpu.memory_space<vmem_shared>>
      %dma_start3A_113 = tpu.memref_slice %arg27[%add3A_109] : memref<66048xf32, #tpu.memory_space<vmem_shared>> -> memref<32xf32, #tpu.memory_space<vmem_shared>>
      %dma_start3A_114 = arith.constant 0 : i32
      %dma_start3A_115 = tpu.memref_slice %arg19[%dma_start3A_114] : memref<2048xf32, #tpu.memory_space<vmem>> -> memref<32xf32, #tpu.memory_space<vmem>>
      tpu.enqueue_dma source(%dma_start3A_115 : memref<32xf32, #tpu.memory_space<vmem>>) target(%dma_start3A_113 : memref<32xf32, #tpu.memory_space<vmem_shared>>) target_semaphore(%arg29 : memref<!tpu.dma_semaphore, #tpu.memory_space<semaphore_mem>>)
      %dma_start3A_116 = arith.constant 0 : i32
      %dma_start3A_117 = tpu.memref_slice %arg19[%dma_start3A_116] : memref<2048xf32, #tpu.memory_space<vmem>> -> memref<2048xf32, #tpu.memory_space<vmem>>
      %dma_start3A_118 = tpu.memref_slice %arg28[%mul3A_34] : memref<66048xf32, #tpu.memory_space<vmem_shared>> -> memref<2048xf32, #tpu.memory_space<vmem_shared>>
      %dma_start3A_119 = tpu.memref_slice %arg28[%mul3A_34] : memref<66048xf32, #tpu.memory_space<vmem_shared>> -> memref<2048xf32, #tpu.memory_space<vmem_shared>>
      %dma_start3A_120 = arith.constant 0 : i32
      %dma_start3A_121 = tpu.memref_slice %arg19[%dma_start3A_120] : memref<2048xf32, #tpu.memory_space<vmem>> -> memref<2048xf32, #tpu.memory_space<vmem>>
      tpu.enqueue_dma source(%dma_start3A_121 : memref<2048xf32, #tpu.memory_space<vmem>>) target(%dma_start3A_119 : memref<2048xf32, #tpu.memory_space<vmem_shared>>) target_semaphore(%arg29 : memref<!tpu.dma_semaphore, #tpu.memory_space<semaphore_mem>>)
      %add3A_122 = arith.constant 2048 : i32
      %add3A_123 = arith.addi %mul3A_34, %add3A_122 : i32
      %dma_start3A_124 = arith.constant 0 : i32
      %dma_start3A_125 = tpu.memref_slice %arg19[%dma_start3A_124] : memref<2048xf32, #tpu.memory_space<vmem>> -> memref<2048xf32, #tpu.memory_space<vmem>>
      %dma_start3A_126 = tpu.memref_slice %arg28[%add3A_123] : memref<66048xf32, #tpu.memory_space<vmem_shared>> -> memref<2048xf32, #tpu.memory_space<vmem_shared>>
      %dma_start3A_127 = tpu.memref_slice %arg28[%add3A_123] : memref<66048xf32, #tpu.memory_space<vmem_shared>> -> memref<2048xf32, #tpu.memory_space<vmem_shared>>
      %dma_start3A_128 = arith.constant 0 : i32
      %dma_start3A_129 = tpu.memref_slice %arg19[%dma_start3A_128] : memref<2048xf32, #tpu.memory_space<vmem>> -> memref<2048xf32, #tpu.memory_space<vmem>>
      tpu.enqueue_dma source(%dma_start3A_129 : memref<2048xf32, #tpu.memory_space<vmem>>) target(%dma_start3A_127 : memref<2048xf32, #tpu.memory_space<vmem_shared>>) target_semaphore(%arg29 : memref<!tpu.dma_semaphore, #tpu.memory_space<semaphore_mem>>)
      %add3A_130 = arith.constant 4096 : i32
      %add3A_131 = arith.addi %mul3A_34, %add3A_130 : i32
      %dma_start3A_132 = arith.constant 0 : i32
      %dma_start3A_133 = tpu.memref_slice %arg19[%dma_start3A_132] : memref<2048xf32, #tpu.memory_space<vmem>> -> memref<32xf32, #tpu.memory_space<vmem>>
      %dma_start3A_134 = tpu.memref_slice %arg28[%add3A_131] : memref<66048xf32, #tpu.memory_space<vmem_shared>> -> memref<32xf32, #tpu.memory_space<vmem_shared>>
      %dma_start3A_135 = tpu.memref_slice %arg28[%add3A_131] : memref<66048xf32, #tpu.memory_space<vmem_shared>> -> memref<32xf32, #tpu.memory_space<vmem_shared>>
      %dma_start3A_136 = arith.constant 0 : i32
      %dma_start3A_137 = tpu.memref_slice %arg19[%dma_start3A_136] : memref<2048xf32, #tpu.memory_space<vmem>> -> memref<32xf32, #tpu.memory_space<vmem>>
      tpu.enqueue_dma source(%dma_start3A_137 : memref<32xf32, #tpu.memory_space<vmem>>) target(%dma_start3A_135 : memref<32xf32, #tpu.memory_space<vmem_shared>>) target_semaphore(%arg29 : memref<!tpu.dma_semaphore, #tpu.memory_space<semaphore_mem>>)
      %dma_wait3A = arith.constant 0 : i32
      %dma_wait3A_138 = tpu.memref_slice %arg19[%dma_wait3A] : memref<2048xf32, #tpu.memory_space<vmem>> -> memref<2048xf32, #tpu.memory_space<vmem>>
      %dma_wait3A_139 = tpu.memref_slice %arg25[%mul3A_34] : memref<66048xf32, #tpu.memory_space<vmem_shared>> -> memref<2048xf32, #tpu.memory_space<vmem_shared>>
      %dma_wait3A_140 = tpu.memref_slice %arg25[%mul3A_34] : memref<66048xf32, #tpu.memory_space<vmem_shared>> -> memref<2048xf32, #tpu.memory_space<vmem_shared>>
      %dma_wait3A_141 = arith.constant 0 : i32
      %dma_wait3A_142 = tpu.memref_slice %arg19[%dma_wait3A_141] : memref<2048xf32, #tpu.memory_space<vmem>> -> memref<2048xf32, #tpu.memory_space<vmem>>
      tpu.wait_dma2 semaphore(%arg29 : memref<!tpu.dma_semaphore, #tpu.memory_space<semaphore_mem>>) src(%dma_wait3A_142 : memref<2048xf32, #tpu.memory_space<vmem>>) dst(%dma_wait3A_140 : memref<2048xf32, #tpu.memory_space<vmem_shared>>)
      %dma_wait3A_143 = arith.constant 0 : i32
      %dma_wait3A_144 = tpu.memref_slice %arg19[%dma_wait3A_143] : memref<2048xf32, #tpu.memory_space<vmem>> -> memref<2048xf32, #tpu.memory_space<vmem>>
      %dma_wait3A_145 = tpu.memref_slice %arg25[%add3A_57] : memref<66048xf32, #tpu.memory_space<vmem_shared>> -> memref<2048xf32, #tpu.memory_space<vmem_shared>>
      %dma_wait3A_146 = tpu.memref_slice %arg25[%add3A_57] : memref<66048xf32, #tpu.memory_space<vmem_shared>> -> memref<2048xf32, #tpu.memory_space<vmem_shared>>
      %dma_wait3A_147 = arith.constant 0 : i32
      %dma_wait3A_148 = tpu.memref_slice %arg19[%dma_wait3A_147] : memref<2048xf32, #tpu.memory_space<vmem>> -> memref<2048xf32, #tpu.memory_space<vmem>>
      tpu.wait_dma2 semaphore(%arg29 : memref<!tpu.dma_semaphore, #tpu.memory_space<semaphore_mem>>) src(%dma_wait3A_148 : memref<2048xf32, #tpu.memory_space<vmem>>) dst(%dma_wait3A_146 : memref<2048xf32, #tpu.memory_space<vmem_shared>>)
      %dma_wait3A_149 = arith.constant 0 : i32
      %dma_wait3A_150 = tpu.memref_slice %arg19[%dma_wait3A_149] : memref<2048xf32, #tpu.memory_space<vmem>> -> memref<32xf32, #tpu.memory_space<vmem>>
      %dma_wait3A_151 = tpu.memref_slice %arg25[%add3A_65] : memref<66048xf32, #tpu.memory_space<vmem_shared>> -> memref<32xf32, #tpu.memory_space<vmem_shared>>
      %dma_wait3A_152 = tpu.memref_slice %arg25[%add3A_65] : memref<66048xf32, #tpu.memory_space<vmem_shared>> -> memref<32xf32, #tpu.memory_space<vmem_shared>>
      %dma_wait3A_153 = arith.constant 0 : i32
      %dma_wait3A_154 = tpu.memref_slice %arg19[%dma_wait3A_153] : memref<2048xf32, #tpu.memory_space<vmem>> -> memref<32xf32, #tpu.memory_space<vmem>>
      tpu.wait_dma2 semaphore(%arg29 : memref<!tpu.dma_semaphore, #tpu.memory_space<semaphore_mem>>) src(%dma_wait3A_154 : memref<32xf32, #tpu.memory_space<vmem>>) dst(%dma_wait3A_152 : memref<32xf32, #tpu.memory_space<vmem_shared>>)
      %dma_wait3A_155 = arith.constant 0 : i32
      %dma_wait3A_156 = tpu.memref_slice %arg19[%dma_wait3A_155] : memref<2048xf32, #tpu.memory_space<vmem>> -> memref<2048xf32, #tpu.memory_space<vmem>>
      %dma_wait3A_157 = tpu.memref_slice %arg26[%mul3A_34] : memref<66048xf32, #tpu.memory_space<vmem_shared>> -> memref<2048xf32, #tpu.memory_space<vmem_shared>>
      %dma_wait3A_158 = tpu.memref_slice %arg26[%mul3A_34] : memref<66048xf32, #tpu.memory_space<vmem_shared>> -> memref<2048xf32, #tpu.memory_space<vmem_shared>>
      %dma_wait3A_159 = arith.constant 0 : i32
      %dma_wait3A_160 = tpu.memref_slice %arg19[%dma_wait3A_159] : memref<2048xf32, #tpu.memory_space<vmem>> -> memref<2048xf32, #tpu.memory_space<vmem>>
      tpu.wait_dma2 semaphore(%arg29 : memref<!tpu.dma_semaphore, #tpu.memory_space<semaphore_mem>>) src(%dma_wait3A_160 : memref<2048xf32, #tpu.memory_space<vmem>>) dst(%dma_wait3A_158 : memref<2048xf32, #tpu.memory_space<vmem_shared>>)
      %dma_wait3A_161 = arith.constant 0 : i32
      %dma_wait3A_162 = tpu.memref_slice %arg19[%dma_wait3A_161] : memref<2048xf32, #tpu.memory_space<vmem>> -> memref<2048xf32, #tpu.memory_space<vmem>>
      %dma_wait3A_163 = tpu.memref_slice %arg26[%add3A_79] : memref<66048xf32, #tpu.memory_space<vmem_shared>> -> memref<2048xf32, #tpu.memory_space<vmem_shared>>
      %dma_wait3A_164 = tpu.memref_slice %arg26[%add3A_79] : memref<66048xf32, #tpu.memory_space<vmem_shared>> -> memref<2048xf32, #tpu.memory_space<vmem_shared>>
      %dma_wait3A_165 = arith.constant 0 : i32
      %dma_wait3A_166 = tpu.memref_slice %arg19[%dma_wait3A_165] : memref<2048xf32, #tpu.memory_space<vmem>> -> memref<2048xf32, #tpu.memory_space<vmem>>
      tpu.wait_dma2 semaphore(%arg29 : memref<!tpu.dma_semaphore, #tpu.memory_space<semaphore_mem>>) src(%dma_wait3A_166 : memref<2048xf32, #tpu.memory_space<vmem>>) dst(%dma_wait3A_164 : memref<2048xf32, #tpu.memory_space<vmem_shared>>)
      %dma_wait3A_167 = arith.constant 0 : i32
      %dma_wait3A_168 = tpu.memref_slice %arg19[%dma_wait3A_167] : memref<2048xf32, #tpu.memory_space<vmem>> -> memref<32xf32, #tpu.memory_space<vmem>>
      %dma_wait3A_169 = tpu.memref_slice %arg26[%add3A_87] : memref<66048xf32, #tpu.memory_space<vmem_shared>> -> memref<32xf32, #tpu.memory_space<vmem_shared>>
      %dma_wait3A_170 = tpu.memref_slice %arg26[%add3A_87] : memref<66048xf32, #tpu.memory_space<vmem_shared>> -> memref<32xf32, #tpu.memory_space<vmem_shared>>
      %dma_wait3A_171 = arith.constant 0 : i32
      %dma_wait3A_172 = tpu.memref_slice %arg19[%dma_wait3A_171] : memref<2048xf32, #tpu.memory_space<vmem>> -> memref<32xf32, #tpu.memory_space<vmem>>
      tpu.wait_dma2 semaphore(%arg29 : memref<!tpu.dma_semaphore, #tpu.memory_space<semaphore_mem>>) src(%dma_wait3A_172 : memref<32xf32, #tpu.memory_space<vmem>>) dst(%dma_wait3A_170 : memref<32xf32, #tpu.memory_space<vmem_shared>>)
      %dma_wait3A_173 = arith.constant 0 : i32
      %dma_wait3A_174 = tpu.memref_slice %arg19[%dma_wait3A_173] : memref<2048xf32, #tpu.memory_space<vmem>> -> memref<2048xf32, #tpu.memory_space<vmem>>
      %dma_wait3A_175 = tpu.memref_slice %arg27[%mul3A_34] : memref<66048xf32, #tpu.memory_space<vmem_shared>> -> memref<2048xf32, #tpu.memory_space<vmem_shared>>
      %dma_wait3A_176 = tpu.memref_slice %arg27[%mul3A_34] : memref<66048xf32, #tpu.memory_space<vmem_shared>> -> memref<2048xf32, #tpu.memory_space<vmem_shared>>
      %dma_wait3A_177 = arith.constant 0 : i32
      %dma_wait3A_178 = tpu.memref_slice %arg19[%dma_wait3A_177] : memref<2048xf32, #tpu.memory_space<vmem>> -> memref<2048xf32, #tpu.memory_space<vmem>>
      tpu.wait_dma2 semaphore(%arg29 : memref<!tpu.dma_semaphore, #tpu.memory_space<semaphore_mem>>) src(%dma_wait3A_178 : memref<2048xf32, #tpu.memory_space<vmem>>) dst(%dma_wait3A_176 : memref<2048xf32, #tpu.memory_space<vmem_shared>>)
      %dma_wait3A_179 = arith.constant 0 : i32
      %dma_wait3A_180 = tpu.memref_slice %arg19[%dma_wait3A_179] : memref<2048xf32, #tpu.memory_space<vmem>> -> memref<2048xf32, #tpu.memory_space<vmem>>
      %dma_wait3A_181 = tpu.memref_slice %arg27[%add3A_101] : memref<66048xf32, #tpu.memory_space<vmem_shared>> -> memref<2048xf32, #tpu.memory_space<vmem_shared>>
      %dma_wait3A_182 = tpu.memref_slice %arg27[%add3A_101] : memref<66048xf32, #tpu.memory_space<vmem_shared>> -> memref<2048xf32, #tpu.memory_space<vmem_shared>>
      %dma_wait3A_183 = arith.constant 0 : i32
      %dma_wait3A_184 = tpu.memref_slice %arg19[%dma_wait3A_183] : memref<2048xf32, #tpu.memory_space<vmem>> -> memref<2048xf32, #tpu.memory_space<vmem>>
      tpu.wait_dma2 semaphore(%arg29 : memref<!tpu.dma_semaphore, #tpu.memory_space<semaphore_mem>>) src(%dma_wait3A_184 : memref<2048xf32, #tpu.memory_space<vmem>>) dst(%dma_wait3A_182 : memref<2048xf32, #tpu.memory_space<vmem_shared>>)
      %dma_wait3A_185 = arith.constant 0 : i32
      %dma_wait3A_186 = tpu.memref_slice %arg19[%dma_wait3A_185] : memref<2048xf32, #tpu.memory_space<vmem>> -> memref<32xf32, #tpu.memory_space<vmem>>
      %dma_wait3A_187 = tpu.memref_slice %arg27[%add3A_109] : memref<66048xf32, #tpu.memory_space<vmem_shared>> -> memref<32xf32, #tpu.memory_space<vmem_shared>>
      %dma_wait3A_188 = tpu.memref_slice %arg27[%add3A_109] : memref<66048xf32, #tpu.memory_space<vmem_shared>> -> memref<32xf32, #tpu.memory_space<vmem_shared>>
      %dma_wait3A_189 = arith.constant 0 : i32
      %dma_wait3A_190 = tpu.memref_slice %arg19[%dma_wait3A_189] : memref<2048xf32, #tpu.memory_space<vmem>> -> memref<32xf32, #tpu.memory_space<vmem>>
      tpu.wait_dma2 semaphore(%arg29 : memref<!tpu.dma_semaphore, #tpu.memory_space<semaphore_mem>>) src(%dma_wait3A_190 : memref<32xf32, #tpu.memory_space<vmem>>) dst(%dma_wait3A_188 : memref<32xf32, #tpu.memory_space<vmem_shared>>)
      %dma_wait3A_191 = arith.constant 0 : i32
      %dma_wait3A_192 = tpu.memref_slice %arg19[%dma_wait3A_191] : memref<2048xf32, #tpu.memory_space<vmem>> -> memref<2048xf32, #tpu.memory_space<vmem>>
      %dma_wait3A_193 = tpu.memref_slice %arg28[%mul3A_34] : memref<66048xf32, #tpu.memory_space<vmem_shared>> -> memref<2048xf32, #tpu.memory_space<vmem_shared>>
      %dma_wait3A_194 = tpu.memref_slice %arg28[%mul3A_34] : memref<66048xf32, #tpu.memory_space<vmem_shared>> -> memref<2048xf32, #tpu.memory_space<vmem_shared>>
      %dma_wait3A_195 = arith.constant 0 : i32
      %dma_wait3A_196 = tpu.memref_slice %arg19[%dma_wait3A_195] : memref<2048xf32, #tpu.memory_space<vmem>> -> memref<2048xf32, #tpu.memory_space<vmem>>
      tpu.wait_dma2 semaphore(%arg29 : memref<!tpu.dma_semaphore, #tpu.memory_space<semaphore_mem>>) src(%dma_wait3A_196 : memref<2048xf32, #tpu.memory_space<vmem>>) dst(%dma_wait3A_194 : memref<2048xf32, #tpu.memory_space<vmem_shared>>)
      %dma_wait3A_197 = arith.constant 0 : i32
      %dma_wait3A_198 = tpu.memref_slice %arg19[%dma_wait3A_197] : memref<2048xf32, #tpu.memory_space<vmem>> -> memref<2048xf32, #tpu.memory_space<vmem>>
      %dma_wait3A_199 = tpu.memref_slice %arg28[%add3A_123] : memref<66048xf32, #tpu.memory_space<vmem_shared>> -> memref<2048xf32, #tpu.memory_space<vmem_shared>>
      %dma_wait3A_200 = tpu.memref_slice %arg28[%add3A_123] : memref<66048xf32, #tpu.memory_space<vmem_shared>> -> memref<2048xf32, #tpu.memory_space<vmem_shared>>
      %dma_wait3A_201 = arith.constant 0 : i32
      %dma_wait3A_202 = tpu.memref_slice %arg19[%dma_wait3A_201] : memref<2048xf32, #tpu.memory_space<vmem>> -> memref<2048xf32, #tpu.memory_space<vmem>>
      tpu.wait_dma2 semaphore(%arg29 : memref<!tpu.dma_semaphore, #tpu.memory_space<semaphore_mem>>) src(%dma_wait3A_202 : memref<2048xf32, #tpu.memory_space<vmem>>) dst(%dma_wait3A_200 : memref<2048xf32, #tpu.memory_space<vmem_shared>>)
      %dma_wait3A_203 = arith.constant 0 : i32
      %dma_wait3A_204 = tpu.memref_slice %arg19[%dma_wait3A_203] : memref<2048xf32, #tpu.memory_space<vmem>> -> memref<32xf32, #tpu.memory_space<vmem>>
      %dma_wait3A_205 = tpu.memref_slice %arg28[%add3A_131] : memref<66048xf32, #tpu.memory_space<vmem_shared>> -> memref<32xf32, #tpu.memory_space<vmem_shared>>
      %dma_wait3A_206 = tpu.memref_slice %arg28[%add3A_131] : memref<66048xf32, #tpu.memory_space<vmem_shared>> -> memref<32xf32, #tpu.memory_space<vmem_shared>>
      %dma_wait3A_207 = arith.constant 0 : i32
      %dma_wait3A_208 = tpu.memref_slice %arg19[%dma_wait3A_207] : memref<2048xf32, #tpu.memory_space<vmem>> -> memref<32xf32, #tpu.memory_space<vmem>>
      tpu.wait_dma2 semaphore(%arg29 : memref<!tpu.dma_semaphore, #tpu.memory_space<semaphore_mem>>) src(%dma_wait3A_208 : memref<32xf32, #tpu.memory_space<vmem>>) dst(%dma_wait3A_206 : memref<32xf32, #tpu.memory_space<vmem_shared>>)
      %barrier3A_209 = arith.constant 0 : index
      tpu.barrier barrier_id(%barrier3A_209)
      %mul3A_210 = arith.constant 32768 : i32
      %mul3A_211 = arith.muli %arg1, %mul3A_210 : i32
      %add3A_212 = arith.constant 0 : i32
      %add3A_213 = arith.addi %mul3A_211, %add3A_212 : i32
      %jit3A = arith.constant 65536 : i32
      %div3A = arith.divsi %add3A_213, %jit3A : i32
      %sign3A = arith.constant 0 : i32
      %sign3A_214 = arith.cmpi sgt, %add3A_213, %sign3A : i32
      %sign3A_215 = arith.extui %sign3A_214 : i1 to i32
      %sign3A_216 = arith.constant 0 : i32
      %sign3A_217 = arith.cmpi slt, %add3A_213, %sign3A_216 : i32
      %sign3A_218 = arith.extui %sign3A_217 : i1 to i32
      %sign3A_219 = arith.subi %sign3A_215, %sign3A_218 : i32
      %sign3A_220 = arith.constant 0 : i32
      %sign3A_221 = arith.cmpi sgt, %jit3A, %sign3A_220 : i32
      %sign3A_222 = arith.extui %sign3A_221 : i1 to i32
      %sign3A_223 = arith.constant 0 : i32
      %sign3A_224 = arith.cmpi slt, %jit3A, %sign3A_223 : i32
      %sign3A_225 = arith.extui %sign3A_224 : i1 to i32
      %sign3A_226 = arith.subi %sign3A_222, %sign3A_225 : i32
      %ne3A = arith.cmpi ne, %sign3A_219, %sign3A_226 : i32
      %rem3A = arith.remsi %add3A_213, %jit3A : i32
      %ne3A_227 = arith.constant 0 : i32
      %ne3A_228 = arith.cmpi ne, %rem3A, %ne3A_227 : i32
      %and3A = arith.andi %ne3A, %ne3A_228 : i1
      %sub3A = arith.constant 1 : i32
      %sub3A_229 = arith.subi %div3A, %sub3A : i32
      %select_n3A = arith.select %and3A, %sub3A_229, %div3A : i32
      %jit3A_230 = arith.constant 65536 : i32
      %eq3A = arith.constant 0 : i32
      %eq3A_231 = arith.cmpi eq, %jit3A_230, %eq3A : i32
      %jit3A_232 = arith.constant 1 : i32
      %select_n3A_233 = arith.select %eq3A_231, %jit3A_232, %jit3A_230 : i32
      %rem3A_234 = arith.remsi %add3A_213, %select_n3A_233 : i32
      %ne3A_235 = arith.constant 0 : i32
      %ne3A_236 = arith.cmpi ne, %rem3A_234, %ne3A_235 : i32
      %lt3A = arith.constant 0 : i32
      %lt3A_237 = arith.cmpi slt, %rem3A_234, %lt3A : i32
      %lt3A_238 = arith.constant 0 : i32
      %lt3A_239 = arith.cmpi slt, %select_n3A_233, %lt3A_238 : i32
      %ne3A_240 = arith.xori %lt3A_237, %lt3A_239 : i1
      %and3A_241 = arith.andi %ne3A_240, %ne3A_236 : i1
      %add3A_242 = arith.addi %rem3A_234, %select_n3A_233 : i32
      %select_n3A_243 = arith.select %and3A_241, %add3A_242, %rem3A_234 : i32
      %mul3A_244 = arith.constant 8 : i32
      %mul3A_245 = arith.muli %arg0, %mul3A_244 : i32
      %add3A_246 = arith.addi %mul3A_245, %select_n3A : i32
      %mul3A_247 = arith.constant 3 : i32
      %mul3A_248 = arith.muli %add3A_246, %mul3A_247 : i32
      %mul3A_249 = arith.constant 65536 : i32
      %mul3A_250 = arith.muli %mul3A_248, %mul3A_249 : i32
      %add3A_251 = arith.addi %mul3A_250, %select_n3A_243 : i32
      %mul3A_252 = arith.constant 524288 : i32
      %mul3A_253 = arith.muli %add3A_9, %mul3A_252 : i32
      %add3A_254 = arith.addi %mul3A_253, %add3A_213 : i32
      %mul3A_255 = arith.constant 524288 : i32
      %mul3A_256 = arith.muli %add3A_9, %mul3A_255 : i32
      %add3A_257 = arith.addi %mul3A_256, %add3A_213 : i32
      %add3A_258 = arith.constant 65536 : i32
      %add3A_259 = arith.addi %add3A_251, %add3A_258 : i32
      %add3A_260 = arith.constant 131072 : i32
      %add3A_261 = arith.addi %add3A_251, %add3A_260 : i32
      %dma_start3A_262 = tpu.memref_slice %arg2[%add3A_254] : memref<4194304xi32, #tpu.memory_space<hbm>> -> memref<2048xi32, #tpu.memory_space<hbm>>
      %dma_start3A_263 = tpu.memref_slice %arg2[%add3A_254] : memref<4194304xi32, #tpu.memory_space<hbm>> -> memref<2048xi32, #tpu.memory_space<hbm>>
      tpu.enqueue_dma source(%dma_start3A_263 : memref<2048xi32, #tpu.memory_space<hbm>>) target(%arg9 : memref<2048xi32, #tpu.memory_space<vmem>>) target_semaphore(%arg30 : memref<!tpu.dma_semaphore, #tpu.memory_space<semaphore_mem>>)
      %dma_start3A_264 = tpu.memref_slice %arg3[%add3A_257] : memref<4194304xf32, #tpu.memory_space<hbm>> -> memref<2048xf32, #tpu.memory_space<hbm>>
      %dma_start3A_265 = tpu.memref_slice %arg3[%add3A_257] : memref<4194304xf32, #tpu.memory_space<hbm>> -> memref<2048xf32, #tpu.memory_space<hbm>>
      tpu.enqueue_dma source(%dma_start3A_265 : memref<2048xf32, #tpu.memory_space<hbm>>) target(%arg10 : memref<2048xf32, #tpu.memory_space<vmem>>) target_semaphore(%arg30 : memref<!tpu.dma_semaphore, #tpu.memory_space<semaphore_mem>>)
      %dma_start3A_266 = tpu.memref_slice %arg4[%add3A_251] : memref<3145728xf32, #tpu.memory_space<hbm>> -> memref<2048xf32, #tpu.memory_space<hbm>>
      %dma_start3A_267 = tpu.memref_slice %arg4[%add3A_251] : memref<3145728xf32, #tpu.memory_space<hbm>> -> memref<2048xf32, #tpu.memory_space<hbm>>
      tpu.enqueue_dma source(%dma_start3A_267 : memref<2048xf32, #tpu.memory_space<hbm>>) target(%arg11 : memref<2048xf32, #tpu.memory_space<vmem>>) target_semaphore(%arg30 : memref<!tpu.dma_semaphore, #tpu.memory_space<semaphore_mem>>)
      %dma_start3A_268 = tpu.memref_slice %arg4[%add3A_259] : memref<3145728xf32, #tpu.memory_space<hbm>> -> memref<2048xf32, #tpu.memory_space<hbm>>
      %dma_start3A_269 = tpu.memref_slice %arg4[%add3A_259] : memref<3145728xf32, #tpu.memory_space<hbm>> -> memref<2048xf32, #tpu.memory_space<hbm>>
      tpu.enqueue_dma source(%dma_start3A_269 : memref<2048xf32, #tpu.memory_space<hbm>>) target(%arg12 : memref<2048xf32, #tpu.memory_space<vmem>>) target_semaphore(%arg30 : memref<!tpu.dma_semaphore, #tpu.memory_space<semaphore_mem>>)
      %dma_start3A_270 = tpu.memref_slice %arg4[%add3A_261] : memref<3145728xf32, #tpu.memory_space<hbm>> -> memref<2048xf32, #tpu.memory_space<hbm>>
      %dma_start3A_271 = tpu.memref_slice %arg4[%add3A_261] : memref<3145728xf32, #tpu.memory_space<hbm>> -> memref<2048xf32, #tpu.memory_space<hbm>>
      tpu.enqueue_dma source(%dma_start3A_271 : memref<2048xf32, #tpu.memory_space<hbm>>) target(%arg13 : memref<2048xf32, #tpu.memory_space<vmem>>) target_semaphore(%arg30 : memref<!tpu.dma_semaphore, #tpu.memory_space<semaphore_mem>>)
      %scan3A_272 = arith.constant 0 : i32
      %scan3A_273 = arith.constant 8 : i32
      %scan3A_274 = arith.addi %scan3A_272, %scan3A_273 : i32
      %scan3A_275 = arith.constant 1 : i32
      scf.for %scan3A_337 = %scan3A_272 to %scan3A_274 step %scan3A_275  : i32 {
        %mul3A_338 = arith.constant 2 : i32
        %mul3A_339 = arith.muli %scan3A_337, %mul3A_338 : i32
        %add3A_340 = arith.constant 0 : i32
        %add3A_341 = arith.addi %add3A_340, %mul3A_339 : i32
        %add3A_342 = arith.constant 1 : i32
        %add3A_343 = arith.addi %add3A_341, %add3A_342 : i32
        %mul3A_344 = arith.constant 32768 : i32
        %mul3A_345 = arith.muli %arg1, %mul3A_344 : i32
        %mul3A_346 = arith.constant 2048 : i32
        %mul3A_347 = arith.muli %add3A_343, %mul3A_346 : i32
        %add3A_348 = arith.addi %mul3A_345, %mul3A_347 : i32
        %jit3A_349 = arith.constant 65536 : i32
        %div3A_350 = arith.divsi %add3A_348, %jit3A_349 : i32
        %sign3A_351 = arith.constant 0 : i32
        %sign3A_352 = arith.cmpi sgt, %add3A_348, %sign3A_351 : i32
        %sign3A_353 = arith.extui %sign3A_352 : i1 to i32
        %sign3A_354 = arith.constant 0 : i32
        %sign3A_355 = arith.cmpi slt, %add3A_348, %sign3A_354 : i32
        %sign3A_356 = arith.extui %sign3A_355 : i1 to i32
        %sign3A_357 = arith.subi %sign3A_353, %sign3A_356 : i32
        %sign3A_358 = arith.constant 0 : i32
        %sign3A_359 = arith.cmpi sgt, %jit3A_349, %sign3A_358 : i32
        %sign3A_360 = arith.extui %sign3A_359 : i1 to i32
        %sign3A_361 = arith.constant 0 : i32
        %sign3A_362 = arith.cmpi slt, %jit3A_349, %sign3A_361 : i32
        %sign3A_363 = arith.extui %sign3A_362 : i1 to i32
        %sign3A_364 = arith.subi %sign3A_360, %sign3A_363 : i32
        %ne3A_365 = arith.cmpi ne, %sign3A_357, %sign3A_364 : i32
        %rem3A_366 = arith.remsi %add3A_348, %jit3A_349 : i32
        %ne3A_367 = arith.constant 0 : i32
        %ne3A_368 = arith.cmpi ne, %rem3A_366, %ne3A_367 : i32
        %and3A_369 = arith.andi %ne3A_365, %ne3A_368 : i1
        %sub3A_370 = arith.constant 1 : i32
        %sub3A_371 = arith.subi %div3A_350, %sub3A_370 : i32
        %select_n3A_372 = arith.select %and3A_369, %sub3A_371, %div3A_350 : i32
        %jit3A_373 = arith.constant 65536 : i32
        %eq3A_374 = arith.constant 0 : i32
        %eq3A_375 = arith.cmpi eq, %jit3A_373, %eq3A_374 : i32
        %jit3A_376 = arith.constant 1 : i32
        %select_n3A_377 = arith.select %eq3A_375, %jit3A_376, %jit3A_373 : i32
        %rem3A_378 = arith.remsi %add3A_348, %select_n3A_377 : i32
        %ne3A_379 = arith.constant 0 : i32
        %ne3A_380 = arith.cmpi ne, %rem3A_378, %ne3A_379 : i32
        %lt3A_381 = arith.constant 0 : i32
        %lt3A_382 = arith.cmpi slt, %rem3A_378, %lt3A_381 : i32
        %lt3A_383 = arith.constant 0 : i32
        %lt3A_384 = arith.cmpi slt, %select_n3A_377, %lt3A_383 : i32
        %ne3A_385 = arith.xori %lt3A_382, %lt3A_384 : i1
        %and3A_386 = arith.andi %ne3A_385, %ne3A_380 : i1
        %add3A_387 = arith.addi %rem3A_378, %select_n3A_377 : i32
        %select_n3A_388 = arith.select %and3A_386, %add3A_387, %rem3A_378 : i32
        %mul3A_389 = arith.constant 8 : i32
        %mul3A_390 = arith.muli %arg0, %mul3A_389 : i32
        %add3A_391 = arith.addi %mul3A_390, %select_n3A_372 : i32
        %mul3A_392 = arith.constant 3 : i32
        %mul3A_393 = arith.muli %add3A_391, %mul3A_392 : i32
        %mul3A_394 = arith.constant 65536 : i32
        %mul3A_395 = arith.muli %mul3A_393, %mul3A_394 : i32
        %add3A_396 = arith.addi %mul3A_395, %select_n3A_388 : i32
        %mul3A_397 = arith.constant 524288 : i32
        %mul3A_398 = arith.muli %add3A_9, %mul3A_397 : i32
        %add3A_399 = arith.addi %mul3A_398, %add3A_348 : i32
        %mul3A_400 = arith.constant 524288 : i32
        %mul3A_401 = arith.muli %add3A_9, %mul3A_400 : i32
        %add3A_402 = arith.addi %mul3A_401, %add3A_348 : i32
        %add3A_403 = arith.constant 65536 : i32
        %add3A_404 = arith.addi %add3A_396, %add3A_403 : i32
        %add3A_405 = arith.constant 131072 : i32
        %add3A_406 = arith.addi %add3A_396, %add3A_405 : i32
        %dma_start3A_407 = tpu.memref_slice %arg2[%add3A_399] : memref<4194304xi32, #tpu.memory_space<hbm>> -> memref<2048xi32, #tpu.memory_space<hbm>>
        %dma_start3A_408 = tpu.memref_slice %arg2[%add3A_399] : memref<4194304xi32, #tpu.memory_space<hbm>> -> memref<2048xi32, #tpu.memory_space<hbm>>
        tpu.enqueue_dma source(%dma_start3A_408 : memref<2048xi32, #tpu.memory_space<hbm>>) target(%arg14 : memref<2048xi32, #tpu.memory_space<vmem>>) target_semaphore(%arg31 : memref<!tpu.dma_semaphore, #tpu.memory_space<semaphore_mem>>)
        %dma_start3A_409 = tpu.memref_slice %arg3[%add3A_402] : memref<4194304xf32, #tpu.memory_space<hbm>> -> memref<2048xf32, #tpu.memory_space<hbm>>
        %dma_start3A_410 = tpu.memref_slice %arg3[%add3A_402] : memref<4194304xf32, #tpu.memory_space<hbm>> -> memref<2048xf32, #tpu.memory_space<hbm>>
        tpu.enqueue_dma source(%dma_start3A_410 : memref<2048xf32, #tpu.memory_space<hbm>>) target(%arg15 : memref<2048xf32, #tpu.memory_space<vmem>>) target_semaphore(%arg31 : memref<!tpu.dma_semaphore, #tpu.memory_space<semaphore_mem>>)
        %dma_start3A_411 = tpu.memref_slice %arg4[%add3A_396] : memref<3145728xf32, #tpu.memory_space<hbm>> -> memref<2048xf32, #tpu.memory_space<hbm>>
        %dma_start3A_412 = tpu.memref_slice %arg4[%add3A_396] : memref<3145728xf32, #tpu.memory_space<hbm>> -> memref<2048xf32, #tpu.memory_space<hbm>>
        tpu.enqueue_dma source(%dma_start3A_412 : memref<2048xf32, #tpu.memory_space<hbm>>) target(%arg16 : memref<2048xf32, #tpu.memory_space<vmem>>) target_semaphore(%arg31 : memref<!tpu.dma_semaphore, #tpu.memory_space<semaphore_mem>>)
        %dma_start3A_413 = tpu.memref_slice %arg4[%add3A_404] : memref<3145728xf32, #tpu.memory_space<hbm>> -> memref<2048xf32, #tpu.memory_space<hbm>>
        %dma_start3A_414 = tpu.memref_slice %arg4[%add3A_404] : memref<3145728xf32, #tpu.memory_space<hbm>> -> memref<2048xf32, #tpu.memory_space<hbm>>
        tpu.enqueue_dma source(%dma_start3A_414 : memref<2048xf32, #tpu.memory_space<hbm>>) target(%arg17 : memref<2048xf32, #tpu.memory_space<vmem>>) target_semaphore(%arg31 : memref<!tpu.dma_semaphore, #tpu.memory_space<semaphore_mem>>)
        %dma_start3A_415 = tpu.memref_slice %arg4[%add3A_406] : memref<3145728xf32, #tpu.memory_space<hbm>> -> memref<2048xf32, #tpu.memory_space<hbm>>
        %dma_start3A_416 = tpu.memref_slice %arg4[%add3A_406] : memref<3145728xf32, #tpu.memory_space<hbm>> -> memref<2048xf32, #tpu.memory_space<hbm>>
        tpu.enqueue_dma source(%dma_start3A_416 : memref<2048xf32, #tpu.memory_space<hbm>>) target(%arg18 : memref<2048xf32, #tpu.memory_space<vmem>>) target_semaphore(%arg31 : memref<!tpu.dma_semaphore, #tpu.memory_space<semaphore_mem>>)
        %mul3A_417 = arith.constant 32768 : i32
        %mul3A_418 = arith.muli %arg1, %mul3A_417 : i32
        %mul3A_419 = arith.constant 2048 : i32
        %mul3A_420 = arith.muli %add3A_341, %mul3A_419 : i32
        %add3A_421 = arith.addi %mul3A_418, %mul3A_420 : i32
        %jit3A_422 = arith.constant 65536 : i32
        %div3A_423 = arith.divsi %add3A_421, %jit3A_422 : i32
        %sign3A_424 = arith.constant 0 : i32
        %sign3A_425 = arith.cmpi sgt, %add3A_421, %sign3A_424 : i32
        %sign3A_426 = arith.extui %sign3A_425 : i1 to i32
        %sign3A_427 = arith.constant 0 : i32
        %sign3A_428 = arith.cmpi slt, %add3A_421, %sign3A_427 : i32
        %sign3A_429 = arith.extui %sign3A_428 : i1 to i32
        %sign3A_430 = arith.subi %sign3A_426, %sign3A_429 : i32
        %sign3A_431 = arith.constant 0 : i32
        %sign3A_432 = arith.cmpi sgt, %jit3A_422, %sign3A_431 : i32
        %sign3A_433 = arith.extui %sign3A_432 : i1 to i32
        %sign3A_434 = arith.constant 0 : i32
        %sign3A_435 = arith.cmpi slt, %jit3A_422, %sign3A_434 : i32
        %sign3A_436 = arith.extui %sign3A_435 : i1 to i32
        %sign3A_437 = arith.subi %sign3A_433, %sign3A_436 : i32
        %ne3A_438 = arith.cmpi ne, %sign3A_430, %sign3A_437 : i32
        %rem3A_439 = arith.remsi %add3A_421, %jit3A_422 : i32
        %ne3A_440 = arith.constant 0 : i32
        %ne3A_441 = arith.cmpi ne, %rem3A_439, %ne3A_440 : i32
        %and3A_442 = arith.andi %ne3A_438, %ne3A_441 : i1
        %sub3A_443 = arith.constant 1 : i32
        %sub3A_444 = arith.subi %div3A_423, %sub3A_443 : i32
        %select_n3A_445 = arith.select %and3A_442, %sub3A_444, %div3A_423 : i32
        %jit3A_446 = arith.constant 65536 : i32
        %eq3A_447 = arith.constant 0 : i32
        %eq3A_448 = arith.cmpi eq, %jit3A_446, %eq3A_447 : i32
        %jit3A_449 = arith.constant 1 : i32
        %select_n3A_450 = arith.select %eq3A_448, %jit3A_449, %jit3A_446 : i32
        %rem3A_451 = arith.remsi %add3A_421, %select_n3A_450 : i32
        %ne3A_452 = arith.constant 0 : i32
        %ne3A_453 = arith.cmpi ne, %rem3A_451, %ne3A_452 : i32
        %lt3A_454 = arith.constant 0 : i32
        %lt3A_455 = arith.cmpi slt, %rem3A_451, %lt3A_454 : i32
        %lt3A_456 = arith.constant 0 : i32
        %lt3A_457 = arith.cmpi slt, %select_n3A_450, %lt3A_456 : i32
        %ne3A_458 = arith.xori %lt3A_455, %lt3A_457 : i1
        %and3A_459 = arith.andi %ne3A_458, %ne3A_453 : i1
        %add3A_460 = arith.addi %rem3A_451, %select_n3A_450 : i32
        %select_n3A_461 = arith.select %and3A_459, %add3A_460, %rem3A_451 : i32
        %mul3A_462 = arith.constant 8 : i32
        %mul3A_463 = arith.muli %arg0, %mul3A_462 : i32
        %add3A_464 = arith.addi %mul3A_463, %select_n3A_445 : i32
        %mul3A_465 = arith.constant 3 : i32
        %mul3A_466 = arith.muli %add3A_464, %mul3A_465 : i32
        %mul3A_467 = arith.constant 65536 : i32
        %mul3A_468 = arith.muli %mul3A_466, %mul3A_467 : i32
        %add3A_469 = arith.addi %mul3A_468, %select_n3A_461 : i32
        %mul3A_470 = arith.constant 524288 : i32
        %mul3A_471 = arith.muli %add3A_9, %mul3A_470 : i32
        %add3A_472 = arith.addi %mul3A_471, %add3A_421 : i32
        %mul3A_473 = arith.constant 524288 : i32
        %mul3A_474 = arith.muli %add3A_9, %mul3A_473 : i32
        %add3A_475 = arith.addi %mul3A_474, %add3A_421 : i32
        %add3A_476 = arith.constant 65536 : i32
        %add3A_477 = arith.addi %add3A_469, %add3A_476 : i32
        %add3A_478 = arith.constant 131072 : i32
        %add3A_479 = arith.addi %add3A_469, %add3A_478 : i32
        %dma_wait3A_480 = tpu.memref_slice %arg2[%add3A_472] : memref<4194304xi32, #tpu.memory_space<hbm>> -> memref<2048xi32, #tpu.memory_space<hbm>>
        %dma_wait3A_481 = tpu.memref_slice %arg2[%add3A_472] : memref<4194304xi32, #tpu.memory_space<hbm>> -> memref<2048xi32, #tpu.memory_space<hbm>>
        tpu.wait_dma2 semaphore(%arg30 : memref<!tpu.dma_semaphore, #tpu.memory_space<semaphore_mem>>) src(%dma_wait3A_481 : memref<2048xi32, #tpu.memory_space<hbm>>) dst(%arg9 : memref<2048xi32, #tpu.memory_space<vmem>>)
        %dma_wait3A_482 = tpu.memref_slice %arg3[%add3A_475] : memref<4194304xf32, #tpu.memory_space<hbm>> -> memref<2048xf32, #tpu.memory_space<hbm>>
        %dma_wait3A_483 = tpu.memref_slice %arg3[%add3A_475] : memref<4194304xf32, #tpu.memory_space<hbm>> -> memref<2048xf32, #tpu.memory_space<hbm>>
        tpu.wait_dma2 semaphore(%arg30 : memref<!tpu.dma_semaphore, #tpu.memory_space<semaphore_mem>>) src(%dma_wait3A_483 : memref<2048xf32, #tpu.memory_space<hbm>>) dst(%arg10 : memref<2048xf32, #tpu.memory_space<vmem>>)
        %dma_wait3A_484 = tpu.memref_slice %arg4[%add3A_469] : memref<3145728xf32, #tpu.memory_space<hbm>> -> memref<2048xf32, #tpu.memory_space<hbm>>
        %dma_wait3A_485 = tpu.memref_slice %arg4[%add3A_469] : memref<3145728xf32, #tpu.memory_space<hbm>> -> memref<2048xf32, #tpu.memory_space<hbm>>
        tpu.wait_dma2 semaphore(%arg30 : memref<!tpu.dma_semaphore, #tpu.memory_space<semaphore_mem>>) src(%dma_wait3A_485 : memref<2048xf32, #tpu.memory_space<hbm>>) dst(%arg11 : memref<2048xf32, #tpu.memory_space<vmem>>)
        %dma_wait3A_486 = tpu.memref_slice %arg4[%add3A_477] : memref<3145728xf32, #tpu.memory_space<hbm>> -> memref<2048xf32, #tpu.memory_space<hbm>>
        %dma_wait3A_487 = tpu.memref_slice %arg4[%add3A_477] : memref<3145728xf32, #tpu.memory_space<hbm>> -> memref<2048xf32, #tpu.memory_space<hbm>>
        tpu.wait_dma2 semaphore(%arg30 : memref<!tpu.dma_semaphore, #tpu.memory_space<semaphore_mem>>) src(%dma_wait3A_487 : memref<2048xf32, #tpu.memory_space<hbm>>) dst(%arg12 : memref<2048xf32, #tpu.memory_space<vmem>>)
        %dma_wait3A_488 = tpu.memref_slice %arg4[%add3A_479] : memref<3145728xf32, #tpu.memory_space<hbm>> -> memref<2048xf32, #tpu.memory_space<hbm>>
        %dma_wait3A_489 = tpu.memref_slice %arg4[%add3A_479] : memref<3145728xf32, #tpu.memory_space<hbm>> -> memref<2048xf32, #tpu.memory_space<hbm>>
        tpu.wait_dma2 semaphore(%arg30 : memref<!tpu.dma_semaphore, #tpu.memory_space<semaphore_mem>>) src(%dma_wait3A_489 : memref<2048xf32, #tpu.memory_space<hbm>>) dst(%arg13 : memref<2048xf32, #tpu.memory_space<vmem>>)
        %scan3A_490 = arith.constant 0 : i32
        %scan3A_491 = arith.constant 128 : i32
        %scan3A_492 = arith.addi %scan3A_490, %scan3A_491 : i32
        %scan3A_493 = arith.constant 1 : i32
        scf.for %scan3A_612 = %scan3A_490 to %scan3A_492 step %scan3A_493  : i32 {
          %mul3A_613 = arith.constant 16 : i32
          %mul3A_614 = arith.muli %scan3A_612, %mul3A_613 : i32
          %add3A_615 = arith.constant 0 : i32
          %add3A_616 = arith.addi %add3A_615, %mul3A_614 : i32
          %get3A = arith.index_cast %add3A_616 : i32 to index
          %get3A_617 = tpu.vector_load %arg9[%get3A] {strides = array<i32>} : memref<2048xi32, #tpu.memory_space<vmem>>, vector<16xi32>,
          %get3A_618 = arith.index_cast %add3A_616 : i32 to index
          %get3A_619 = tpu.vector_load %arg10[%get3A_618] {strides = array<i32>} : memref<2048xf32, #tpu.memory_space<vmem>>, vector<16xf32>,
          %gather3A = tpu.vector_load_idx %arg8[%get3A_617] : memref<66048xf32, #tpu.memory_space<vmem>>[vector<16xi32>], vector<16xf32>,
          %mul3A_620 = arith.constant 1.000100e+00 : f32
          %mul3A_621 = vector.broadcast %mul3A_620 : f32 to vector<16xf32>
          %mul3A_622 = arith.mulf %gather3A, %mul3A_621 : vector<16xf32>
          %le3A = arith.cmpf ole, %get3A_619, %mul3A_622 : vector<16xf32>
          %jit3A_623 = arith.constant 1.000000e+00 : f32
          %jit3A_624 = arith.constant 0.000000e+00 : f32
          %broadcast_in_dim3A = vector.broadcast %jit3A_623 : f32 to vector<16xf32>
          %broadcast_in_dim3A_625 = vector.broadcast %jit3A_624 : f32 to vector<16xf32>
          %select_n3A_626 = arith.select %le3A, %broadcast_in_dim3A, %broadcast_in_dim3A_625 : vector<16xi1>, vector<16xf32>
          %get3A_627 = arith.index_cast %add3A_616 : i32 to index
          %get3A_628 = tpu.vector_load %arg11[%get3A_627] {strides = array<i32>} : memref<2048xf32, #tpu.memory_space<vmem>>, vector<16xf32>,
          %mul3A_629 = arith.mulf %get3A_628, %select_n3A_626 : vector<16xf32>
          %swap3A = arith.index_cast %add3A_616 : i32 to index
          %swap3A_630 = tpu.vector_load %arg11[%swap3A] {strides = array<i32>} : memref<2048xf32, #tpu.memory_space<vmem>>, vector<16xf32>,
          tpu.vector_store %arg11[%swap3A], %mul3A_629 {strides = array<i32>} : memref<2048xf32, #tpu.memory_space<vmem>>, vector<16xf32>,
          %get3A_631 = arith.index_cast %add3A_616 : i32 to index
          %get3A_632 = tpu.vector_load %arg12[%get3A_631] {strides = array<i32>} : memref<2048xf32, #tpu.memory_space<vmem>>, vector<16xf32>,
          %mul3A_633 = arith.mulf %get3A_632, %select_n3A_626 : vector<16xf32>
          %swap3A_634 = arith.index_cast %add3A_616 : i32 to index
          %swap3A_635 = tpu.vector_load %arg12[%swap3A_634] {strides = array<i32>} : memref<2048xf32, #tpu.memory_space<vmem>>, vector<16xf32>,
          tpu.vector_store %arg12[%swap3A_634], %mul3A_633 {strides = array<i32>} : memref<2048xf32, #tpu.memory_space<vmem>>, vector<16xf32>,
          %get3A_636 = arith.index_cast %add3A_616 : i32 to index
          %get3A_637 = tpu.vector_load %arg13[%get3A_636] {strides = array<i32>} : memref<2048xf32, #tpu.memory_space<vmem>>, vector<16xf32>,
          %mul3A_638 = arith.mulf %get3A_637, %select_n3A_626 : vector<16xf32>
          %swap3A_639 = arith.index_cast %add3A_616 : i32 to index
          %swap3A_640 = tpu.vector_load %arg13[%swap3A_639] {strides = array<i32>} : memref<2048xf32, #tpu.memory_space<vmem>>, vector<16xf32>,
          tpu.vector_store %arg13[%swap3A_639], %mul3A_638 {strides = array<i32>} : memref<2048xf32, #tpu.memory_space<vmem>>, vector<16xf32>,
          %swap3A_641 = arith.index_cast %add3A_616 : i32 to index
          %swap3A_642 = tpu.vector_load %arg19[%swap3A_641] {strides = array<i32>} : memref<2048xf32, #tpu.memory_space<vmem>>, vector<16xf32>,
          tpu.vector_store %arg19[%swap3A_641], %select_n3A_626 {strides = array<i32>} : memref<2048xf32, #tpu.memory_space<vmem>>, vector<16xf32>,
        }
        %scan3A_494 = arith.constant 128 : i32
        %dma_start3A_495 = arith.constant 0 : i32
        %dma_start3A_496 = tpu.memref_slice %arg25[%dma_start3A_495] : memref<66048xf32, #tpu.memory_space<vmem_shared>> -> memref<66048xf32, #tpu.memory_space<vmem_shared>>
        tpu.enqueue_indirect_dma source(%arg11 : memref<2048xf32, #tpu.memory_space<vmem>>) target(%dma_start3A_496 : memref<66048xf32, #tpu.memory_space<vmem_shared>>) offsets(%arg9 : memref<2048xi32, #tpu.memory_space<vmem>>) semaphore(%arg29 : memref<!tpu.dma_semaphore, #tpu.memory_space<semaphore_mem>>) {add = true}
        %dma_start3A_497 = arith.constant 0 : i32
        %dma_start3A_498 = tpu.memref_slice %arg26[%dma_start3A_497] : memref<66048xf32, #tpu.memory_space<vmem_shared>> -> memref<66048xf32, #tpu.memory_space<vmem_shared>>
        tpu.enqueue_indirect_dma source(%arg12 : memref<2048xf32, #tpu.memory_space<vmem>>) target(%dma_start3A_498 : memref<66048xf32, #tpu.memory_space<vmem_shared>>) offsets(%arg9 : memref<2048xi32, #tpu.memory_space<vmem>>) semaphore(%arg29 : memref<!tpu.dma_semaphore, #tpu.memory_space<semaphore_mem>>) {add = true}
        %dma_start3A_499 = arith.constant 0 : i32
        %dma_start3A_500 = tpu.memref_slice %arg27[%dma_start3A_499] : memref<66048xf32, #tpu.memory_space<vmem_shared>> -> memref<66048xf32, #tpu.memory_space<vmem_shared>>
        tpu.enqueue_indirect_dma source(%arg13 : memref<2048xf32, #tpu.memory_space<vmem>>) target(%dma_start3A_500 : memref<66048xf32, #tpu.memory_space<vmem_shared>>) offsets(%arg9 : memref<2048xi32, #tpu.memory_space<vmem>>) semaphore(%arg29 : memref<!tpu.dma_semaphore, #tpu.memory_space<semaphore_mem>>) {add = true}
        %dma_start3A_501 = arith.constant 0 : i32
        %dma_start3A_502 = tpu.memref_slice %arg28[%dma_start3A_501] : memref<66048xf32, #tpu.memory_space<vmem_shared>> -> memref<66048xf32, #tpu.memory_space<vmem_shared>>
        tpu.enqueue_indirect_dma source(%arg19 : memref<2048xf32, #tpu.memory_space<vmem>>) target(%dma_start3A_502 : memref<66048xf32, #tpu.memory_space<vmem_shared>>) offsets(%arg9 : memref<2048xi32, #tpu.memory_space<vmem>>) semaphore(%arg29 : memref<!tpu.dma_semaphore, #tpu.memory_space<semaphore_mem>>) {add = true}
        %dma_wait3A_503 = arith.constant 0 : i32
        %dma_wait3A_504 = tpu.memref_slice %arg25[%dma_wait3A_503] : memref<66048xf32, #tpu.memory_space<vmem_shared>> -> memref<66048xf32, #tpu.memory_space<vmem_shared>>
        tpu.wait_indirect_dma semaphore(%arg29 : memref<!tpu.dma_semaphore, #tpu.memory_space<semaphore_mem>>) src(%arg11 : memref<2048xf32, #tpu.memory_space<vmem>>) dst(%dma_wait3A_504 : memref<66048xf32, #tpu.memory_space<vmem_shared>>)
        %dma_wait3A_505 = arith.constant 0 : i32
        %dma_wait3A_506 = tpu.memref_slice %arg26[%dma_wait3A_505] : memref<66048xf32, #tpu.memory_space<vmem_shared>> -> memref<66048xf32, #tpu.memory_space<vmem_shared>>
        tpu.wait_indirect_dma semaphore(%arg29 : memref<!tpu.dma_semaphore, #tpu.memory_space<semaphore_mem>>) src(%arg12 : memref<2048xf32, #tpu.memory_space<vmem>>) dst(%dma_wait3A_506 : memref<66048xf32, #tpu.memory_space<vmem_shared>>)
        %dma_wait3A_507 = arith.constant 0 : i32
        %dma_wait3A_508 = tpu.memref_slice %arg27[%dma_wait3A_507] : memref<66048xf32, #tpu.memory_space<vmem_shared>> -> memref<66048xf32, #tpu.memory_space<vmem_shared>>
        tpu.wait_indirect_dma semaphore(%arg29 : memref<!tpu.dma_semaphore, #tpu.memory_space<semaphore_mem>>) src(%arg13 : memref<2048xf32, #tpu.memory_space<vmem>>) dst(%dma_wait3A_508 : memref<66048xf32, #tpu.memory_space<vmem_shared>>)
        %dma_wait3A_509 = arith.constant 0 : i32
        %dma_wait3A_510 = tpu.memref_slice %arg28[%dma_wait3A_509] : memref<66048xf32, #tpu.memory_space<vmem_shared>> -> memref<66048xf32, #tpu.memory_space<vmem_shared>>
        tpu.wait_indirect_dma semaphore(%arg29 : memref<!tpu.dma_semaphore, #tpu.memory_space<semaphore_mem>>) src(%arg19 : memref<2048xf32, #tpu.memory_space<vmem>>) dst(%dma_wait3A_510 : memref<66048xf32, #tpu.memory_space<vmem_shared>>)
        %add3A_511 = arith.constant 2 : i32
        %add3A_512 = arith.addi %add3A_341, %add3A_511 : i32
        %lt3A_513 = arith.constant 16 : i32
        %lt3A_514 = arith.cmpi slt, %add3A_512, %lt3A_513 : i32
        %convert_element_type3A = arith.extui %lt3A_514 : i1 to i32
        %cond3A = arith.constant 0 : i32
        %cond3A_515 = arith.cmpi ne, %convert_element_type3A, %cond3A : i32
        scf.if %cond3A_515 {
          %add3A_612 = arith.constant 2 : i32
          %add3A_613 = arith.addi %add3A_341, %add3A_612 : i32
          %mul3A_614 = arith.constant 32768 : i32
          %mul3A_615 = arith.muli %arg1, %mul3A_614 : i32
          %mul3A_616 = arith.constant 2048 : i32
          %mul3A_617 = arith.muli %add3A_613, %mul3A_616 : i32
          %add3A_618 = arith.addi %mul3A_615, %mul3A_617 : i32
          %jit3A_619 = arith.constant 65536 : i32
          %div3A_620 = arith.divsi %add3A_618, %jit3A_619 : i32
          %sign3A_621 = arith.constant 0 : i32
          %sign3A_622 = arith.cmpi sgt, %add3A_618, %sign3A_621 : i32
          %sign3A_623 = arith.extui %sign3A_622 : i1 to i32
          %sign3A_624 = arith.constant 0 : i32
          %sign3A_625 = arith.cmpi slt, %add3A_618, %sign3A_624 : i32
          %sign3A_626 = arith.extui %sign3A_625 : i1 to i32
          %sign3A_627 = arith.subi %sign3A_623, %sign3A_626 : i32
          %sign3A_628 = arith.constant 0 : i32
          %sign3A_629 = arith.cmpi sgt, %jit3A_619, %sign3A_628 : i32
          %sign3A_630 = arith.extui %sign3A_629 : i1 to i32
          %sign3A_631 = arith.constant 0 : i32
          %sign3A_632 = arith.cmpi slt, %jit3A_619, %sign3A_631 : i32
          %sign3A_633 = arith.extui %sign3A_632 : i1 to i32
          %sign3A_634 = arith.subi %sign3A_630, %sign3A_633 : i32
          %ne3A_635 = arith.cmpi ne, %sign3A_627, %sign3A_634 : i32
          %rem3A_636 = arith.remsi %add3A_618, %jit3A_619 : i32
          %ne3A_637 = arith.constant 0 : i32
          %ne3A_638 = arith.cmpi ne, %rem3A_636, %ne3A_637 : i32
          %and3A_639 = arith.andi %ne3A_635, %ne3A_638 : i1
          %sub3A_640 = arith.constant 1 : i32
          %sub3A_641 = arith.subi %div3A_620, %sub3A_640 : i32
          %select_n3A_642 = arith.select %and3A_639, %sub3A_641, %div3A_620 : i32
          %jit3A_643 = arith.constant 65536 : i32
          %eq3A_644 = arith.constant 0 : i32
          %eq3A_645 = arith.cmpi eq, %jit3A_643, %eq3A_644 : i32
          %jit3A_646 = arith.constant 1 : i32
          %select_n3A_647 = arith.select %eq3A_645, %jit3A_646, %jit3A_643 : i32
          %rem3A_648 = arith.remsi %add3A_618, %select_n3A_647 : i32
          %ne3A_649 = arith.constant 0 : i32
          %ne3A_650 = arith.cmpi ne, %rem3A_648, %ne3A_649 : i32
          %lt3A_651 = arith.constant 0 : i32
          %lt3A_652 = arith.cmpi slt, %rem3A_648, %lt3A_651 : i32
          %lt3A_653 = arith.constant 0 : i32
          %lt3A_654 = arith.cmpi slt, %select_n3A_647, %lt3A_653 : i32
          %ne3A_655 = arith.xori %lt3A_652, %lt3A_654 : i1
          %and3A_656 = arith.andi %ne3A_655, %ne3A_650 : i1
          %add3A_657 = arith.addi %rem3A_648, %select_n3A_647 : i32
          %select_n3A_658 = arith.select %and3A_656, %add3A_657, %rem3A_648 : i32
          %mul3A_659 = arith.constant 8 : i32
          %mul3A_660 = arith.muli %arg0, %mul3A_659 : i32
          %add3A_661 = arith.addi %mul3A_660, %select_n3A_642 : i32
          %mul3A_662 = arith.constant 3 : i32
          %mul3A_663 = arith.muli %add3A_661, %mul3A_662 : i32
          %mul3A_664 = arith.constant 65536 : i32
          %mul3A_665 = arith.muli %mul3A_663, %mul3A_664 : i32
          %add3A_666 = arith.addi %mul3A_665, %select_n3A_658 : i32
          %mul3A_667 = arith.constant 524288 : i32
          %mul3A_668 = arith.muli %add3A_9, %mul3A_667 : i32
          %add3A_669 = arith.addi %mul3A_668, %add3A_618 : i32
          %mul3A_670 = arith.constant 524288 : i32
          %mul3A_671 = arith.muli %add3A_9, %mul3A_670 : i32
          %add3A_672 = arith.addi %mul3A_671, %add3A_618 : i32
          %add3A_673 = arith.constant 65536 : i32
          %add3A_674 = arith.addi %add3A_666, %add3A_673 : i32
          %add3A_675 = arith.constant 131072 : i32
          %add3A_676 = arith.addi %add3A_666, %add3A_675 : i32
          %dma_start3A_677 = tpu.memref_slice %arg2[%add3A_669] : memref<4194304xi32, #tpu.memory_space<hbm>> -> memref<2048xi32, #tpu.memory_space<hbm>>
          %dma_start3A_678 = tpu.memref_slice %arg2[%add3A_669] : memref<4194304xi32, #tpu.memory_space<hbm>> -> memref<2048xi32, #tpu.memory_space<hbm>>
          tpu.enqueue_dma source(%dma_start3A_678 : memref<2048xi32, #tpu.memory_space<hbm>>) target(%arg9 : memref<2048xi32, #tpu.memory_space<vmem>>) target_semaphore(%arg30 : memref<!tpu.dma_semaphore, #tpu.memory_space<semaphore_mem>>)
          %dma_start3A_679 = tpu.memref_slice %arg3[%add3A_672] : memref<4194304xf32, #tpu.memory_space<hbm>> -> memref<2048xf32, #tpu.memory_space<hbm>>
          %dma_start3A_680 = tpu.memref_slice %arg3[%add3A_672] : memref<4194304xf32, #tpu.memory_space<hbm>> -> memref<2048xf32, #tpu.memory_space<hbm>>
          tpu.enqueue_dma source(%dma_start3A_680 : memref<2048xf32, #tpu.memory_space<hbm>>) target(%arg10 : memref<2048xf32, #tpu.memory_space<vmem>>) target_semaphore(%arg30 : memref<!tpu.dma_semaphore, #tpu.memory_space<semaphore_mem>>)
          %dma_start3A_681 = tpu.memref_slice %arg4[%add3A_666] : memref<3145728xf32, #tpu.memory_space<hbm>> -> memref<2048xf32, #tpu.memory_space<hbm>>
          %dma_start3A_682 = tpu.memref_slice %arg4[%add3A_666] : memref<3145728xf32, #tpu.memory_space<hbm>> -> memref<2048xf32, #tpu.memory_space<hbm>>
          tpu.enqueue_dma source(%dma_start3A_682 : memref<2048xf32, #tpu.memory_space<hbm>>) target(%arg11 : memref<2048xf32, #tpu.memory_space<vmem>>) target_semaphore(%arg30 : memref<!tpu.dma_semaphore, #tpu.memory_space<semaphore_mem>>)
          %dma_start3A_683 = tpu.memref_slice %arg4[%add3A_674] : memref<3145728xf32, #tpu.memory_space<hbm>> -> memref<2048xf32, #tpu.memory_space<hbm>>
          %dma_start3A_684 = tpu.memref_slice %arg4[%add3A_674] : memref<3145728xf32, #tpu.memory_space<hbm>> -> memref<2048xf32, #tpu.memory_space<hbm>>
          tpu.enqueue_dma source(%dma_start3A_684 : memref<2048xf32, #tpu.memory_space<hbm>>) target(%arg12 : memref<2048xf32, #tpu.memory_space<vmem>>) target_semaphore(%arg30 : memref<!tpu.dma_semaphore, #tpu.memory_space<semaphore_mem>>)
          %dma_start3A_685 = tpu.memref_slice %arg4[%add3A_676] : memref<3145728xf32, #tpu.memory_space<hbm>> -> memref<2048xf32, #tpu.memory_space<hbm>>
          %dma_start3A_686 = tpu.memref_slice %arg4[%add3A_676] : memref<3145728xf32, #tpu.memory_space<hbm>> -> memref<2048xf32, #tpu.memory_space<hbm>>
          tpu.enqueue_dma source(%dma_start3A_686 : memref<2048xf32, #tpu.memory_space<hbm>>) target(%arg13 : memref<2048xf32, #tpu.memory_space<vmem>>) target_semaphore(%arg30 : memref<!tpu.dma_semaphore, #tpu.memory_space<semaphore_mem>>)
        } else {
        }
        %add3A_516 = arith.constant 1 : i32
        %add3A_517 = arith.addi %add3A_341, %add3A_516 : i32
        %mul3A_518 = arith.constant 32768 : i32
        %mul3A_519 = arith.muli %arg1, %mul3A_518 : i32
        %mul3A_520 = arith.constant 2048 : i32
        %mul3A_521 = arith.muli %add3A_517, %mul3A_520 : i32
        %add3A_522 = arith.addi %mul3A_519, %mul3A_521 : i32
        %jit3A_523 = arith.constant 65536 : i32
        %div3A_524 = arith.divsi %add3A_522, %jit3A_523 : i32
        %sign3A_525 = arith.constant 0 : i32
        %sign3A_526 = arith.cmpi sgt, %add3A_522, %sign3A_525 : i32
        %sign3A_527 = arith.extui %sign3A_526 : i1 to i32
        %sign3A_528 = arith.constant 0 : i32
        %sign3A_529 = arith.cmpi slt, %add3A_522, %sign3A_528 : i32
        %sign3A_530 = arith.extui %sign3A_529 : i1 to i32
        %sign3A_531 = arith.subi %sign3A_527, %sign3A_530 : i32
        %sign3A_532 = arith.constant 0 : i32
        %sign3A_533 = arith.cmpi sgt, %jit3A_523, %sign3A_532 : i32
        %sign3A_534 = arith.extui %sign3A_533 : i1 to i32
        %sign3A_535 = arith.constant 0 : i32
        %sign3A_536 = arith.cmpi slt, %jit3A_523, %sign3A_535 : i32
        %sign3A_537 = arith.extui %sign3A_536 : i1 to i32
        %sign3A_538 = arith.subi %sign3A_534, %sign3A_537 : i32
        %ne3A_539 = arith.cmpi ne, %sign3A_531, %sign3A_538 : i32
        %rem3A_540 = arith.remsi %add3A_522, %jit3A_523 : i32
        %ne3A_541 = arith.constant 0 : i32
        %ne3A_542 = arith.cmpi ne, %rem3A_540, %ne3A_541 : i32
        %and3A_543 = arith.andi %ne3A_539, %ne3A_542 : i1
        %sub3A_544 = arith.constant 1 : i32
        %sub3A_545 = arith.subi %div3A_524, %sub3A_544 : i32
        %select_n3A_546 = arith.select %and3A_543, %sub3A_545, %div3A_524 : i32
        %jit3A_547 = arith.constant 65536 : i32
        %eq3A_548 = arith.constant 0 : i32
        %eq3A_549 = arith.cmpi eq, %jit3A_547, %eq3A_548 : i32
        %jit3A_550 = arith.constant 1 : i32
        %select_n3A_551 = arith.select %eq3A_549, %jit3A_550, %jit3A_547 : i32
        %rem3A_552 = arith.remsi %add3A_522, %select_n3A_551 : i32
        %ne3A_553 = arith.constant 0 : i32
        %ne3A_554 = arith.cmpi ne, %rem3A_552, %ne3A_553 : i32
        %lt3A_555 = arith.constant 0 : i32
        %lt3A_556 = arith.cmpi slt, %rem3A_552, %lt3A_555 : i32
        %lt3A_557 = arith.constant 0 : i32
        %lt3A_558 = arith.cmpi slt, %select_n3A_551, %lt3A_557 : i32
        %ne3A_559 = arith.xori %lt3A_556, %lt3A_558 : i1
        %and3A_560 = arith.andi %ne3A_559, %ne3A_554 : i1
        %add3A_561 = arith.addi %rem3A_552, %select_n3A_551 : i32
        %select_n3A_562 = arith.select %and3A_560, %add3A_561, %rem3A_552 : i32
        %mul3A_563 = arith.constant 8 : i32
        %mul3A_564 = arith.muli %arg0, %mul3A_563 : i32
        %add3A_565 = arith.addi %mul3A_564, %select_n3A_546 : i32
        %mul3A_566 = arith.constant 3 : i32
        %mul3A_567 = arith.muli %add3A_565, %mul3A_566 : i32
        %mul3A_568 = arith.constant 65536 : i32
        %mul3A_569 = arith.muli %mul3A_567, %mul3A_568 : i32
        %add3A_570 = arith.addi %mul3A_569, %select_n3A_562 : i32
        %mul3A_571 = arith.constant 524288 : i32
        %mul3A_572 = arith.muli %add3A_9, %mul3A_571 : i32
        %add3A_573 = arith.addi %mul3A_572, %add3A_522 : i32
        %mul3A_574 = arith.constant 524288 : i32
        %mul3A_575 = arith.muli %add3A_9, %mul3A_574 : i32
        %add3A_576 = arith.addi %mul3A_575, %add3A_522 : i32
        %add3A_577 = arith.constant 65536 : i32
        %add3A_578 = arith.addi %add3A_570, %add3A_577 : i32
        %add3A_579 = arith.constant 131072 : i32
        %add3A_580 = arith.addi %add3A_570, %add3A_579 : i32
        %dma_wait3A_581 = tpu.memref_slice %arg2[%add3A_573] : memref<4194304xi32, #tpu.memory_space<hbm>> -> memref<2048xi32, #tpu.memory_space<hbm>>
        %dma_wait3A_582 = tpu.memref_slice %arg2[%add3A_573] : memref<4194304xi32, #tpu.memory_space<hbm>> -> memref<2048xi32, #tpu.memory_space<hbm>>
        tpu.wait_dma2 semaphore(%arg31 : memref<!tpu.dma_semaphore, #tpu.memory_space<semaphore_mem>>) src(%dma_wait3A_582 : memref<2048xi32, #tpu.memory_space<hbm>>) dst(%arg14 : memref<2048xi32, #tpu.memory_space<vmem>>)
        %dma_wait3A_583 = tpu.memref_slice %arg3[%add3A_576] : memref<4194304xf32, #tpu.memory_space<hbm>> -> memref<2048xf32, #tpu.memory_space<hbm>>
        %dma_wait3A_584 = tpu.memref_slice %arg3[%add3A_576] : memref<4194304xf32, #tpu.memory_space<hbm>> -> memref<2048xf32, #tpu.memory_space<hbm>>
        tpu.wait_dma2 semaphore(%arg31 : memref<!tpu.dma_semaphore, #tpu.memory_space<semaphore_mem>>) src(%dma_wait3A_584 : memref<2048xf32, #tpu.memory_space<hbm>>) dst(%arg15 : memref<2048xf32, #tpu.memory_space<vmem>>)
        %dma_wait3A_585 = tpu.memref_slice %arg4[%add3A_570] : memref<3145728xf32, #tpu.memory_space<hbm>> -> memref<2048xf32, #tpu.memory_space<hbm>>
        %dma_wait3A_586 = tpu.memref_slice %arg4[%add3A_570] : memref<3145728xf32, #tpu.memory_space<hbm>> -> memref<2048xf32, #tpu.memory_space<hbm>>
        tpu.wait_dma2 semaphore(%arg31 : memref<!tpu.dma_semaphore, #tpu.memory_space<semaphore_mem>>) src(%dma_wait3A_586 : memref<2048xf32, #tpu.memory_space<hbm>>) dst(%arg16 : memref<2048xf32, #tpu.memory_space<vmem>>)
        %dma_wait3A_587 = tpu.memref_slice %arg4[%add3A_578] : memref<3145728xf32, #tpu.memory_space<hbm>> -> memref<2048xf32, #tpu.memory_space<hbm>>
        %dma_wait3A_588 = tpu.memref_slice %arg4[%add3A_578] : memref<3145728xf32, #tpu.memory_space<hbm>> -> memref<2048xf32, #tpu.memory_space<hbm>>
        tpu.wait_dma2 semaphore(%arg31 : memref<!tpu.dma_semaphore, #tpu.memory_space<semaphore_mem>>) src(%dma_wait3A_588 : memref<2048xf32, #tpu.memory_space<hbm>>) dst(%arg17 : memref<2048xf32, #tpu.memory_space<vmem>>)
        %dma_wait3A_589 = tpu.memref_slice %arg4[%add3A_580] : memref<3145728xf32, #tpu.memory_space<hbm>> -> memref<2048xf32, #tpu.memory_space<hbm>>
        %dma_wait3A_590 = tpu.memref_slice %arg4[%add3A_580] : memref<3145728xf32, #tpu.memory_space<hbm>> -> memref<2048xf32, #tpu.memory_space<hbm>>
        tpu.wait_dma2 semaphore(%arg31 : memref<!tpu.dma_semaphore, #tpu.memory_space<semaphore_mem>>) src(%dma_wait3A_590 : memref<2048xf32, #tpu.memory_space<hbm>>) dst(%arg18 : memref<2048xf32, #tpu.memory_space<vmem>>)
        %scan3A_591 = arith.constant 0 : i32
        %scan3A_592 = arith.constant 128 : i32
        %scan3A_593 = arith.addi %scan3A_591, %scan3A_592 : i32
        %scan3A_594 = arith.constant 1 : i32
        scf.for %scan3A_612 = %scan3A_591 to %scan3A_593 step %scan3A_594  : i32 {
          %mul3A_613 = arith.constant 16 : i32
          %mul3A_614 = arith.muli %scan3A_612, %mul3A_613 : i32
          %add3A_615 = arith.constant 0 : i32
          %add3A_616 = arith.addi %add3A_615, %mul3A_614 : i32
          %get3A = arith.index_cast %add3A_616 : i32 to index
          %get3A_617 = tpu.vector_load %arg14[%get3A] {strides = array<i32>} : memref<2048xi32, #tpu.memory_space<vmem>>, vector<16xi32>,
          %get3A_618 = arith.index_cast %add3A_616 : i32 to index
          %get3A_619 = tpu.vector_load %arg15[%get3A_618] {strides = array<i32>} : memref<2048xf32, #tpu.memory_space<vmem>>, vector<16xf32>,
          %gather3A = tpu.vector_load_idx %arg8[%get3A_617] : memref<66048xf32, #tpu.memory_space<vmem>>[vector<16xi32>], vector<16xf32>,
          %mul3A_620 = arith.constant 1.000100e+00 : f32
          %mul3A_621 = vector.broadcast %mul3A_620 : f32 to vector<16xf32>
          %mul3A_622 = arith.mulf %gather3A, %mul3A_621 : vector<16xf32>
          %le3A = arith.cmpf ole, %get3A_619, %mul3A_622 : vector<16xf32>
          %jit3A_623 = arith.constant 1.000000e+00 : f32
          %jit3A_624 = arith.constant 0.000000e+00 : f32
          %broadcast_in_dim3A = vector.broadcast %jit3A_623 : f32 to vector<16xf32>
          %broadcast_in_dim3A_625 = vector.broadcast %jit3A_624 : f32 to vector<16xf32>
          %select_n3A_626 = arith.select %le3A, %broadcast_in_dim3A, %broadcast_in_dim3A_625 : vector<16xi1>, vector<16xf32>
          %get3A_627 = arith.index_cast %add3A_616 : i32 to index
          %get3A_628 = tpu.vector_load %arg16[%get3A_627] {strides = array<i32>} : memref<2048xf32, #tpu.memory_space<vmem>>, vector<16xf32>,
          %mul3A_629 = arith.mulf %get3A_628, %select_n3A_626 : vector<16xf32>
          %swap3A = arith.index_cast %add3A_616 : i32 to index
          %swap3A_630 = tpu.vector_load %arg16[%swap3A] {strides = array<i32>} : memref<2048xf32, #tpu.memory_space<vmem>>, vector<16xf32>,
          tpu.vector_store %arg16[%swap3A], %mul3A_629 {strides = array<i32>} : memref<2048xf32, #tpu.memory_space<vmem>>, vector<16xf32>,
          %get3A_631 = arith.index_cast %add3A_616 : i32 to index
          %get3A_632 = tpu.vector_load %arg17[%get3A_631] {strides = array<i32>} : memref<2048xf32, #tpu.memory_space<vmem>>, vector<16xf32>,
          %mul3A_633 = arith.mulf %get3A_632, %select_n3A_626 : vector<16xf32>
          %swap3A_634 = arith.index_cast %add3A_616 : i32 to index
          %swap3A_635 = tpu.vector_load %arg17[%swap3A_634] {strides = array<i32>} : memref<2048xf32, #tpu.memory_space<vmem>>, vector<16xf32>,
          tpu.vector_store %arg17[%swap3A_634], %mul3A_633 {strides = array<i32>} : memref<2048xf32, #tpu.memory_space<vmem>>, vector<16xf32>,
          %get3A_636 = arith.index_cast %add3A_616 : i32 to index
          %get3A_637 = tpu.vector_load %arg18[%get3A_636] {strides = array<i32>} : memref<2048xf32, #tpu.memory_space<vmem>>, vector<16xf32>,
          %mul3A_638 = arith.mulf %get3A_637, %select_n3A_626 : vector<16xf32>
          %swap3A_639 = arith.index_cast %add3A_616 : i32 to index
          %swap3A_640 = tpu.vector_load %arg18[%swap3A_639] {strides = array<i32>} : memref<2048xf32, #tpu.memory_space<vmem>>, vector<16xf32>,
          tpu.vector_store %arg18[%swap3A_639], %mul3A_638 {strides = array<i32>} : memref<2048xf32, #tpu.memory_space<vmem>>, vector<16xf32>,
          %swap3A_641 = arith.index_cast %add3A_616 : i32 to index
          %swap3A_642 = tpu.vector_load %arg20[%swap3A_641] {strides = array<i32>} : memref<2048xf32, #tpu.memory_space<vmem>>, vector<16xf32>,
          tpu.vector_store %arg20[%swap3A_641], %select_n3A_626 {strides = array<i32>} : memref<2048xf32, #tpu.memory_space<vmem>>, vector<16xf32>,
        }
        %scan3A_595 = arith.constant 128 : i32
        %dma_start3A_596 = arith.constant 0 : i32
        %dma_start3A_597 = tpu.memref_slice %arg25[%dma_start3A_596] : memref<66048xf32, #tpu.memory_space<vmem_shared>> -> memref<66048xf32, #tpu.memory_space<vmem_shared>>
        tpu.enqueue_indirect_dma source(%arg16 : memref<2048xf32, #tpu.memory_space<vmem>>) target(%dma_start3A_597 : memref<66048xf32, #tpu.memory_space<vmem_shared>>) offsets(%arg14 : memref<2048xi32, #tpu.memory_space<vmem>>) semaphore(%arg29 : memref<!tpu.dma_semaphore, #tpu.memory_space<semaphore_mem>>) {add = true}
        %dma_start3A_598 = arith.constant 0 : i32
        %dma_start3A_599 = tpu.memref_slice %arg26[%dma_start3A_598] : memref<66048xf32, #tpu.memory_space<vmem_shared>> -> memref<66048xf32, #tpu.memory_space<vmem_shared>>
        tpu.enqueue_indirect_dma source(%arg17 : memref<2048xf32, #tpu.memory_space<vmem>>) target(%dma_start3A_599 : memref<66048xf32, #tpu.memory_space<vmem_shared>>) offsets(%arg14 : memref<2048xi32, #tpu.memory_space<vmem>>) semaphore(%arg29 : memref<!tpu.dma_semaphore, #tpu.memory_space<semaphore_mem>>) {add = true}
        %dma_start3A_600 = arith.constant 0 : i32
        %dma_start3A_601 = tpu.memref_slice %arg27[%dma_start3A_600] : memref<66048xf32, #tpu.memory_space<vmem_shared>> -> memref<66048xf32, #tpu.memory_space<vmem_shared>>
        tpu.enqueue_indirect_dma source(%arg18 : memref<2048xf32, #tpu.memory_space<vmem>>) target(%dma_start3A_601 : memref<66048xf32, #tpu.memory_space<vmem_shared>>) offsets(%arg14 : memref<2048xi32, #tpu.memory_space<vmem>>) semaphore(%arg29 : memref<!tpu.dma_semaphore, #tpu.memory_space<semaphore_mem>>) {add = true}
        %dma_start3A_602 = arith.constant 0 : i32
        %dma_start3A_603 = tpu.memref_slice %arg28[%dma_start3A_602] : memref<66048xf32, #tpu.memory_space<vmem_shared>> -> memref<66048xf32, #tpu.memory_space<vmem_shared>>
        tpu.enqueue_indirect_dma source(%arg20 : memref<2048xf32, #tpu.memory_space<vmem>>) target(%dma_start3A_603 : memref<66048xf32, #tpu.memory_space<vmem_shared>>) offsets(%arg14 : memref<2048xi32, #tpu.memory_space<vmem>>) semaphore(%arg29 : memref<!tpu.dma_semaphore, #tpu.memory_space<semaphore_mem>>) {add = true}
        %dma_wait3A_604 = arith.constant 0 : i32
        %dma_wait3A_605 = tpu.memref_slice %arg25[%dma_wait3A_604] : memref<66048xf32, #tpu.memory_space<vmem_shared>> -> memref<66048xf32, #tpu.memory_space<vmem_shared>>
        tpu.wait_indirect_dma semaphore(%arg29 : memref<!tpu.dma_semaphore, #tpu.memory_space<semaphore_mem>>) src(%arg16 : memref<2048xf32, #tpu.memory_space<vmem>>) dst(%dma_wait3A_605 : memref<66048xf32, #tpu.memory_space<vmem_shared>>)
        %dma_wait3A_606 = arith.constant 0 : i32
        %dma_wait3A_607 = tpu.memref_slice %arg26[%dma_wait3A_606] : memref<66048xf32, #tpu.memory_space<vmem_shared>> -> memref<66048xf32, #tpu.memory_space<vmem_shared>>
        tpu.wait_indirect_dma semaphore(%arg29 : memref<!tpu.dma_semaphore, #tpu.memory_space<semaphore_mem>>) src(%arg17 : memref<2048xf32, #tpu.memory_space<vmem>>) dst(%dma_wait3A_607 : memref<66048xf32, #tpu.memory_space<vmem_shared>>)
        %dma_wait3A_608 = arith.constant 0 : i32
        %dma_wait3A_609 = tpu.memref_slice %arg27[%dma_wait3A_608] : memref<66048xf32, #tpu.memory_space<vmem_shared>> -> memref<66048xf32, #tpu.memory_space<vmem_shared>>
        tpu.wait_indirect_dma semaphore(%arg29 : memref<!tpu.dma_semaphore, #tpu.memory_space<semaphore_mem>>) src(%arg18 : memref<2048xf32, #tpu.memory_space<vmem>>) dst(%dma_wait3A_609 : memref<66048xf32, #tpu.memory_space<vmem_shared>>)
        %dma_wait3A_610 = arith.constant 0 : i32
        %dma_wait3A_611 = tpu.memref_slice %arg28[%dma_wait3A_610] : memref<66048xf32, #tpu.memory_space<vmem_shared>> -> memref<66048xf32, #tpu.memory_space<vmem_shared>>
        tpu.wait_indirect_dma semaphore(%arg29 : memref<!tpu.dma_semaphore, #tpu.memory_space<semaphore_mem>>) src(%arg20 : memref<2048xf32, #tpu.memory_space<vmem>>) dst(%dma_wait3A_611 : memref<66048xf32, #tpu.memory_space<vmem_shared>>)
      }
      %scan3A_276 = arith.constant 8 : i32
      %barrier3A_277 = arith.constant 0 : index
      tpu.barrier barrier_id(%barrier3A_277)
      %dma_start3A_278 = tpu.memref_slice %arg28[%mul3A_34] : memref<66048xf32, #tpu.memory_space<vmem_shared>> -> memref<4128xf32, #tpu.memory_space<vmem_shared>>
      %dma_start3A_279 = tpu.memref_slice %arg28[%mul3A_34] : memref<66048xf32, #tpu.memory_space<vmem_shared>> -> memref<4128xf32, #tpu.memory_space<vmem_shared>>
      tpu.enqueue_dma source(%dma_start3A_279 : memref<4128xf32, #tpu.memory_space<vmem_shared>>) target(%arg22 : memref<4128xf32, #tpu.memory_space<vmem>>) target_semaphore(%arg29 : memref<!tpu.dma_semaphore, #tpu.memory_space<semaphore_mem>>)
      %dma_start3A_280 = tpu.memref_slice %arg25[%mul3A_34] : memref<66048xf32, #tpu.memory_space<vmem_shared>> -> memref<4128xf32, #tpu.memory_space<vmem_shared>>
      %dma_start3A_281 = tpu.memref_slice %arg25[%mul3A_34] : memref<66048xf32, #tpu.memory_space<vmem_shared>> -> memref<4128xf32, #tpu.memory_space<vmem_shared>>
      tpu.enqueue_dma source(%dma_start3A_281 : memref<4128xf32, #tpu.memory_space<vmem_shared>>) target(%arg23 : memref<4128xf32, #tpu.memory_space<vmem>>) target_semaphore(%arg29 : memref<!tpu.dma_semaphore, #tpu.memory_space<semaphore_mem>>)
      %dma_start3A_282 = tpu.memref_slice %arg26[%mul3A_34] : memref<66048xf32, #tpu.memory_space<vmem_shared>> -> memref<4128xf32, #tpu.memory_space<vmem_shared>>
      %dma_start3A_283 = tpu.memref_slice %arg26[%mul3A_34] : memref<66048xf32, #tpu.memory_space<vmem_shared>> -> memref<4128xf32, #tpu.memory_space<vmem_shared>>
      tpu.enqueue_dma source(%dma_start3A_283 : memref<4128xf32, #tpu.memory_space<vmem_shared>>) target(%arg21 : memref<4128xf32, #tpu.memory_space<vmem>>) target_semaphore(%arg29 : memref<!tpu.dma_semaphore, #tpu.memory_space<semaphore_mem>>)
      %dma_start3A_284 = arith.constant 0 : i32
      %dma_start3A_285 = tpu.memref_slice %arg8[%dma_start3A_284] : memref<66048xf32, #tpu.memory_space<vmem>> -> memref<4128xf32, #tpu.memory_space<vmem>>
      %dma_start3A_286 = tpu.memref_slice %arg27[%mul3A_34] : memref<66048xf32, #tpu.memory_space<vmem_shared>> -> memref<4128xf32, #tpu.memory_space<vmem_shared>>
      %dma_start3A_287 = arith.constant 0 : i32
      %dma_start3A_288 = tpu.memref_slice %arg8[%dma_start3A_287] : memref<66048xf32, #tpu.memory_space<vmem>> -> memref<4128xf32, #tpu.memory_space<vmem>>
      %dma_start3A_289 = tpu.memref_slice %arg27[%mul3A_34] : memref<66048xf32, #tpu.memory_space<vmem_shared>> -> memref<4128xf32, #tpu.memory_space<vmem_shared>>
      tpu.enqueue_dma source(%dma_start3A_289 : memref<4128xf32, #tpu.memory_space<vmem_shared>>) target(%dma_start3A_288 : memref<4128xf32, #tpu.memory_space<vmem>>) target_semaphore(%arg29 : memref<!tpu.dma_semaphore, #tpu.memory_space<semaphore_mem>>)
      %dma_wait3A_290 = tpu.memref_slice %arg28[%mul3A_34] : memref<66048xf32, #tpu.memory_space<vmem_shared>> -> memref<4128xf32, #tpu.memory_space<vmem_shared>>
      %dma_wait3A_291 = tpu.memref_slice %arg28[%mul3A_34] : memref<66048xf32, #tpu.memory_space<vmem_shared>> -> memref<4128xf32, #tpu.memory_space<vmem_shared>>
      tpu.wait_dma2 semaphore(%arg29 : memref<!tpu.dma_semaphore, #tpu.memory_space<semaphore_mem>>) src(%dma_wait3A_291 : memref<4128xf32, #tpu.memory_space<vmem_shared>>) dst(%arg22 : memref<4128xf32, #tpu.memory_space<vmem>>)
      %dma_wait3A_292 = tpu.memref_slice %arg25[%mul3A_34] : memref<66048xf32, #tpu.memory_space<vmem_shared>> -> memref<4128xf32, #tpu.memory_space<vmem_shared>>
      %dma_wait3A_293 = tpu.memref_slice %arg25[%mul3A_34] : memref<66048xf32, #tpu.memory_space<vmem_shared>> -> memref<4128xf32, #tpu.memory_space<vmem_shared>>
      tpu.wait_dma2 semaphore(%arg29 : memref<!tpu.dma_semaphore, #tpu.memory_space<semaphore_mem>>) src(%dma_wait3A_293 : memref<4128xf32, #tpu.memory_space<vmem_shared>>) dst(%arg23 : memref<4128xf32, #tpu.memory_space<vmem>>)
      %dma_wait3A_294 = tpu.memref_slice %arg26[%mul3A_34] : memref<66048xf32, #tpu.memory_space<vmem_shared>> -> memref<4128xf32, #tpu.memory_space<vmem_shared>>
      %dma_wait3A_295 = tpu.memref_slice %arg26[%mul3A_34] : memref<66048xf32, #tpu.memory_space<vmem_shared>> -> memref<4128xf32, #tpu.memory_space<vmem_shared>>
      tpu.wait_dma2 semaphore(%arg29 : memref<!tpu.dma_semaphore, #tpu.memory_space<semaphore_mem>>) src(%dma_wait3A_295 : memref<4128xf32, #tpu.memory_space<vmem_shared>>) dst(%arg21 : memref<4128xf32, #tpu.memory_space<vmem>>)
      %dma_wait3A_296 = arith.constant 0 : i32
      %dma_wait3A_297 = tpu.memref_slice %arg8[%dma_wait3A_296] : memref<66048xf32, #tpu.memory_space<vmem>> -> memref<4128xf32, #tpu.memory_space<vmem>>
      %dma_wait3A_298 = tpu.memref_slice %arg27[%mul3A_34] : memref<66048xf32, #tpu.memory_space<vmem_shared>> -> memref<4128xf32, #tpu.memory_space<vmem_shared>>
      %dma_wait3A_299 = arith.constant 0 : i32
      %dma_wait3A_300 = tpu.memref_slice %arg8[%dma_wait3A_299] : memref<66048xf32, #tpu.memory_space<vmem>> -> memref<4128xf32, #tpu.memory_space<vmem>>
      %dma_wait3A_301 = tpu.memref_slice %arg27[%mul3A_34] : memref<66048xf32, #tpu.memory_space<vmem_shared>> -> memref<4128xf32, #tpu.memory_space<vmem_shared>>
      tpu.wait_dma2 semaphore(%arg29 : memref<!tpu.dma_semaphore, #tpu.memory_space<semaphore_mem>>) src(%dma_wait3A_301 : memref<4128xf32, #tpu.memory_space<vmem_shared>>) dst(%dma_wait3A_300 : memref<4128xf32, #tpu.memory_space<vmem>>)
      %scan3A_302 = arith.constant 0 : i32
      %scan3A_303 = arith.constant 258 : i32
      %scan3A_304 = arith.addi %scan3A_302, %scan3A_303 : i32
      %scan3A_305 = arith.constant 1 : i32
      scf.for %scan3A_337 = %scan3A_302 to %scan3A_304 step %scan3A_305  : i32 {
        %mul3A_338 = arith.constant 16 : i32
        %mul3A_339 = arith.muli %scan3A_337, %mul3A_338 : i32
        %add3A_340 = arith.constant 0 : i32
        %add3A_341 = arith.addi %add3A_340, %mul3A_339 : i32
        %get3A = arith.index_cast %add3A_341 : i32 to index
        %get3A_342 = tpu.vector_load %arg22[%get3A] {strides = array<i32>} : memref<4128xf32, #tpu.memory_space<vmem>>, vector<16xf32>,
        %max3A = arith.constant 1.000000e+00 : f32
        %max3A_343 = vector.broadcast %max3A : f32 to vector<16xf32>
        %max3A_344 = arith.maximumf %get3A_342, %max3A_343 : vector<16xf32>
        %get3A_345 = arith.index_cast %add3A_341 : i32 to index
        %get3A_346 = tpu.vector_load %arg23[%get3A_345] {strides = array<i32>} : memref<4128xf32, #tpu.memory_space<vmem>>, vector<16xf32>,
        %div3A_347 = arith.divf %get3A_346, %max3A_344 : vector<16xf32>
        %swap3A = arith.index_cast %add3A_341 : i32 to index
        %swap3A_348 = tpu.vector_load %arg23[%swap3A] {strides = array<i32>} : memref<4128xf32, #tpu.memory_space<vmem>>, vector<16xf32>,
        tpu.vector_store %arg23[%swap3A], %div3A_347 {strides = array<i32>} : memref<4128xf32, #tpu.memory_space<vmem>>, vector<16xf32>,
        %get3A_349 = arith.index_cast %add3A_341 : i32 to index
        %get3A_350 = tpu.vector_load %arg21[%get3A_349] {strides = array<i32>} : memref<4128xf32, #tpu.memory_space<vmem>>, vector<16xf32>,
        %div3A_351 = arith.divf %get3A_350, %max3A_344 : vector<16xf32>
        %swap3A_352 = arith.index_cast %add3A_341 : i32 to index
        %swap3A_353 = tpu.vector_load %arg21[%swap3A_352] {strides = array<i32>} : memref<4128xf32, #tpu.memory_space<vmem>>, vector<16xf32>,
        tpu.vector_store %arg21[%swap3A_352], %div3A_351 {strides = array<i32>} : memref<4128xf32, #tpu.memory_space<vmem>>, vector<16xf32>,
        %get3A_354 = arith.index_cast %add3A_341 : i32 to index
        %get3A_355 = tpu.vector_load %arg8[%get3A_354] {strides = array<i32>} : memref<66048xf32, #tpu.memory_space<vmem>>, vector<16xf32>,
        %div3A_356 = arith.divf %get3A_355, %max3A_344 : vector<16xf32>
        %swap3A_357 = arith.index_cast %add3A_341 : i32 to index
        %swap3A_358 = tpu.vector_load %arg8[%swap3A_357] {strides = array<i32>} : memref<66048xf32, #tpu.memory_space<vmem>>, vector<16xf32>,
        tpu.vector_store %arg8[%swap3A_357], %div3A_356 {strides = array<i32>} : memref<66048xf32, #tpu.memory_space<vmem>>, vector<16xf32>,
      }
      %scan3A_306 = arith.constant 258 : i32
      %mul3A_307 = arith.constant 66048 : i32
      %mul3A_308 = arith.muli %add3A_9, %mul3A_307 : i32
      %add3A_309 = arith.addi %mul3A_308, %mul3A_34 : i32
      %dma_start3A_310 = tpu.memref_slice %arg5[%add3A_309] : memref<528384xf32, #tpu.memory_space<hbm>> -> memref<4128xf32, #tpu.memory_space<hbm>>
      %dma_start3A_311 = tpu.memref_slice %arg5[%add3A_309] : memref<528384xf32, #tpu.memory_space<hbm>> -> memref<4128xf32, #tpu.memory_space<hbm>>
      tpu.enqueue_dma source(%arg23 : memref<4128xf32, #tpu.memory_space<vmem>>) target(%dma_start3A_311 : memref<4128xf32, #tpu.memory_space<hbm>>) target_semaphore(%arg29 : memref<!tpu.dma_semaphore, #tpu.memory_space<semaphore_mem>>)
      %mul3A_312 = arith.constant 66048 : i32
      %mul3A_313 = arith.muli %add3A_9, %mul3A_312 : i32
      %add3A_314 = arith.addi %mul3A_313, %mul3A_34 : i32
      %dma_start3A_315 = tpu.memref_slice %arg6[%add3A_314] : memref<528384xf32, #tpu.memory_space<hbm>> -> memref<4128xf32, #tpu.memory_space<hbm>>
      %dma_start3A_316 = tpu.memref_slice %arg6[%add3A_314] : memref<528384xf32, #tpu.memory_space<hbm>> -> memref<4128xf32, #tpu.memory_space<hbm>>
      tpu.enqueue_dma source(%arg21 : memref<4128xf32, #tpu.memory_space<vmem>>) target(%dma_start3A_316 : memref<4128xf32, #tpu.memory_space<hbm>>) target_semaphore(%arg29 : memref<!tpu.dma_semaphore, #tpu.memory_space<semaphore_mem>>)
      %mul3A_317 = arith.constant 66048 : i32
      %mul3A_318 = arith.muli %add3A_9, %mul3A_317 : i32
      %add3A_319 = arith.addi %mul3A_318, %mul3A_34 : i32
      %dma_start3A_320 = arith.constant 0 : i32
      %dma_start3A_321 = tpu.memref_slice %arg8[%dma_start3A_320] : memref<66048xf32, #tpu.memory_space<vmem>> -> memref<4128xf32, #tpu.memory_space<vmem>>
      %dma_start3A_322 = tpu.memref_slice %arg7[%add3A_319] : memref<528384xf32, #tpu.memory_space<hbm>> -> memref<4128xf32, #tpu.memory_space<hbm>>
      %dma_start3A_323 = tpu.memref_slice %arg7[%add3A_319] : memref<528384xf32, #tpu.memory_space<hbm>> -> memref<4128xf32, #tpu.memory_space<hbm>>
      %dma_start3A_324 = arith.constant 0 : i32
      %dma_start3A_325 = tpu.memref_slice %arg8[%dma_start3A_324] : memref<66048xf32, #tpu.memory_space<vmem>> -> memref<4128xf32, #tpu.memory_space<vmem>>
      tpu.enqueue_dma source(%dma_start3A_325 : memref<4128xf32, #tpu.memory_space<vmem>>) target(%dma_start3A_323 : memref<4128xf32, #tpu.memory_space<hbm>>) target_semaphore(%arg29 : memref<!tpu.dma_semaphore, #tpu.memory_space<semaphore_mem>>)
      %dma_wait3A_326 = tpu.memref_slice %arg5[%add3A_309] : memref<528384xf32, #tpu.memory_space<hbm>> -> memref<4128xf32, #tpu.memory_space<hbm>>
      %dma_wait3A_327 = tpu.memref_slice %arg5[%add3A_309] : memref<528384xf32, #tpu.memory_space<hbm>> -> memref<4128xf32, #tpu.memory_space<hbm>>
      tpu.wait_dma2 semaphore(%arg29 : memref<!tpu.dma_semaphore, #tpu.memory_space<semaphore_mem>>) src(%arg23 : memref<4128xf32, #tpu.memory_space<vmem>>) dst(%dma_wait3A_327 : memref<4128xf32, #tpu.memory_space<hbm>>)
      %dma_wait3A_328 = tpu.memref_slice %arg6[%add3A_314] : memref<528384xf32, #tpu.memory_space<hbm>> -> memref<4128xf32, #tpu.memory_space<hbm>>
      %dma_wait3A_329 = tpu.memref_slice %arg6[%add3A_314] : memref<528384xf32, #tpu.memory_space<hbm>> -> memref<4128xf32, #tpu.memory_space<hbm>>
      tpu.wait_dma2 semaphore(%arg29 : memref<!tpu.dma_semaphore, #tpu.memory_space<semaphore_mem>>) src(%arg21 : memref<4128xf32, #tpu.memory_space<vmem>>) dst(%dma_wait3A_329 : memref<4128xf32, #tpu.memory_space<hbm>>)
      %dma_wait3A_330 = arith.constant 0 : i32
      %dma_wait3A_331 = tpu.memref_slice %arg8[%dma_wait3A_330] : memref<66048xf32, #tpu.memory_space<vmem>> -> memref<4128xf32, #tpu.memory_space<vmem>>
      %dma_wait3A_332 = tpu.memref_slice %arg7[%add3A_319] : memref<528384xf32, #tpu.memory_space<hbm>> -> memref<4128xf32, #tpu.memory_space<hbm>>
      %dma_wait3A_333 = tpu.memref_slice %arg7[%add3A_319] : memref<528384xf32, #tpu.memory_space<hbm>> -> memref<4128xf32, #tpu.memory_space<hbm>>
      %dma_wait3A_334 = arith.constant 0 : i32
      %dma_wait3A_335 = tpu.memref_slice %arg8[%dma_wait3A_334] : memref<66048xf32, #tpu.memory_space<vmem>> -> memref<4128xf32, #tpu.memory_space<vmem>>
      tpu.wait_dma2 semaphore(%arg29 : memref<!tpu.dma_semaphore, #tpu.memory_space<semaphore_mem>>) src(%dma_wait3A_335 : memref<4128xf32, #tpu.memory_space<vmem>>) dst(%dma_wait3A_333 : memref<4128xf32, #tpu.memory_space<hbm>>)
      %barrier3A_336 = arith.constant 0 : index
      tpu.barrier barrier_id(%barrier3A_336)
    }
    %scan3A_3 = arith.constant 4 : i32
    return
  }
}

module attributes {stable_mosaic.version = 14 : i64} {
  func.func @_proj_body(%arg0: i32, %arg1: memref<64x32xf32, #tpu.memory_space<smem>>, %arg2: memref<1x256x256xf32, #tpu.memory_space<vmem>>, %arg3: memref<1x256x256xi32, #tpu.memory_space<vmem>>, %arg4: memref<1x256x256xf32, #tpu.memory_space<vmem>>) attributes {dimension_semantics = [#tpu.dimension_semantics<arbitrary>], iteration_bounds = array<i64: 64>, scalar_prefetch = 0 : i64, scratch_operands = 0 : i64, tpu.core_type = #tpu.core_type<tc>, window_params = [{transform_indices = @transform_0, window_bounds = array<i64: 64, 32>}, {transform_indices = @transform_1, window_bounds = array<i64: 1, 256, 256>}, {transform_indices = @transform_2, window_bounds = array<i64: 1, 256, 256>}, {transform_indices = @transform_3, window_bounds = array<i64: 1, 256, 256>}]} {
    %get3A = arith.constant 0 : index
    %get3A_0 = arith.constant 0 : index
    %get3A_1 = arith.constant 0 : index
    %get3A_2 = vector.load %arg2[%get3A, %get3A_0, %get3A_1] : memref<1x256x256xf32, #tpu.memory_space<vmem>>, vector<1x256x256xf32>
    %get3A_3 = vector.shape_cast %get3A_2 : vector<1x256x256xf32> to vector<256x256xf32>
    %iota3A = tpu.iota {dimensions = array<i32: 1>} : vector<256x256xi32>
    %convert_element_type3A = arith.sitofp %iota3A : vector<256x256xi32> to vector<256x256xf32>
    %iota3A_4 = tpu.iota {dimensions = array<i32: 0>} : vector<256x256xi32>
    %convert_element_type3A_5 = arith.sitofp %iota3A_4 : vector<256x256xi32> to vector<256x256xf32>
    %get3A_6 = arith.index_cast %arg0 : i32 to index
    %get3A_7 = arith.constant 0 : index
    %get3A_8 = memref.load %arg1[%get3A_6, %get3A_7] : memref<64x32xf32, #tpu.memory_space<smem>>
    %sub3A = vector.broadcast %get3A_8 : f32 to vector<256x256xf32>
    %sub3A_9 = arith.subf %convert_element_type3A, %sub3A : vector<256x256xf32>
    %get3A_10 = arith.index_cast %arg0 : i32 to index
    %get3A_11 = arith.constant 2 : index
    %get3A_12 = memref.load %arg1[%get3A_10, %get3A_11] : memref<64x32xf32, #tpu.memory_space<smem>>
    %div3A = vector.broadcast %get3A_12 : f32 to vector<256x256xf32>
    %div3A_13 = arith.divf %sub3A_9, %div3A : vector<256x256xf32>
    %mul3A = arith.mulf %div3A_13, %get3A_3 : vector<256x256xf32>
    %get3A_14 = arith.index_cast %arg0 : i32 to index
    %get3A_15 = arith.constant 1 : index
    %get3A_16 = memref.load %arg1[%get3A_14, %get3A_15] : memref<64x32xf32, #tpu.memory_space<smem>>
    %sub3A_17 = vector.broadcast %get3A_16 : f32 to vector<256x256xf32>
    %sub3A_18 = arith.subf %convert_element_type3A_5, %sub3A_17 : vector<256x256xf32>
    %get3A_19 = arith.index_cast %arg0 : i32 to index
    %get3A_20 = arith.constant 3 : index
    %get3A_21 = memref.load %arg1[%get3A_19, %get3A_20] : memref<64x32xf32, #tpu.memory_space<smem>>
    %div3A_22 = vector.broadcast %get3A_21 : f32 to vector<256x256xf32>
    %div3A_23 = arith.divf %sub3A_18, %div3A_22 : vector<256x256xf32>
    %mul3A_24 = arith.mulf %div3A_23, %get3A_3 : vector<256x256xf32>
    %get3A_25 = arith.index_cast %arg0 : i32 to index
    %get3A_26 = arith.constant 13 : index
    %get3A_27 = memref.load %arg1[%get3A_25, %get3A_26] : memref<64x32xf32, #tpu.memory_space<smem>>
    %sub3A_28 = vector.broadcast %get3A_27 : f32 to vector<256x256xf32>
    %sub3A_29 = arith.subf %mul3A, %sub3A_28 : vector<256x256xf32>
    %convert_element_type3A_30 = arith.truncf %sub3A_29 : vector<256x256xf32> to vector<256x256xbf16>
    %convert_element_type3A_31 = arith.extf %convert_element_type3A_30 : vector<256x256xbf16> to vector<256x256xf32>
    %get3A_32 = arith.index_cast %arg0 : i32 to index
    %get3A_33 = arith.constant 14 : index
    %get3A_34 = memref.load %arg1[%get3A_32, %get3A_33] : memref<64x32xf32, #tpu.memory_space<smem>>
    %sub3A_35 = vector.broadcast %get3A_34 : f32 to vector<256x256xf32>
    %sub3A_36 = arith.subf %mul3A_24, %sub3A_35 : vector<256x256xf32>
    %convert_element_type3A_37 = arith.truncf %sub3A_36 : vector<256x256xf32> to vector<256x256xbf16>
    %convert_element_type3A_38 = arith.extf %convert_element_type3A_37 : vector<256x256xbf16> to vector<256x256xf32>
    %get3A_39 = arith.index_cast %arg0 : i32 to index
    %get3A_40 = arith.constant 15 : index
    %get3A_41 = memref.load %arg1[%get3A_39, %get3A_40] : memref<64x32xf32, #tpu.memory_space<smem>>
    %sub3A_42 = vector.broadcast %get3A_41 : f32 to vector<256x256xf32>
    %sub3A_43 = arith.subf %get3A_3, %sub3A_42 : vector<256x256xf32>
    %convert_element_type3A_44 = arith.truncf %sub3A_43 : vector<256x256xf32> to vector<256x256xbf16>
    %convert_element_type3A_45 = arith.extf %convert_element_type3A_44 : vector<256x256xbf16> to vector<256x256xf32>
    %get3A_46 = arith.index_cast %arg0 : i32 to index
    %get3A_47 = arith.constant 4 : index
    %get3A_48 = memref.load %arg1[%get3A_46, %get3A_47] : memref<64x32xf32, #tpu.memory_space<smem>>
    %convert_element_type3A_49 = arith.truncf %get3A_48 : f32 to bf16
    %convert_element_type3A_50 = arith.extf %convert_element_type3A_49 : bf16 to f32
    %mul3A_51 = vector.broadcast %convert_element_type3A_50 : f32 to vector<256x256xf32>
    %mul3A_52 = arith.mulf %convert_element_type3A_31, %mul3A_51 : vector<256x256xf32>
    %get3A_53 = arith.index_cast %arg0 : i32 to index
    %get3A_54 = arith.constant 7 : index
    %get3A_55 = memref.load %arg1[%get3A_53, %get3A_54] : memref<64x32xf32, #tpu.memory_space<smem>>
    %convert_element_type3A_56 = arith.truncf %get3A_55 : f32 to bf16
    %convert_element_type3A_57 = arith.extf %convert_element_type3A_56 : bf16 to f32
    %mul3A_58 = vector.broadcast %convert_element_type3A_57 : f32 to vector<256x256xf32>
    %mul3A_59 = arith.mulf %convert_element_type3A_38, %mul3A_58 : vector<256x256xf32>
    %add3A = arith.addf %mul3A_52, %mul3A_59 : vector<256x256xf32>
    %get3A_60 = arith.index_cast %arg0 : i32 to index
    %get3A_61 = arith.constant 10 : index
    %get3A_62 = memref.load %arg1[%get3A_60, %get3A_61] : memref<64x32xf32, #tpu.memory_space<smem>>
    %convert_element_type3A_63 = arith.truncf %get3A_62 : f32 to bf16
    %convert_element_type3A_64 = arith.extf %convert_element_type3A_63 : bf16 to f32
    %mul3A_65 = vector.broadcast %convert_element_type3A_64 : f32 to vector<256x256xf32>
    %mul3A_66 = arith.mulf %convert_element_type3A_45, %mul3A_65 : vector<256x256xf32>
    %add3A_67 = arith.addf %add3A, %mul3A_66 : vector<256x256xf32>
    %get3A_68 = arith.index_cast %arg0 : i32 to index
    %get3A_69 = arith.constant 5 : index
    %get3A_70 = memref.load %arg1[%get3A_68, %get3A_69] : memref<64x32xf32, #tpu.memory_space<smem>>
    %convert_element_type3A_71 = arith.truncf %get3A_70 : f32 to bf16
    %convert_element_type3A_72 = arith.extf %convert_element_type3A_71 : bf16 to f32
    %mul3A_73 = vector.broadcast %convert_element_type3A_72 : f32 to vector<256x256xf32>
    %mul3A_74 = arith.mulf %convert_element_type3A_31, %mul3A_73 : vector<256x256xf32>
    %get3A_75 = arith.index_cast %arg0 : i32 to index
    %get3A_76 = arith.constant 8 : index
    %get3A_77 = memref.load %arg1[%get3A_75, %get3A_76] : memref<64x32xf32, #tpu.memory_space<smem>>
    %convert_element_type3A_78 = arith.truncf %get3A_77 : f32 to bf16
    %convert_element_type3A_79 = arith.extf %convert_element_type3A_78 : bf16 to f32
    %mul3A_80 = vector.broadcast %convert_element_type3A_79 : f32 to vector<256x256xf32>
    %mul3A_81 = arith.mulf %convert_element_type3A_38, %mul3A_80 : vector<256x256xf32>
    %add3A_82 = arith.addf %mul3A_74, %mul3A_81 : vector<256x256xf32>
    %get3A_83 = arith.index_cast %arg0 : i32 to index
    %get3A_84 = arith.constant 11 : index
    %get3A_85 = memref.load %arg1[%get3A_83, %get3A_84] : memref<64x32xf32, #tpu.memory_space<smem>>
    %convert_element_type3A_86 = arith.truncf %get3A_85 : f32 to bf16
    %convert_element_type3A_87 = arith.extf %convert_element_type3A_86 : bf16 to f32
    %mul3A_88 = vector.broadcast %convert_element_type3A_87 : f32 to vector<256x256xf32>
    %mul3A_89 = arith.mulf %convert_element_type3A_45, %mul3A_88 : vector<256x256xf32>
    %add3A_90 = arith.addf %add3A_82, %mul3A_89 : vector<256x256xf32>
    %get3A_91 = arith.index_cast %arg0 : i32 to index
    %get3A_92 = arith.constant 6 : index
    %get3A_93 = memref.load %arg1[%get3A_91, %get3A_92] : memref<64x32xf32, #tpu.memory_space<smem>>
    %convert_element_type3A_94 = arith.truncf %get3A_93 : f32 to bf16
    %convert_element_type3A_95 = arith.extf %convert_element_type3A_94 : bf16 to f32
    %mul3A_96 = vector.broadcast %convert_element_type3A_95 : f32 to vector<256x256xf32>
    %mul3A_97 = arith.mulf %convert_element_type3A_31, %mul3A_96 : vector<256x256xf32>
    %get3A_98 = arith.index_cast %arg0 : i32 to index
    %get3A_99 = arith.constant 9 : index
    %get3A_100 = memref.load %arg1[%get3A_98, %get3A_99] : memref<64x32xf32, #tpu.memory_space<smem>>
    %convert_element_type3A_101 = arith.truncf %get3A_100 : f32 to bf16
    %convert_element_type3A_102 = arith.extf %convert_element_type3A_101 : bf16 to f32
    %mul3A_103 = vector.broadcast %convert_element_type3A_102 : f32 to vector<256x256xf32>
    %mul3A_104 = arith.mulf %convert_element_type3A_38, %mul3A_103 : vector<256x256xf32>
    %add3A_105 = arith.addf %mul3A_97, %mul3A_104 : vector<256x256xf32>
    %get3A_106 = arith.index_cast %arg0 : i32 to index
    %get3A_107 = arith.constant 12 : index
    %get3A_108 = memref.load %arg1[%get3A_106, %get3A_107] : memref<64x32xf32, #tpu.memory_space<smem>>
    %convert_element_type3A_109 = arith.truncf %get3A_108 : f32 to bf16
    %convert_element_type3A_110 = arith.extf %convert_element_type3A_109 : bf16 to f32
    %mul3A_111 = vector.broadcast %convert_element_type3A_110 : f32 to vector<256x256xf32>
    %mul3A_112 = arith.mulf %convert_element_type3A_45, %mul3A_111 : vector<256x256xf32>
    %add3A_113 = arith.addf %add3A_105, %mul3A_112 : vector<256x256xf32>
    %convert_element_type3A_114 = arith.truncf %add3A_67 : vector<256x256xf32> to vector<256x256xbf16>
    %convert_element_type3A_115 = arith.extf %convert_element_type3A_114 : vector<256x256xbf16> to vector<256x256xf32>
    %convert_element_type3A_116 = arith.truncf %add3A_90 : vector<256x256xf32> to vector<256x256xbf16>
    %convert_element_type3A_117 = arith.extf %convert_element_type3A_116 : vector<256x256xbf16> to vector<256x256xf32>
    %convert_element_type3A_118 = arith.truncf %add3A_113 : vector<256x256xf32> to vector<256x256xbf16>
    %convert_element_type3A_119 = arith.extf %convert_element_type3A_118 : vector<256x256xbf16> to vector<256x256xf32>
    %get3A_120 = arith.index_cast %arg0 : i32 to index
    %get3A_121 = arith.constant 16 : index
    %get3A_122 = memref.load %arg1[%get3A_120, %get3A_121] : memref<64x32xf32, #tpu.memory_space<smem>>
    %convert_element_type3A_123 = arith.truncf %get3A_122 : f32 to bf16
    %convert_element_type3A_124 = arith.extf %convert_element_type3A_123 : bf16 to f32
    %mul3A_125 = vector.broadcast %convert_element_type3A_124 : f32 to vector<256x256xf32>
    %mul3A_126 = arith.mulf %convert_element_type3A_115, %mul3A_125 : vector<256x256xf32>
    %get3A_127 = arith.index_cast %arg0 : i32 to index
    %get3A_128 = arith.constant 17 : index
    %get3A_129 = memref.load %arg1[%get3A_127, %get3A_128] : memref<64x32xf32, #tpu.memory_space<smem>>
    %convert_element_type3A_130 = arith.truncf %get3A_129 : f32 to bf16
    %convert_element_type3A_131 = arith.extf %convert_element_type3A_130 : bf16 to f32
    %mul3A_132 = vector.broadcast %convert_element_type3A_131 : f32 to vector<256x256xf32>
    %mul3A_133 = arith.mulf %convert_element_type3A_117, %mul3A_132 : vector<256x256xf32>
    %add3A_134 = arith.addf %mul3A_126, %mul3A_133 : vector<256x256xf32>
    %get3A_135 = arith.index_cast %arg0 : i32 to index
    %get3A_136 = arith.constant 18 : index
    %get3A_137 = memref.load %arg1[%get3A_135, %get3A_136] : memref<64x32xf32, #tpu.memory_space<smem>>
    %convert_element_type3A_138 = arith.truncf %get3A_137 : f32 to bf16
    %convert_element_type3A_139 = arith.extf %convert_element_type3A_138 : bf16 to f32
    %mul3A_140 = vector.broadcast %convert_element_type3A_139 : f32 to vector<256x256xf32>
    %mul3A_141 = arith.mulf %convert_element_type3A_119, %mul3A_140 : vector<256x256xf32>
    %add3A_142 = arith.addf %add3A_134, %mul3A_141 : vector<256x256xf32>
    %get3A_143 = arith.index_cast %arg0 : i32 to index
    %get3A_144 = arith.constant 25 : index
    %get3A_145 = memref.load %arg1[%get3A_143, %get3A_144] : memref<64x32xf32, #tpu.memory_space<smem>>
    %add3A_146 = vector.broadcast %get3A_145 : f32 to vector<256x256xf32>
    %add3A_147 = arith.addf %add3A_142, %add3A_146 : vector<256x256xf32>
    %get3A_148 = arith.index_cast %arg0 : i32 to index
    %get3A_149 = arith.constant 19 : index
    %get3A_150 = memref.load %arg1[%get3A_148, %get3A_149] : memref<64x32xf32, #tpu.memory_space<smem>>
    %convert_element_type3A_151 = arith.truncf %get3A_150 : f32 to bf16
    %convert_element_type3A_152 = arith.extf %convert_element_type3A_151 : bf16 to f32
    %mul3A_153 = vector.broadcast %convert_element_type3A_152 : f32 to vector<256x256xf32>
    %mul3A_154 = arith.mulf %convert_element_type3A_115, %mul3A_153 : vector<256x256xf32>
    %get3A_155 = arith.index_cast %arg0 : i32 to index
    %get3A_156 = arith.constant 20 : index
    %get3A_157 = memref.load %arg1[%get3A_155, %get3A_156] : memref<64x32xf32, #tpu.memory_space<smem>>
    %convert_element_type3A_158 = arith.truncf %get3A_157 : f32 to bf16
    %convert_element_type3A_159 = arith.extf %convert_element_type3A_158 : bf16 to f32
    %mul3A_160 = vector.broadcast %convert_element_type3A_159 : f32 to vector<256x256xf32>
    %mul3A_161 = arith.mulf %convert_element_type3A_117, %mul3A_160 : vector<256x256xf32>
    %add3A_162 = arith.addf %mul3A_154, %mul3A_161 : vector<256x256xf32>
    %get3A_163 = arith.index_cast %arg0 : i32 to index
    %get3A_164 = arith.constant 21 : index
    %get3A_165 = memref.load %arg1[%get3A_163, %get3A_164] : memref<64x32xf32, #tpu.memory_space<smem>>
    %convert_element_type3A_166 = arith.truncf %get3A_165 : f32 to bf16
    %convert_element_type3A_167 = arith.extf %convert_element_type3A_166 : bf16 to f32
    %mul3A_168 = vector.broadcast %convert_element_type3A_167 : f32 to vector<256x256xf32>
    %mul3A_169 = arith.mulf %convert_element_type3A_119, %mul3A_168 : vector<256x256xf32>
    %add3A_170 = arith.addf %add3A_162, %mul3A_169 : vector<256x256xf32>
    %get3A_171 = arith.index_cast %arg0 : i32 to index
    %get3A_172 = arith.constant 26 : index
    %get3A_173 = memref.load %arg1[%get3A_171, %get3A_172] : memref<64x32xf32, #tpu.memory_space<smem>>
    %add3A_174 = vector.broadcast %get3A_173 : f32 to vector<256x256xf32>
    %add3A_175 = arith.addf %add3A_170, %add3A_174 : vector<256x256xf32>
    %get3A_176 = arith.index_cast %arg0 : i32 to index
    %get3A_177 = arith.constant 22 : index
    %get3A_178 = memref.load %arg1[%get3A_176, %get3A_177] : memref<64x32xf32, #tpu.memory_space<smem>>
    %convert_element_type3A_179 = arith.truncf %get3A_178 : f32 to bf16
    %convert_element_type3A_180 = arith.extf %convert_element_type3A_179 : bf16 to f32
    %mul3A_181 = vector.broadcast %convert_element_type3A_180 : f32 to vector<256x256xf32>
    %mul3A_182 = arith.mulf %convert_element_type3A_115, %mul3A_181 : vector<256x256xf32>
    %get3A_183 = arith.index_cast %arg0 : i32 to index
    %get3A_184 = arith.constant 23 : index
    %get3A_185 = memref.load %arg1[%get3A_183, %get3A_184] : memref<64x32xf32, #tpu.memory_space<smem>>
    %convert_element_type3A_186 = arith.truncf %get3A_185 : f32 to bf16
    %convert_element_type3A_187 = arith.extf %convert_element_type3A_186 : bf16 to f32
    %mul3A_188 = vector.broadcast %convert_element_type3A_187 : f32 to vector<256x256xf32>
    %mul3A_189 = arith.mulf %convert_element_type3A_117, %mul3A_188 : vector<256x256xf32>
    %add3A_190 = arith.addf %mul3A_182, %mul3A_189 : vector<256x256xf32>
    %get3A_191 = arith.index_cast %arg0 : i32 to index
    %get3A_192 = arith.constant 24 : index
    %get3A_193 = memref.load %arg1[%get3A_191, %get3A_192] : memref<64x32xf32, #tpu.memory_space<smem>>
    %convert_element_type3A_194 = arith.truncf %get3A_193 : f32 to bf16
    %convert_element_type3A_195 = arith.extf %convert_element_type3A_194 : bf16 to f32
    %mul3A_196 = vector.broadcast %convert_element_type3A_195 : f32 to vector<256x256xf32>
    %mul3A_197 = arith.mulf %convert_element_type3A_119, %mul3A_196 : vector<256x256xf32>
    %add3A_198 = arith.addf %add3A_190, %mul3A_197 : vector<256x256xf32>
    %get3A_199 = arith.index_cast %arg0 : i32 to index
    %get3A_200 = arith.constant 27 : index
    %get3A_201 = memref.load %arg1[%get3A_199, %get3A_200] : memref<64x32xf32, #tpu.memory_space<smem>>
    %add3A_202 = vector.broadcast %get3A_201 : f32 to vector<256x256xf32>
    %add3A_203 = arith.addf %add3A_198, %add3A_202 : vector<256x256xf32>
    %get3A_204 = arith.index_cast %arg0 : i32 to index
    %get3A_205 = arith.constant 28 : index
    %get3A_206 = memref.load %arg1[%get3A_204, %get3A_205] : memref<64x32xf32, #tpu.memory_space<smem>>
    %convert_element_type3A_207 = arith.truncf %get3A_206 : f32 to bf16
    %convert_element_type3A_208 = arith.extf %convert_element_type3A_207 : bf16 to f32
    %convert_element_type3A_209 = arith.truncf %add3A_147 : vector<256x256xf32> to vector<256x256xbf16>
    %convert_element_type3A_210 = arith.extf %convert_element_type3A_209 : vector<256x256xbf16> to vector<256x256xf32>
    %mul3A_211 = vector.broadcast %convert_element_type3A_208 : f32 to vector<256x256xf32>
    %mul3A_212 = arith.mulf %mul3A_211, %convert_element_type3A_210 : vector<256x256xf32>
    %get3A_213 = arith.index_cast %arg0 : i32 to index
    %get3A_214 = arith.constant 30 : index
    %get3A_215 = memref.load %arg1[%get3A_213, %get3A_214] : memref<64x32xf32, #tpu.memory_space<smem>>
    %convert_element_type3A_216 = arith.truncf %get3A_215 : f32 to bf16
    %convert_element_type3A_217 = arith.extf %convert_element_type3A_216 : bf16 to f32
    %convert_element_type3A_218 = arith.truncf %add3A_203 : vector<256x256xf32> to vector<256x256xbf16>
    %convert_element_type3A_219 = arith.extf %convert_element_type3A_218 : vector<256x256xbf16> to vector<256x256xf32>
    %mul3A_220 = vector.broadcast %convert_element_type3A_217 : f32 to vector<256x256xf32>
    %mul3A_221 = arith.mulf %mul3A_220, %convert_element_type3A_219 : vector<256x256xf32>
    %add3A_222 = arith.addf %mul3A_212, %mul3A_221 : vector<256x256xf32>
    %get3A_223 = arith.index_cast %arg0 : i32 to index
    %get3A_224 = arith.constant 29 : index
    %get3A_225 = memref.load %arg1[%get3A_223, %get3A_224] : memref<64x32xf32, #tpu.memory_space<smem>>
    %convert_element_type3A_226 = arith.truncf %get3A_225 : f32 to bf16
    %convert_element_type3A_227 = arith.extf %convert_element_type3A_226 : bf16 to f32
    %convert_element_type3A_228 = arith.truncf %add3A_175 : vector<256x256xf32> to vector<256x256xbf16>
    %convert_element_type3A_229 = arith.extf %convert_element_type3A_228 : vector<256x256xbf16> to vector<256x256xf32>
    %mul3A_230 = vector.broadcast %convert_element_type3A_227 : f32 to vector<256x256xf32>
    %mul3A_231 = arith.mulf %mul3A_230, %convert_element_type3A_229 : vector<256x256xf32>
    %get3A_232 = arith.index_cast %arg0 : i32 to index
    %get3A_233 = arith.constant 31 : index
    %get3A_234 = memref.load %arg1[%get3A_232, %get3A_233] : memref<64x32xf32, #tpu.memory_space<smem>>
    %convert_element_type3A_235 = arith.truncf %get3A_234 : f32 to bf16
    %convert_element_type3A_236 = arith.extf %convert_element_type3A_235 : bf16 to f32
    %convert_element_type3A_237 = arith.truncf %add3A_203 : vector<256x256xf32> to vector<256x256xbf16>
    %convert_element_type3A_238 = arith.extf %convert_element_type3A_237 : vector<256x256xbf16> to vector<256x256xf32>
    %mul3A_239 = vector.broadcast %convert_element_type3A_236 : f32 to vector<256x256xf32>
    %mul3A_240 = arith.mulf %mul3A_239, %convert_element_type3A_238 : vector<256x256xf32>
    %add3A_241 = arith.addf %mul3A_231, %mul3A_240 : vector<256x256xf32>
    %max3A = arith.constant 9.99999997E-7 : f32
    %max3A_242 = vector.broadcast %max3A : f32 to vector<256x256xf32>
    %max3A_243 = arith.maximumf %add3A_203, %max3A_242 : vector<256x256xf32>
    %div3A_244 = arith.divf %add3A_222, %max3A_243 : vector<256x256xf32>
    %floor3A = math.floor %div3A_244 : vector<256x256xf32>
    %convert_element_type3A_245 = arith.fptosi %floor3A : vector<256x256xf32> to vector<256x256xi32>
    %div3A_246 = arith.divf %add3A_241, %max3A_243 : vector<256x256xf32>
    %floor3A_247 = math.floor %div3A_246 : vector<256x256xf32>
    %convert_element_type3A_248 = arith.fptosi %floor3A_247 : vector<256x256xf32> to vector<256x256xi32>
    %gt3A = arith.constant 9.99999997E-7 : f32
    %gt3A_249 = vector.broadcast %gt3A : f32 to vector<256x256xf32>
    %gt3A_250 = arith.cmpf ogt, %add3A_203, %gt3A_249 : vector<256x256xf32>
    %ge3A = arith.constant 0 : i32
    %ge3A_251 = vector.broadcast %ge3A : i32 to vector<256x256xi32>
    %ge3A_252 = arith.cmpi sge, %convert_element_type3A_245, %ge3A_251 : vector<256x256xi32>
    %and3A = arith.andi %gt3A_250, %ge3A_252 : vector<256x256xi1>
    %lt3A = arith.constant 256 : i32
    %lt3A_253 = vector.broadcast %lt3A : i32 to vector<256x256xi32>
    %lt3A_254 = arith.cmpi slt, %convert_element_type3A_245, %lt3A_253 : vector<256x256xi32>
    %and3A_255 = arith.andi %and3A, %lt3A_254 : vector<256x256xi1>
    %ge3A_256 = arith.constant 0 : i32
    %ge3A_257 = vector.broadcast %ge3A_256 : i32 to vector<256x256xi32>
    %ge3A_258 = arith.cmpi sge, %convert_element_type3A_248, %ge3A_257 : vector<256x256xi32>
    %and3A_259 = arith.andi %and3A_255, %ge3A_258 : vector<256x256xi1>
    %lt3A_260 = arith.constant 256 : i32
    %lt3A_261 = vector.broadcast %lt3A_260 : i32 to vector<256x256xi32>
    %lt3A_262 = arith.cmpi slt, %convert_element_type3A_248, %lt3A_261 : vector<256x256xi32>
    %and3A_263 = arith.andi %and3A_259, %lt3A_262 : vector<256x256xi1>
    %mul3A_264 = arith.constant 256 : i32
    %mul3A_265 = vector.broadcast %mul3A_264 : i32 to vector<256x256xi32>
    %mul3A_266 = arith.muli %convert_element_type3A_248, %mul3A_265 : vector<256x256xi32>
    %add3A_267 = arith.addi %mul3A_266, %convert_element_type3A_245 : vector<256x256xi32>
    %jit3A = arith.constant 65536 : i32
    %broadcast_in_dim3A = vector.broadcast %jit3A : i32 to vector<256x256xi32>
    %select_n3A = arith.select %and3A_263, %add3A_267, %broadcast_in_dim3A : vector<256x256xi1>, vector<256x256xi32>
    %swap3A = arith.constant 0 : index
    %swap3A_268 = arith.constant 0 : index
    %swap3A_269 = arith.constant 0 : index
    %swap3A_270 = vector.load %arg3[%swap3A, %swap3A_268, %swap3A_269] : memref<1x256x256xi32, #tpu.memory_space<vmem>>, vector<1x256x256xi32>
    %swap3A_271 = vector.shape_cast %swap3A_270 : vector<1x256x256xi32> to vector<256x256xi32>
    %swap3A_272 = vector.shape_cast %select_n3A : vector<256x256xi32> to vector<1x256x256xi32>
    tpu.vector_store %arg3[%swap3A, %swap3A_268, %swap3A_269], %swap3A_272 {strides = array<i32>} : memref<1x256x256xi32, #tpu.memory_space<vmem>>, vector<1x256x256xi32>,
    %jit3A_273 = arith.constant 1.000000e+09 : f32
    %broadcast_in_dim3A_274 = vector.broadcast %jit3A_273 : f32 to vector<256x256xf32>
    %select_n3A_275 = arith.select %and3A_263, %add3A_203, %broadcast_in_dim3A_274 : vector<256x256xi1>, vector<256x256xf32>
    %swap3A_276 = arith.constant 0 : index
    %swap3A_277 = arith.constant 0 : index
    %swap3A_278 = arith.constant 0 : index
    %swap3A_279 = vector.load %arg4[%swap3A_276, %swap3A_277, %swap3A_278] : memref<1x256x256xf32, #tpu.memory_space<vmem>>, vector<1x256x256xf32>
    %swap3A_280 = vector.shape_cast %swap3A_279 : vector<1x256x256xf32> to vector<256x256xf32>
    %swap3A_281 = vector.shape_cast %select_n3A_275 : vector<256x256xf32> to vector<1x256x256xf32>
    tpu.vector_store %arg4[%swap3A_276, %swap3A_277, %swap3A_278], %swap3A_281 {strides = array<i32>} : memref<1x256x256xf32, #tpu.memory_space<vmem>>, vector<1x256x256xf32>,
    return
  }
  func.func @transform_0(%arg0: i32) -> (i32, i32) {
    %c0_i32 = arith.constant 0 : i32
    %c0_i32_0 = arith.constant 0 : i32
    %c0_i32_1 = arith.constant 0 : i32
    return %c0_i32, %c0_i32_0 : i32, i32
  }
  func.func @transform_1(%arg0: i32) -> (i32, i32, i32) {
    %jit3A = arith.constant 32 : i32
    %div3A = arith.divsi %arg0, %jit3A : i32
    %sign3A = arith.constant 0 : i32
    %sign3A_0 = arith.cmpi sgt, %arg0, %sign3A : i32
    %sign3A_1 = arith.extui %sign3A_0 : i1 to i32
    %sign3A_2 = arith.constant 0 : i32
    %sign3A_3 = arith.cmpi slt, %arg0, %sign3A_2 : i32
    %sign3A_4 = arith.extui %sign3A_3 : i1 to i32
    %sign3A_5 = arith.subi %sign3A_1, %sign3A_4 : i32
    %sign3A_6 = arith.constant 0 : i32
    %sign3A_7 = arith.cmpi sgt, %jit3A, %sign3A_6 : i32
    %sign3A_8 = arith.extui %sign3A_7 : i1 to i32
    %sign3A_9 = arith.constant 0 : i32
    %sign3A_10 = arith.cmpi slt, %jit3A, %sign3A_9 : i32
    %sign3A_11 = arith.extui %sign3A_10 : i1 to i32
    %sign3A_12 = arith.subi %sign3A_8, %sign3A_11 : i32
    %ne3A = arith.cmpi ne, %sign3A_5, %sign3A_12 : i32
    %rem3A = arith.remsi %arg0, %jit3A : i32
    %ne3A_13 = arith.constant 0 : i32
    %ne3A_14 = arith.cmpi ne, %rem3A, %ne3A_13 : i32
    %and3A = arith.andi %ne3A, %ne3A_14 : i1
    %sub3A = arith.constant 1 : i32
    %sub3A_15 = arith.subi %div3A, %sub3A : i32
    %select_n3A = arith.select %and3A, %sub3A_15, %div3A : i32
    %mul3A = arith.constant 8 : i32
    %mul3A_16 = arith.muli %select_n3A, %mul3A : i32
    %jit3A_17 = arith.constant 8 : i32
    %eq3A = arith.constant 0 : i32
    %eq3A_18 = arith.cmpi eq, %jit3A_17, %eq3A : i32
    %jit3A_19 = arith.constant 1 : i32
    %select_n3A_20 = arith.select %eq3A_18, %jit3A_19, %jit3A_17 : i32
    %rem3A_21 = arith.remsi %arg0, %select_n3A_20 : i32
    %ne3A_22 = arith.constant 0 : i32
    %ne3A_23 = arith.cmpi ne, %rem3A_21, %ne3A_22 : i32
    %lt3A = arith.constant 0 : i32
    %lt3A_24 = arith.cmpi slt, %rem3A_21, %lt3A : i32
    %lt3A_25 = arith.constant 0 : i32
    %lt3A_26 = arith.cmpi slt, %select_n3A_20, %lt3A_25 : i32
    %ne3A_27 = arith.xori %lt3A_24, %lt3A_26 : i1
    %and3A_28 = arith.andi %ne3A_27, %ne3A_23 : i1
    %add3A = arith.addi %rem3A_21, %select_n3A_20 : i32
    %select_n3A_29 = arith.select %and3A_28, %add3A, %rem3A_21 : i32
    %add3A_30 = arith.addi %mul3A_16, %select_n3A_29 : i32
    %c0_i32 = arith.constant 0 : i32
    %c0_i32_31 = arith.constant 0 : i32
    %c0_i32_32 = arith.constant 0 : i32
    return %add3A_30, %c0_i32, %c0_i32_31 : i32, i32, i32
  }
  func.func @transform_2(%arg0: i32) -> (i32, i32, i32) {
    %c0_i32 = arith.constant 0 : i32
    %c0_i32_0 = arith.constant 0 : i32
    %c0_i32_1 = arith.constant 0 : i32
    return %arg0, %c0_i32, %c0_i32_0 : i32, i32, i32
  }
  func.func @transform_3(%arg0: i32) -> (i32, i32, i32) {
    %c0_i32 = arith.constant 0 : i32
    %c0_i32_0 = arith.constant 0 : i32
    %c0_i32_1 = arith.constant 0 : i32
    return %arg0, %c0_i32, %c0_i32_0 : i32, i32, i32
  }
}

</mosaic_0001>

<sc_bundles>
// kernel: kernel.4.cloned.1.call-start
scs
__scs_entry_jumppad:
0x0: {  	(pc) =	sbr.rel $0x88, $3  }
0x1: {  	(tag) =	ssettag $0x0;
	lr =	simm.s32 $0x1  }
0x2: {  	[smem:$0x3F9B] =	sst lr;
	_ =	strace $0xD0000000  }
0x3: {  	_ = 	snop  }
0x4: {  	_ = 	snop  }
0x5: {  	_ = 	snop  }
0x6: {  	_ = 	snop  }
0x7: {  	_ = 	snop  }
__scs_overlays_trampoline_lowered:
0x8: {  	[smem:$0x3FAA] =	sst s0  }
0x9: {  	[smem:$0x3FAB] =	sst s1  }
0xa: {  	[smem:$0x3FAC] =	sst s2  }
0xb: {  	[smem:$0x3FAD] =	sst s3  }
0xc: {  	[smem:$0x3FAE] =	sst s4  }
0xd: {  	[smem:$0x3FAF] =	sst s5  }
0xe: {  	[smem:$0x3FB0] =	sst s6  }
0xf: {  	[smem:$0x3FB1] =	sst s7  }
0x10: {  	[smem:$0x3FB2] =	sst s8  }
0x11: {  	[smem:$0x3FB3] =	sst s9;
	s0 =	simm.s32 @!p0 $0x0  }
0x12: {  	s1 =	sld [smem:$0x3F99];
	s0 =	simm.s32 @p0 $0x1  }
0x13: {  	[smem:$0x3FB4] =	sst s0;
	s0 =	simm.s32 @!p1 $0x0  }
0x14: {  	s2 =	sld [smem:$0x3F98];
	s0 =	simm.s32 @p1 $0x1  }
0x15: {  	[smem:$0x3FB5] =	sst s0;
	s0 =	simm.s32 @!p2 $0x0  }
0x16: {  	s3 =	sld [smem:$0x3FDB];
	s0 =	simm.s32 @p2 $0x1  }
0x17: {  	s4 =	simm.s32 $0x1BF5;
	[smem:$0x3FB7] =	sst s0  }
0x18: {  	s0 =	sld [smem:$0x3F9A];
	_ =	swait.ge [sflag:s4], $0x0  }
0x19: {  	s7 =	sld [smem:$0x3F9B]  }
0x1a: {  	s8 =	sadd.s32 $0xFFFFE003, lr  }
0x1b: {  	s9 =	sadd.s32 $0xFFFFFEF7, lr;
	s5 =	simm.s32 $0xFFFFFFFF;
	p2 =	slt.u32 s8, $0xFFFFF086  }
0x1c: {  	p1 =	slt.u32 s9, $0xF7A;
	s5 =	simm.s32 @!p2 $0x0  }
0x1d: {  	s5 =	simm.s32 @p1 $0x1;
	p0 =	seq.s32 s7, s2  }
0x1e: {  	s7 =	smul.u32 @!p0 $0xF7A, s2;
	p2 =	seq.s32 @!p0 s5, $0x0  }
0x1f: {  	s9 =	smul.u32 $0xF7A, s1;
	s8 =	simm.s32 @!p0 $0x1BF5;
	p2 =	por !p2, p0  }
0x20: {  	[sflag:s8] =	ssyncset.s32 @!p0 $0xFFFFF086;
	s6 =	sadd.s32 @!p0 s3, s7;
	s7 =	simm.s32 @!p0 $0x108  }
0x21: {  	s3 =	sadd.s32 s3, s9;
	s6 =	sadd.s32 @!p0 $0x88, s6;
	s7 =	simm.s32 @p2 $0x1082  }
0x22: {  	[simem:s7], [sflag:s8] =	dma.local @!p0 [hbm:s6], $0xF7A  }
0x23: {  	s9 =	sor.u32 $0xD0000000, s2;
	s6 =	simm.s32 $0x108;
	_ =	swait.ge @!p0 [sflag:s8], $0x0  }
0x24: {  	s3 =	sadd.s32 $0x88, s3;
	s6 =	simm.s32 @!p1 $0x1082;
	[sflag:s4] =	ssyncset.s32 $0xFFFFF086  }
0x25: {  	[simem:s6], [sflag:s4] =	dma.local [hbm:s3], $0xF7A  }
0x26: {  	[smem:$0x3F9B] =	sst s1;
	(tag) =	ssettag s2;
	_ =	strace s9  }
0x27: {  	s1 =	sld [smem:$0x3FAB]  }
0x28: {  	s2 =	sld [smem:$0x3FAC]  }
0x29: {  	s4 =	sld [smem:$0x3FAE]  }
0x2a: {  	p0 =	seq.s32 s5, $0x0;
	s5 =	sld [smem:$0x3FAF]  }
0x2b: {  	s6 =	sld [smem:$0x3FB0]  }
0x2c: {  	s7 =	sld [smem:$0x3FB1]  }
0x2d: {  	s3 =	simm.s32 $0x108;
	s8 =	sld [smem:$0x3FB2]  }
0x2e: {  	s3 =	simm.s32 @!p0 $0x1082;
	s9 =	sld [smem:$0x3FB3]  }
0x2f: {  	lr =	sadd.s32 s0, s3;
	s0 =	sld [smem:$0x3FAA]  }
0x30: {  	s3 =	sld [smem:$0x3FAD]  }
0x31: {  	[smem:$0x3FB6] =	sst s10  }
0x32: {  	s10 =	sld [smem:$0x3FB4];
	_ =	sdelay $0x3  }
0x33: {  	p0 =	seq.s32 s10, $0x1;
	s10 =	sld [smem:$0x3FB6];
	_ =	sdelay $0x3  }
0x34: {  	[smem:$0x3FB6] =	sst s10  }
0x35: {  	s10 =	sld [smem:$0x3FB5];
	_ =	sdelay $0x3  }
0x36: {  	p1 =	seq.s32 s10, $0x1;
	s10 =	sld [smem:$0x3FB6];
	_ =	sdelay $0x3  }
0x37: {  	[smem:$0x3FB6] =	sst s10  }
0x38: {  	s10 =	sld [smem:$0x3FB7]  }
0x39: {  	_ = 	snop;
	(pc) =	sbr.ind lr, $3  }
0x3a: {  	_ = 	snop  }
0x3b: {  	_ = 	snop  }
0x3c: {  	p2 =	seq.s32 s10, $0x1;
	s10 =	sld [smem:$0x3FB6]  }
0x3d: {  	_ =	shalt  }
0x3e: {  	_ =	shalt  }
0x3f: {  	_ =	shalt  }
0x40: {  	_ =	shalt  }
0x41: {  	_ =	shalt  }
0x42: {  	_ =	shalt  }
0x43: {  	_ =	shalt  }
0x44: {  	_ =	shalt  }
0x45: {  	_ =	shalt  }
0x46: {  	_ =	shalt  }
0x47: {  	_ =	shalt  }
0x48: {  	_ =	shalt  }
0x49: {  	_ =	shalt  }
0x4a: {  	_ =	shalt  }
0x4b: {  	_ =	shalt  }
0x4c: {  	_ =	shalt  }
0x4d: {  	_ =	shalt  }
0x4e: {  	_ =	shalt  }
0x4f: {  	_ =	shalt  }
0x50: {  	_ =	shalt  }
0x51: {  	_ =	shalt  }
0x52: {  	_ =	shalt  }
0x53: {  	_ =	shalt  }
0x54: {  	_ =	shalt  }
0x55: {  	_ =	shalt  }
0x56: {  	_ =	shalt  }
0x57: {  	_ =	shalt  }
0x58: {  	_ =	shalt  }
0x59: {  	_ =	shalt  }
0x5a: {  	_ =	shalt  }
0x5b: {  	_ =	shalt  }
0x5c: {  	_ =	shalt  }
0x5d: {  	_ =	shalt  }
0x5e: {  	_ =	shalt  }
0x5f: {  	_ =	shalt  }
0x60: {  	_ =	shalt  }
0x61: {  	_ =	shalt  }
0x62: {  	_ =	shalt  }
0x63: {  	_ =	shalt  }
0x64: {  	_ =	shalt  }
0x65: {  	_ =	shalt  }
0x66: {  	_ =	shalt  }
0x67: {  	_ =	shalt  }
0x68: {  	_ =	shalt  }
0x69: {  	_ =	shalt  }
0x6a: {  	_ =	shalt  }
0x6b: {  	_ =	shalt  }
0x6c: {  	_ =	shalt  }
0x6d: {  	_ =	shalt  }
0x6e: {  	_ =	shalt  }
0x6f: {  	_ =	shalt  }
0x70: {  	_ =	shalt  }
0x71: {  	_ =	shalt  }
0x72: {  	_ =	shalt  }
0x73: {  	_ =	shalt  }
0x74: {  	_ =	shalt  }
0x75: {  	_ =	shalt  }
0x76: {  	_ =	shalt  }
0x77: {  	_ =	shalt  }
0x78: {  	_ =	shalt  }
0x79: {  	_ =	shalt  }
0x7a: {  	_ =	shalt  }
0x7b: {  	_ =	shalt  }
0x7c: {  	_ =	shalt  }
0x7d: {  	_ =	shalt  }
0x7e: {  	_ =	shalt  }
0x7f: {  	_ =	shalt  }
0x80: {  	_ =	shalt  }
0x81: {  	_ =	shalt  }
0x82: {  	_ =	shalt  }
0x83: {  	_ =	shalt  }
0x84: {  	_ =	shalt  }
0x85: {  	_ =	shalt  }
0x86: {  	_ =	shalt  }
0x87: {  	_ =	shalt  }
.Lfunc_end0:
.L_simem_size_0:
called_computation_lowered:
.L_overlay_start_0:
0x88: {  	s2 =	sld [smem:$0x3FD9]  }
0x89: {  	s3 =	sld [smem:$0x3FFE];
	_ =	sdelay $0x1  }
0x8a: {  	s1 =	srdreg.scid  }
0x8b: {  	s0 =	sand.u32 $0x1, s1  }
0x8c: {  	s17 =	sshll.u32 s0, $0xA;
	s2 =	sadd.s32 s3, s2  }
0x8d: {  	s2 =	sadd.s32 s2, s17  }
0x8e: {  	[smem:$0x3FC2] =	sst s2  }
0x8f: {  	_ = 	snop  }
0x90: {  	s2 =	sld [smem:$0x3FD0];
	(tm) =	ssettm $0x1  }
0x91: {  	s18 =	sld [smem:$0x3FFB];
	_ =	sdelay $0x3  }
0x92: {  	_ =	strace s18  }
0x93: {  	s3 =	sld [smem:$0x3FFC];
	_ =	sdelay $0x3  }
0x94: {  	_ =	strace s3  }
0x95: {  	s3 =	sld [smem:$0x3FFD];
	_ =	sdelay $0x3  }
0x96: {  	_ =	strace s3  }
0x97: {  	_ =	strace $0x8FFFFFFF  }
0x98: {  	s19 =	sld [smem:$0x3FDB];
	_ =	sdelay $0x1  }
0x99: {  	s4 =	simm.s32 $_scs_section_size  }
0x9a: {  	s5 =	simm.s32 $_size__tile_overlayer_lowered;
	s6 =	simm.s32 $_tile_overlayer_lowered  }
0x9b: {  	s22 =	simm.s32 $0x1BFF;
	s21 =	sshll.u32 s6, $0x1;
	s3 =	sadd.s32 s4, s19  }
0x9c: {  	s7 =	simm.s32 $0x0;
	s20 =	sshll.u32 s5, $0x1;
	s5 =	sadd.s32 s21, s3  }
0x9d: {  	[timem:s7], [sflag:s22] =	dma.local [hbm:s5], s20  }
0x9e: {  	_ =	swait.ge [sflag:s22], s20  }
0x9f: {  	s4 =	ssub.s32 $0x0, s20;
	[sflag:s22] =	ssyncset.done $0x0  }
0xa0: {  	[sflag:s22] =	ssyncadd.s32 s4;
	_ =	sdelay $0x1  }
0xa1: {  	s23 =	simm.s32 $0x1B8B  }
0xa2: {  	_ =	swait.ge [sflag:s23], $0x1  }
0xa3: {  	[sflag:s23] =	ssyncset.done $0x0  }
0xa4: {  	s25 =	simm.s32 $0x1B8E;
	s24 =	sld [smem:$0x3FFE];
	[sflag:s23] =	ssyncadd.s32 $0xFFFFFFFF  }
0xa5: {  	s26 =	simm.s32 $execute0_lowered;
	[smem:$0x3FD2] =	sst s25  }
0xa6: {  	s5 =	sshll.u32 s26, $0x1;
	_ =	strace $0x80000046;
	[dreg:$0x1] =	wrdreg $0xFFFFFFFF  }
0xa7: {  	s28 =	simm.s32 $_size_execute0_lowered;
	s3 =	sadd.s32 s3, s5;
	[dreg:$0x0] =	wrdreg $0x0  }
0xa8: {  	s5 =	sshll.u32 s28, $0x1;
	[dreg:$0x2] =	wrdreg s3  }
0xa9: {  	[dreg:$0x3] =	wrdreg s5  }
0xaa: {  	[dreg:$0x4] =	wrdreg $0xC0  }
0xab: {  	_ =	task [dreg:s7], $0x5FFFF  }
0xac: {  	[dreg:$0x1] =	wrdreg $0xFFFFFFFF  }
0xad: {  	[dreg:$0x0] =	wrdreg $0x60  }
0xae: {  	[dreg:$0x2] =	wrdreg s24  }
0xaf: {  	[dreg:$0x3] =	wrdreg s2  }
0xb0: {  	[dreg:$0x4] =	wrdreg $0x193800  }
0xb1: {  	[dreg:$0x5] =	wrdreg $0x1B3C00  }
0xb2: {  	[dreg:$0x6] =	wrdreg $0x1C3E00  }
0xb3: {  	[dreg:$0x7] =	wrdreg $0x1D4000  }
0xb4: {  	[dreg:$0x8] =	wrdreg $0x1E4200  }
0xb5: {  	[dreg:$0x9] =	wrdreg $0x9  }
0xb6: {  	_ =	task.clear_ibuf [dreg:s7], $0xAFFFF;
	_ =	strace $0x90000046  }
0xb7: {  	s29 =	simm.s32 $0x9;
	_ =	strace $0x80000048  }
0xb8: {  	_ =	swait.ge [sflag:s29], $0x1  }
0xb9: {  	[sflag:s29] =	ssyncadd.s32 $0xFFFFFFFF  }
0xba: {  	_ =	strace $0x90000048  }
0xbb: {  	_ =	sfence  }
0xbc: {  	s30 =	sld [smem:$0x0];
	_ =	sdelay $0x2  }
0xbd: {  	s31 =	sshll.u32 s1, $0xD;
	s1 =	sshrl.u32 s1, $0x2  }
0xbe: {  	s3 =	sand.u32 $0x4000, s31;
	s1 =	sadd.s32 s1, s30  }
0xbf: {  	s0 =	sor.u32 s3, s0;
	s1 =	sshll.u32 s1, $0x11  }
0xc0: {  	s0 =	sor.u32 s1, s0  }
0xc1: {  	s0 =	sadd.s32 $0x8F2B, s0  }
0xc2: {  	[sflag:s0] =	ssyncadd.remote.s32 $0x1  }
0xc3: {  	_ =	sfence.sel $0xFFFF  }
0xc4: {  	[dreg:$0x0] =	wrdreg $0xFFFFFFFF;
	(pc) =	sbr.abs _section_cstart, $3  }
0xc5: {  	[dreg:$0x1] =	wrdreg $0xFFFFFFFF  }
0xc6: {  	_ =	task.clear_ibuf [dreg:s7], $0x2FFFF;
	_ =	strace $0x9FFFFFFF  }
0xc7: {  	(tm) =	ssettm $0x7FFFFFFF  }
tec
execute0_lowered:
.L_overlay_start_1:
0x0: {  	(tag) =	ssettag $0x1  }
0x1: {  	s0 =	rddreg [dreg:$0x0]  }
0x2: {  	s4 =	rddreg [dreg:$0x2]  }
0x3: {  	s5 =	rddreg [dreg:$0x3]  }
0x4: {  	s6 =	rddreg [dreg:$0x4]  }
0x5: {  	s12 =	rddreg [dreg:$0x5]  }
0x6: {  	s13 =	rddreg [dreg:$0x6];
	s7 =	simm.s32 $0x0;
	s1 =	srdreg.scid  }
0x7: {  	s21 =	stileid.u32;
	s30 =	simm.s32 $0x1;
	s28 =	simm.s32 $0x800  }
0x8: {  	[smem:$0x7FF] =	sst s7;
	s8 =	sadd.s32 $0x82000, s0;
	s1 =	sand.u32 $0x1, s1  }
0x9: {  	s9 =	sadd.s32 $0x102000, s0;
	s10 =	sadd.s32 $0x2000, s0;
	s3 =	sadd.s32 $0x62000, s0  }
0xa: {  	s0 =	sadd.s32 $0x182000, s0;
	_ =	strace $0x80000047;
	[dreg:$0x8] =	wrdreg s3  }
0xb: {  	s14 =	sshll.u32 s21, $0xF;
	s11 =	sshrl.u32 s21, $0x1;
	[dreg:$0x9] =	wrdreg s0  }
0xc: {  	s15 =	smul.u32 $0x1020, s21;
	s23 =	sand.u32 $0x1, s21;
	[dreg:$0xd] =	wrdreg s11  }
0xd: {  	s2 =	ssub.s32 $0x2, s1;
	s22 =	sshll.u32 s1, $0x2;
	[dreg:$0xb] =	wrdreg s14  }
0xe: {  	p0 =	seq.s32 s23, $0x1;
	s1 =	sshll.u32 s1, $0x3;
	[dreg:$0xa] =	wrdreg s22  }
0xf: {  	s17 =	sand.u32 $0x8000, s14;
	s20 =	sshrl.u32 s2, $0x1;
	[dreg:$0xe] =	wrdreg s1  }
0x10: {  	s24 =	sadd.s32 $0x800, s15;
	s23 =	sadd.s32 s15, s5;
	[dreg:$0xc] =	wrdreg s15  }
0x11: {  	s1 =	sor.u32 s11, s1;
	s25 =	sadd.s32 s24, s5;
	[dreg:$0x1b] =	wrdreg s23  }
0x12: {  	s16 =	sadd.s32 $0x1000, s15;
	s26 =	sadd.s32 s24, s6;
	[dreg:$0x10] =	wrdreg s25  }
0x13: {  	s0 =	ssub.s32 s2, s20;
	s29 =	sadd.s32 s24, s12;
	[dreg:$0x11] =	wrdreg s26  }
0x14: {  	s2 =	simm.s32 $0x10200;
	s3 =	sadd.s32 s24, s13;
	[dreg:$0x12] =	wrdreg s29  }
0x15: {  	v0 =	vimm.s32 $0xEDCBA987;
	v1 =	vimm.s32 $0x65432100;
	s11 =	smul.u32 $0x30000, s1;
	s18 =	sadd.s32 s16, s5;
	[dreg:$0x14] =	wrdreg s3  }
0x16: {  	v2 =	vimm.s32 $0xDCBA9876;
	v3 =	vimm.s32 $0x54321000;
	v4 =	vimm.s32 $0xE40000;
	s19 =	sadd.s32 s16, s6;
	s20 =	sadd.s32 s16, s12;
	[dreg:$0x15] =	wrdreg s18  }
0x17: {  	v5 =	vimm.s32 $0xBA987654;
	v6 =	vimm.s32 $0xFFEDCBA9;
	v0 =	vunpack.c.l.s4.s8 v0;
	s1 =	sadd.s32 s16, s13;
	s24 =	sadd.s32 s15, s6;
	[dreg:$0x16] =	wrdreg s19  }
0x18: {  	v7 =	vimm.s32 $0x87654321;
	vm0 =	vcmask $0x3F30;
	v1 =	vunpack.c.l.s4.s8 v1;
	s23 =	smov.u32 s13;
	s16 =	sor.u32 $0x1000, s14;
	[dreg:$0x17] =	wrdreg s20  }
0x19: {  	vm1 =	vcmask $0x3F08;
	vm2 =	vcmask $0x3F10;
	v0 =	vunpack.c.0.s8.s32 v0;
	s2 =	simm.s32 @!p0 $0x0;
	[dreg:$0x18] =	wrdreg s1;
	s0 =	smax.u32 s0, $0x1  }
0x1a: {  	vm3 =	vcmask $0x3F20;
	v4 =	vunpack.c.l.s2.s4 v4;
	v1 =	vunpack.c.0.s8.s32 v1;
	s18 =	smov.u32 s6;
	[dreg:$0x1c] =	wrdreg s24;
	s19 =	smov.u32 s12  }
0x1b: {  	v2 =	vunpack.c.l.s4.s8 v2;
	v3 =	vunpack.c.l.s4.s8 v3;
	v0 =	vand.u32 $0xF, v0;
	s25 =	sadd.s32 s15, s12;
	s26 =	sadd.s32 s15, s13;
	s20 =	sor.u32 $0x800, s14  }
0x1c: {  	v6 =	vunpack.c.l.s4.s8 v6;
	v4 =	vunpack.c.l.s4.s8 v4;
	s24 =	simm.s32 $0x13200;
	s12 =	simm.s32 $0x13A00;
	[dreg:$0x13] =	wrdreg s11;
	v0 =	vcombine.low v1, v0  }
0x1d: {  	s13 =	simm.s32 $0x14200;
	s21 =	sadd.s32 s2, s4;
	[dreg:$0x1a] =	wrdreg s0;
	v1 =	vunpack.c.0.s8.s32 v2;
	v2 =	vunpack.c.l.s4.s8 v5;
	v5 =	vimm.s32 $0x32100000  }
0x1e: {  	v7 =	vunpack.c.l.s4.s8 v7;
	v3 =	vunpack.c.0.s8.s32 v3;
	s2 =	sor.u32 s17, s11;
	s0 =	sadd.s32 s15, s4;
	[dreg:$0x1d] =	wrdreg s25;
	v5 =	vunpack.c.l.s4.s8 v5  }
0x1f: {  	v4 =	vunpack.c.0.s8.s32 v4;
	s11 =	simm.s32 $0x10200;
	s17 =	smov.u32 s5;
	[dreg:$0x1e] =	wrdreg s26;
	v1 =	vand.u32 $0xF, v1;
	v2 =	vunpack.c.0.s8.s32 v2  }
0x20: {  	s22 =	sshrl.u32 s2, $0x3;
	s31 =	sadd.s32 $0x10200, s0;
	[dreg:$0xf] =	wrdreg s21;
	v1 =	vcombine.low v3, v1;
	v3 =	vimm.s32 $0x7060504;
	v5 =	vunpack.c.0.s8.s32 v5  }
0x21: {  	s25 =	simm.s32 $0x2;
	v4 =	vand.u32 $0x3, v4;
	s1 =	sadd.s32 s10, s22;
	[smem:$0x7FD] =	sst s31;
	v2 =	vand.u32 $0xF, v2;
	v3 =	vunpack.c.0.s8.s32 v3  }
0x22: {  	s26 =	simm.s32 $0x3;
	s29 =	sadd.s32 $0x2000, s1;
	[dreg:$0x19] =	wrdreg s1;
	v2 =	vcombine.low v5, v2;
	v5 =	vunpack.c.0.s8.s32 v6;
	v6 =	vunpack.c.0.s8.s32 v7  }
0x23: {  	vm4 =	vcmask $0x3F3C;
	s15 =	simm.s32 $0x14A00;
	s1 =	sadd.s32 $0x4000, s1;
	[dreg:$0x1f] =	wrdreg s29;
	v3 =	vsel vm0, v3, v4;
	v4 =	vimm.f32 $1.000000000e+09  }
0x24: {  	s2 =	simm.s32 $0x0;
	s22 =	simm.s32 $0x12A00;
	[smem:$0x7FC] =	sst s1;
	vm0 =	vcmask $0x3F04;
	v5 =	vcombine.low v6, v5;
	v6 =	vimm.f32 $0.0e+00  }
.LBB2_1:
0x25: {  	[smem:$0x7FB] =	sst s2;
	s2 =	simm.s32 $0x0  }
.LBB2_2:
0x26: {  	s1 =	rddreg [dreg:$0xa]  }
0x27: {  	s1 =	sadd.s32 s1, s2  }
0x28: {  	s5 =	rddreg [dreg:$0xb];
	s14 =	sshll.u32 s1, $0x13  }
0x29: {  	[smem:$0x7F8] =	sst s1;
	s1 =	sor.u32 s5, s14  }
0x2a: {  	s6 =	sshrl.u32 s1, $0x3  }
0x2b: {  	[smem:$0x7F7] =	sst s2;
	s3 =	simm.s32 $0x0;
	s4 =	sadd.s32 s8, s6  }
0x2c: {  	[tilespmem:s11], [sflag:$0x2] =	stream.linear.gather [hbm4b:s4+s3], $0x800, $0x38;
	[tilespmem:$0x1F440] =	vst v63  }
0x2d: {  	s29 =	simm.s32 $0x10A00;
	s21 =	sadd.s32 s9, s6;
	[smem:$0x7F9] =	sst s4  }
0x2e: {  	[tilespmem:s29], [sflag:$0x2] =	stream.linear.gather [hbm4b:s21+s3], $0x800, $0x38;
	[tilespmem:$0x1F440] =	vst v63  }
0x2f: {  	s2 =	simm.s32 $0x40;
	[smem:$0x7FA] =	sst s21;
	s3 =	simm.s32 $0x0  }
.LBB2_3:
0x30: {  	p0 =	seq.s32 s2, $0x407C0;
	[tilespmem:s3+$0x0] =	vst v4;
	s3 =	smov.u32 s2;
	s2 =	sadd.s32 $0x40, s2  }
.Ltmp0:
0x31: {  	(pc) =	sbr.rel @!p0 .LBB2_3-.Ltmp0, $2  }
0x32: {  	_ =	sdelay $0x2  }
0x33: {  	s3 =	sshra.s32 s3, $0x2  }
0x34: {  	[tilespmem:s3+$0x0] =	vst v4;
	s2 =	sor.u32 $0x1000, s1;
	s29 =	simm.s32 $0x0;
	s21 =	simm.s32 $0x0  }
.LBB2_5:
0x35: {  	s3 =	sshll.u32 s21, $0xC  }
0x36: {  	s4 =	sor.u32 s3, s1  }
0x37: {  	s4 =	sshrl.u32 s4, $0x3  }
0x38: {  	s4 =	sor.u32 $0x100, s4  }
0x39: {  	s5 =	sadd.s32 s8, s4  }
0x3a: {  	[tilespmem:s22], [sflag:$0x3] =	stream.linear.gather [hbm4b:s5+s29], $0x800, $0x38;
	[tilespmem:$0x1F440] =	vst v63  }
0x3b: {  	s4 =	sadd.s32 s9, s4  }
0x3c: {  	[tilespmem:s24], [sflag:$0x3] =	stream.linear.gather [hbm4b:s4+s29], $0x800, $0x38;
	[tilespmem:$0x1F440] =	vst v63  }
0x3d: {  	_ =	swait.ge [sflag:s25], $0x800  }
0x3e: {  	[sflag:s25] =	ssyncset.done $0x0  }
0x3f: {  	[sflag:s25] =	ssyncadd.s32 $0xFFFFF800  }
0x40: {  	_ =	swait.ge [sflag:s25], $0x800  }
0x41: {  	[sflag:s25] =	ssyncset.done $0x0  }
0x42: {  	s5 =	simm.s32 $0x0;
	s4 =	simm.s32 $0x40;
	[sflag:s25] =	ssyncadd.s32 $0xFFFFF800  }
.LBB2_6:
0x43: {  	p0 =	sne.s32 s4, $0x1FC0;
	v7 =	vld [tilespmem:s5+$0x10200]  }
0x44: {  	v8 =	vld [tilespmem:s5+$0x10A00];
	_ =	sdelay $0x3  }
0x45: {  	v7 =	vxor.u32 $0x80000000, v7  }
0x46: {  	(xrf1) =	vsort.ascd.msk.u32 $0xffff, v7, v8;
	_ =	sdelay $0xd  }
0x47: {  	v7, v8, _ =	vpop (xrf1)  }
0x48: {  	v7 =	vxor.u32 $0x80000000, v7  }
0x49: {  	v9 =	vperm.xlane v7, v0  }
0x4a: {  	v10 =	vperm.xlane v8, v0  }
0x4b: {  	vm5 =	veq.s32 v9, v7  }
0x4c: {  	v9 =	vmin.f32 v8, v10;
	vm5 =	vmand vm5, vm0  }
0x4d: {  	v8 =	vsel vm5, v9, v8;
	v9 =	vperm.xlane v7, v1  }
0x4e: {  	v10 =	vperm.xlane v8, v1  }
0x4f: {  	vm5 =	veq.s32 v9, v7  }
0x50: {  	vm5 =	vmand vm5, vm1;
	v9 =	vmin.f32 v8, v10  }
0x51: {  	v8 =	vsel vm5, v9, v8;
	v9 =	vperm.xlane v7, v2  }
0x52: {  	v11 =	vperm.xlane v7, v5;
	v10 =	vperm.xlane v8, v2  }
0x53: {  	vm5 =	veq.s32 v9, v7  }
0x54: {  	vm6 =	vne.s32 v11, v7;
	vm5 =	vmand vm5, vm2;
	v9 =	vmin.f32 v8, v10;
	v10 =	vld.idx.msk [tilespmem:v7+s7+$0x0], $0xffff  }
0x55: {  	v8 =	vsel vm5, v9, v8;
	v9 =	vperm.xlane v7, v3;
	vm5 =	vmor vm6, vm4  }
0x56: {  	v11 =	vperm.xlane v8, v3  }
.Ltmp1:
0x57: {  	vm6 =	veq.s32 v9, v7;
	(pc) =	sbr.rel @p0 .LBB2_6-.Ltmp1, $4  }
0x58: {  	vm6 =	vmand vm6, vm3;
	v9 =	vmin.f32 v8, v11  }
0x59: {  	v8 =	vsel vm6, v9, v8  }
0x5a: {  	v8 =	vmin.f32 v8, v10  }
0x5b: {  	s5 =	sshra.s32 s4, $0x2;
	s4 =	sadd.s32 $0x40, s4;
	[tilespmem:v7+s7+$0x0] =	vst.idx.msk vm5, v8  }
0x5c: {  	v7 =	vld [tilespmem:s5+$0x10200]  }
0x5d: {  	v8 =	vld [tilespmem:s5+$0x10A00];
	_ =	sdelay $0x3  }
0x5e: {  	v7 =	vxor.u32 $0x80000000, v7  }
0x5f: {  	(xrf1) =	vsort.ascd.msk.u32 $0xffff, v7, v8;
	_ =	sdelay $0xd  }
0x60: {  	v7, v8, _ =	vpop (xrf1)  }
0x61: {  	v7 =	vxor.u32 $0x80000000, v7  }
0x62: {  	v9 =	vperm.xlane v7, v0  }
0x63: {  	v10 =	vperm.xlane v8, v0  }
0x64: {  	vm5 =	veq.s32 v9, v7  }
0x65: {  	v53 =	vmin.f32 v8, v10;
	vm5 =	vmand vm5, vm0  }
0x66: {  	v54 =	vperm.xlane v7, v1;
	v8 =	vsel vm5, v53, v8  }
0x67: {  	v55 =	vperm.xlane v8, v1  }
0x68: {  	vm5 =	veq.s32 v54, v7  }
0x69: {  	vm5 =	vmand vm5, vm1;
	v56 =	vmin.f32 v8, v55  }
0x6a: {  	v57 =	vperm.xlane v7, v2;
	v8 =	vsel vm5, v56, v8  }
0x6b: {  	v11 =	vperm.xlane v7, v5;
	v58 =	vperm.xlane v8, v2  }
0x6c: {  	vm5 =	veq.s32 v57, v7  }
0x6d: {  	vm6 =	vne.s32 v11, v7;
	vm5 =	vmand vm5, vm2;
	v59 =	vmin.f32 v8, v58  }
0x6e: {  	v61 =	vperm.xlane v7, v3;
	v60 =	vld.idx.msk [tilespmem:v7+s7+$0x0], $0xffff;
	v8 =	vsel vm5, v59, v8;
	vm5 =	vmor vm6, vm4  }
0x6f: {  	v62 =	vperm.xlane v8, v3  }
0x70: {  	vm6 =	veq.s32 v61, v7  }
0x71: {  	p0 =	seq.s32 s21, $0x7;
	vm6 =	vmand vm6, vm3;
	v63 =	vmin.f32 v8, v62  }
0x72: {  	s3 =	sadd.s32 @!p0 s3, s2;
	v8 =	vsel vm6, v63, v8  }
0x73: {  	s3 =	sshrl.u32 @!p0 s3, $0x3;
	v8 =	vmin.f32 v8, v60  }
0x74: {  	s5 =	simm.s32 @!p0 $0x0;
	s6 =	simm.s32 @!p0 $0x10200;
	s4 =	sadd.s32 @!p0 s8, s3;
	[tilespmem:v7+s7+$0x0] =	vst.idx.msk vm5, v8  }
0x75: {  	[tilespmem:s6], [sflag:$0x2] =	stream.linear.gather @!p0 [hbm4b:s4+s5], $0x800, $0x38;
	[tilespmem:$0x1F440] =	vst v63  }
0x76: {  	s3 =	sadd.s32 @!p0 s9, s3;
	s4 =	simm.s32 @!p0 $0x10A00  }
0x77: {  	[tilespmem:s4], [sflag:$0x2] =	stream.linear.gather @!p0 [hbm4b:s3+s5], $0x800, $0x38;
	[tilespmem:$0x1F440] =	vst v63  }
0x78: {  	_ =	swait.ge [sflag:s26], $0x800  }
0x79: {  	[sflag:s26] =	ssyncset.done $0x0  }
0x7a: {  	[sflag:s26] =	ssyncadd.s32 $0xFFFFF800  }
0x7b: {  	_ =	swait.ge [sflag:s26], $0x800  }
0x7c: {  	[sflag:s26] =	ssyncset.done $0x0  }
0x7d: {  	s4 =	simm.s32 $0x0;
	s3 =	simm.s32 $0x40;
	[sflag:s26] =	ssyncadd.s32 $0xFFFFF800  }
.LBB2_8:
0x7e: {  	p0 =	sne.s32 s3, $0x1FC0;
	v7 =	vld [tilespmem:s4+$0x12A00]  }
0x7f: {  	v8 =	vld [tilespmem:s4+$0x13200];
	_ =	sdelay $0x3  }
0x80: {  	v7 =	vxor.u32 $0x80000000, v7  }
0x81: {  	(xrf1) =	vsort.ascd.msk.u32 $0xffff, v7, v8;
	_ =	sdelay $0xd  }
0x82: {  	v7, v8, _ =	vpop (xrf1)  }
0x83: {  	v7 =	vxor.u32 $0x80000000, v7  }
0x84: {  	v9 =	vperm.xlane v7, v0  }
0x85: {  	v10 =	vperm.xlane v8, v0  }
0x86: {  	vm5 =	veq.s32 v9, v7  }
0x87: {  	v9 =	vmin.f32 v8, v10;
	vm5 =	vmand vm5, vm0  }
0x88: {  	v8 =	vsel vm5, v9, v8;
	v9 =	vperm.xlane v7, v1  }
0x89: {  	v10 =	vperm.xlane v8, v1  }
0x8a: {  	vm5 =	veq.s32 v9, v7  }
0x8b: {  	vm5 =	vmand vm5, vm1;
	v9 =	vmin.f32 v8, v10  }
0x8c: {  	v8 =	vsel vm5, v9, v8;
	v9 =	vperm.xlane v7, v2  }
0x8d: {  	v11 =	vperm.xlane v7, v5;
	v10 =	vperm.xlane v8, v2  }
0x8e: {  	vm5 =	veq.s32 v9, v7  }
0x8f: {  	vm6 =	vne.s32 v11, v7;
	vm5 =	vmand vm5, vm2;
	v9 =	vmin.f32 v8, v10;
	v10 =	vld.idx.msk [tilespmem:v7+s7+$0x0], $0xffff  }
0x90: {  	v8 =	vsel vm5, v9, v8;
	v9 =	vperm.xlane v7, v3;
	vm5 =	vmor vm6, vm4  }
0x91: {  	v11 =	vperm.xlane v8, v3  }
.Ltmp2:
0x92: {  	vm6 =	veq.s32 v9, v7;
	(pc) =	sbr.rel @p0 .LBB2_8-.Ltmp2, $4  }
0x93: {  	vm6 =	vmand vm6, vm3;
	v9 =	vmin.f32 v8, v11  }
0x94: {  	v8 =	vsel vm6, v9, v8  }
0x95: {  	v8 =	vmin.f32 v8, v10  }
0x96: {  	s4 =	sshra.s32 s3, $0x2;
	s3 =	sadd.s32 $0x40, s3;
	[tilespmem:v7+s7+$0x0] =	vst.idx.msk vm5, v8  }
0x97: {  	v7 =	vld [tilespmem:s4+$0x12A00]  }
0x98: {  	v8 =	vld [tilespmem:s4+$0x13200];
	_ =	sdelay $0x3  }
0x99: {  	v7 =	vxor.u32 $0x80000000, v7  }
0x9a: {  	(xrf1) =	vsort.ascd.msk.u32 $0xffff, v7, v8;
	_ =	sdelay $0xd  }
0x9b: {  	v7, v8, _ =	vpop (xrf1)  }
0x9c: {  	v7 =	vxor.u32 $0x80000000, v7  }
0x9d: {  	v9 =	vperm.xlane v7, v0  }
0x9e: {  	v10 =	vperm.xlane v8, v0  }
0x9f: {  	vm5 =	veq.s32 v9, v7  }
0xa0: {  	v53 =	vmin.f32 v8, v10;
	vm5 =	vmand vm5, vm0  }
0xa1: {  	v54 =	vperm.xlane v7, v1;
	v8 =	vsel vm5, v53, v8  }
0xa2: {  	v55 =	vperm.xlane v8, v1  }
0xa3: {  	vm5 =	veq.s32 v54, v7  }
0xa4: {  	vm5 =	vmand vm5, vm1;
	v56 =	vmin.f32 v8, v55  }
0xa5: {  	v57 =	vperm.xlane v7, v2;
	v8 =	vsel vm5, v56, v8  }
0xa6: {  	v11 =	vperm.xlane v7, v5;
	v58 =	vperm.xlane v8, v2  }
0xa7: {  	vm5 =	veq.s32 v57, v7  }
0xa8: {  	vm6 =	vne.s32 v11, v7;
	vm5 =	vmand vm5, vm2;
	v59 =	vmin.f32 v8, v58  }
0xa9: {  	s21 =	sadd.s32 $0x1, s21;
	v61 =	vperm.xlane v7, v3;
	v60 =	vld.idx.msk [tilespmem:v7+s7+$0x0], $0xffff;
	v8 =	vsel vm5, v59, v8;
	vm5 =	vmor vm6, vm4  }
0xaa: {  	p0 =	sne.s32 s21, $0x8;
	v62 =	vperm.xlane v8, v3  }
.Ltmp3:
0xab: {  	vm6 =	veq.s32 v61, v7;
	(pc) =	sbr.rel @p0 .LBB2_5-.Ltmp3, $4  }
0xac: {  	vm6 =	vmand vm6, vm3;
	v63 =	vmin.f32 v8, v62  }
0xad: {  	v8 =	vsel vm6, v63, v8  }
0xae: {  	v8 =	vmin.f32 v8, v60  }
0xaf: {  	s3 =	simm.s32 $0x0;
	[tilespmem:v7+s7+$0x0] =	vst.idx.msk vm5, v8  }
0xb0: {  	s1 =	simm.s32 $0x40;
	s2 =	simm.s32 $0x0  }
.LBB2_11:
0xb1: {  	p0 =	sne.s32 s1, $0x4040;
	[tilespmem:s2+$0x16200] =	vst v4;
	s2 =	smov.u32 s1;
	s1 =	sadd.s32 $0x40, s1  }
.Ltmp4:
0xb2: {  	(pc) =	sbr.rel @p0 .LBB2_11-.Ltmp4, $2  }
0xb3: {  	_ =	sdelay $0x2  }
0xb4: {  	s2 =	sshra.s32 s2, $0x2  }
0xb5: {  	s5 =	rddreg [dreg:$0xd]  }
0xb6: {  	[tilespmem:s2+$0x16200] =	vst v4;
	s6 =	rddreg [dreg:$0xf];
	s21 =	simm.s32 $0x17280;
	s29 =	simm.s32 $0x18300  }
.LBB2_13:
0xb7: {  	p0 =	sne.s32 s5, s3  }
0xb8: {  	s1 =	simm.s32 @!p0 $0x0  }
0xb9: {  	[spmem:s6] =	stream.linear.scatter @!p0 [tilespmem:s1], [sflag:$0x4], $0x10200, $0x38;
	[tilespmem:$0x1F440] =	vst v63  }
0xba: {  	s1 =	simm.s32 @!p0 $0x4  }
0xbb: {  	_ =	swait.ge @!p0 [sflag:s1], $0x10200  }
0xbc: {  	[sflag:s1] =	ssyncset.done @!p0 $0x0  }
0xbd: {  	[sflag:s1] =	ssyncadd.s32 @!p0 $0xFFFEFE00  }
0xbe: {  	[bflag:$0x0] =	sbarrier.arrive $0xFFFF  }
0xbf: {  	[tilespmem:s21], [sflag:$0x1] =	stream.linear.gather [spmem:s0], $0x1020, $0x38;
	[tilespmem:$0x1F440] =	vst v63  }
0xc0: {  	_ = 	snop  }
0xc1: {  	[tilespmem:s29], [sflag:$0x1] =	stream.linear.gather [spmem:s31], $0x1020, $0x38;
	[tilespmem:$0x1F440] =	vst v63  }
0xc2: {  	_ =	swait.ge [sflag:s30], $0x1020  }
0xc3: {  	[sflag:s30] =	ssyncset.done $0x0  }
0xc4: {  	[sflag:s30] =	ssyncadd.s32 $0xFFFFEFE0  }
0xc5: {  	_ =	swait.ge [sflag:s30], $0x1020  }
0xc6: {  	[sflag:s30] =	ssyncset.done $0x0  }
0xc7: {  	s1 =	simm.s32 $0x0;
	[sflag:s30] =	ssyncadd.s32 $0xFFFFEFE0  }
0xc8: {  	v7 =	vld [tilespmem:s1+$0x17280]  }
0xc9: {  	v8 =	vld [tilespmem:s1+$0x18300]  }
0xca: {  	v9 =	vld [tilespmem:s1+$0x16200];
	_ =	sdelay $0x3  }
0xcb: {  	s2 =	simm.s32 $0x10;
	v8 =	vmin.f32 v7, v8  }
0xcc: {  	s4 =	simm.s32 $0x80;
	v7 =	vld [tilespmem:s2+$0x17280];
	v8 =	vmin.f32 v9, v8  }
.LBB2_14:
0xcd: {  	p0 =	sne.s32 s4, $0x4040;
	v9 =	vld [tilespmem:s2+$0x18300];
	[tilespmem:s1+$0x16200] =	vst v8;
	s1 =	smov.u32 s2  }
0xce: {  	v8 =	vld [tilespmem:s1+$0x16200]  }
.Ltmp5:
0xcf: {  	(pc) =	sbr.rel @p0 .LBB2_14-.Ltmp5, $3  }
0xd0: {  	_ =	sdelay $0x1  }
0xd1: {  	s2 =	sshra.s32 s4, $0x2;
	v9 =	vmin.f32 v7, v9  }
0xd2: {  	s4 =	sadd.s32 $0x40, s4;
	v7 =	vld [tilespmem:s2+$0x17280];
	v8 =	vmin.f32 v8, v9  }
0xd3: {  	v9 =	vld [tilespmem:s2+$0x18300];
	[tilespmem:s1+$0x16200] =	vst v8  }
0xd4: {  	v8 =	vld [tilespmem:s2+$0x16200];
	_ =	sdelay $0x1  }
0xd5: {  	s3 =	sadd.s32 $0x1, s3  }
0xd6: {  	p0 =	sne.s32 s3, $0x8  }
.Ltmp6:
0xd7: {  	v7 =	vmin.f32 v7, v9;
	(pc) =	sbr.rel @p0 .LBB2_13-.Ltmp6, $3  }
0xd8: {  	v7 =	vmin.f32 v8, v7  }
0xd9: {  	[tilespmem:s2+$0x16200] =	vst v7  }
0xda: {  	[bflag:$0x0] =	sbarrier.arrive $0xFFFF;
	_ =	sdelay $0x1  }
0xdb: {  	s1 =	simm.s32 $0x16200;
	s3 =	simm.s32 $0x4  }
0xdc: {  	[spmem:s0] =	stream.linear.scatter [tilespmem:s1], [sflag:$0x4], $0x1020, $0x38;
	[tilespmem:$0x1F440] =	vst v63  }
0xdd: {  	_ =	swait.ge [sflag:s3], $0x1020  }
0xde: {  	[sflag:s3] =	ssyncset.done $0x0  }
0xdf: {  	[sflag:s3] =	ssyncadd.s32 $0xFFFFEFE0  }
0xe0: {  	[bflag:$0x0] =	sbarrier.arrive $0xFFFF  }
0xe1: {  	s31 =	simm.s32 $0x0;
	s2 =	rddreg [dreg:$0x2]  }
0xe2: {  	[tilespmem:s31], [sflag:$0x4] =	stream.linear.gather [spmem:s2], $0x10200, $0x38;
	[tilespmem:$0x1F440] =	vst v63  }
0xe3: {  	_ =	swait.ge [sflag:s3], $0x10200  }
0xe4: {  	[sflag:s3] =	ssyncset.done $0x0  }
0xe5: {  	s1 =	simm.s32 $0x40;
	s2 =	simm.s32 $0x0;
	[sflag:s3] =	ssyncadd.s32 $0xFFFEFE00  }
.LBB2_17:
0xe6: {  	p0 =	sne.s32 s1, $0x1FC0;
	[tilespmem:s2+$0x15200] =	vst v6;
	s2 =	smov.u32 s1;
	s1 =	sadd.s32 $0x40, s1  }
.Ltmp7:
0xe7: {  	(pc) =	sbr.rel @p0 .LBB2_17-.Ltmp7, $2  }
0xe8: {  	_ =	sdelay $0x2  }
0xe9: {  	s2 =	sshra.s32 s2, $0x2  }
0xea: {  	[tilespmem:s2+$0x15200] =	vst v6;
	s1 =	rddreg [dreg:$0x1b];
	s2 =	simm.s32 $0x15200  }
0xeb: {  	[spmem:s1] =	stream.linear.scatter [tilespmem:s2], [sflag:$0x1], $0x800, $0x38;
	[tilespmem:$0x1F440] =	vst v63  }
0xec: {  	s29 =	rddreg [dreg:$0x10]  }
0xed: {  	[spmem:s29] =	stream.linear.scatter [tilespmem:s2], [sflag:$0x1], $0x800, $0x38;
	[tilespmem:$0x1F440] =	vst v63  }
0xee: {  	s3 =	rddreg [dreg:$0x15]  }
0xef: {  	[spmem:s3] =	stream.linear.scatter [tilespmem:s2], [sflag:$0x1], $0x20, $0x38;
	[tilespmem:$0x1F440] =	vst v63  }
0xf0: {  	s4 =	rddreg [dreg:$0x1c]  }
0xf1: {  	[spmem:s4] =	stream.linear.scatter [tilespmem:s2], [sflag:$0x1], $0x800, $0x38;
	[tilespmem:$0x1F440] =	vst v63  }
0xf2: {  	s5 =	rddreg [dreg:$0x11]  }
0xf3: {  	[spmem:s5] =	stream.linear.scatter [tilespmem:s2], [sflag:$0x1], $0x800, $0x38;
	[tilespmem:$0x1F440] =	vst v63  }
0xf4: {  	s6 =	rddreg [dreg:$0x16]  }
0xf5: {  	[spmem:s6] =	stream.linear.scatter [tilespmem:s2], [sflag:$0x1], $0x20, $0x38;
	[tilespmem:$0x1F440] =	vst v63  }
0xf6: {  	s21 =	rddreg [dreg:$0x1d]  }
0xf7: {  	[spmem:s21] =	stream.linear.scatter [tilespmem:s2], [sflag:$0x1], $0x800, $0x38;
	[tilespmem:$0x1F440] =	vst v63  }
0xf8: {  	s29 =	rddreg [dreg:$0x12]  }
0xf9: {  	[spmem:s29] =	stream.linear.scatter [tilespmem:s2], [sflag:$0x1], $0x800, $0x38;
	[tilespmem:$0x1F440] =	vst v63  }
0xfa: {  	s3 =	rddreg [dreg:$0x17]  }
0xfb: {  	[spmem:s3] =	stream.linear.scatter [tilespmem:s2], [sflag:$0x1], $0x20, $0x38;
	[tilespmem:$0x1F440] =	vst v63  }
0xfc: {  	s4 =	rddreg [dreg:$0x1e]  }
0xfd: {  	[spmem:s4] =	stream.linear.scatter [tilespmem:s2], [sflag:$0x1], $0x800, $0x38;
	[tilespmem:$0x1F440] =	vst v63  }
0xfe: {  	s5 =	rddreg [dreg:$0x14]  }
0xff: {  	[spmem:s5] =	stream.linear.scatter [tilespmem:s2], [sflag:$0x1], $0x800, $0x38;
	[tilespmem:$0x1F440] =	vst v63  }
0x100: {  	s6 =	rddreg [dreg:$0x18]  }
0x101: {  	[spmem:s6] =	stream.linear.scatter [tilespmem:s2], [sflag:$0x1], $0x20, $0x38;
	[tilespmem:$0x1F440] =	vst v63  }
0x102: {  	_ =	swait.ge [sflag:s30], $0x800  }
0x103: {  	[sflag:s30] =	ssyncset.done $0x0  }
0x104: {  	[sflag:s30] =	ssyncadd.s32 $0xFFFFF800  }
0x105: {  	_ =	swait.ge [sflag:s30], $0x800  }
0x106: {  	[sflag:s30] =	ssyncset.done $0x0  }
0x107: {  	[sflag:s30] =	ssyncadd.s32 $0xFFFFF800  }
0x108: {  	_ =	swait.ge [sflag:s30], $0x20  }
0x109: {  	[sflag:s30] =	ssyncset.done $0x0  }
0x10a: {  	[sflag:s30] =	ssyncadd.s32 $0xFFFFFFE0  }
0x10b: {  	_ =	swait.ge [sflag:s30], $0x800  }
0x10c: {  	[sflag:s30] =	ssyncset.done $0x0  }
0x10d: {  	[sflag:s30] =	ssyncadd.s32 $0xFFFFF800  }
0x10e: {  	_ =	swait.ge [sflag:s30], $0x800  }
0x10f: {  	[sflag:s30] =	ssyncset.done $0x0  }
0x110: {  	[sflag:s30] =	ssyncadd.s32 $0xFFFFF800  }
0x111: {  	_ =	swait.ge [sflag:s30], $0x20  }
0x112: {  	[sflag:s30] =	ssyncset.done $0x0  }
0x113: {  	[sflag:s30] =	ssyncadd.s32 $0xFFFFFFE0  }
0x114: {  	_ =	swait.ge [sflag:s30], $0x800  }
0x115: {  	[sflag:s30] =	ssyncset.done $0x0  }
0x116: {  	[sflag:s30] =	ssyncadd.s32 $0xFFFFF800  }
0x117: {  	_ =	swait.ge [sflag:s30], $0x800  }
0x118: {  	[sflag:s30] =	ssyncset.done $0x0  }
0x119: {  	[sflag:s30] =	ssyncadd.s32 $0xFFFFF800  }
0x11a: {  	_ =	swait.ge [sflag:s30], $0x20  }
0x11b: {  	[sflag:s30] =	ssyncset.done $0x0  }
0x11c: {  	[sflag:s30] =	ssyncadd.s32 $0xFFFFFFE0  }
0x11d: {  	_ =	swait.ge [sflag:s30], $0x800  }
0x11e: {  	[sflag:s30] =	ssyncset.done $0x0  }
0x11f: {  	[sflag:s30] =	ssyncadd.s32 $0xFFFFF800  }
0x120: {  	_ =	swait.ge [sflag:s30], $0x800  }
0x121: {  	[sflag:s30] =	ssyncset.done $0x0  }
0x122: {  	[sflag:s30] =	ssyncadd.s32 $0xFFFFF800  }
0x123: {  	_ =	swait.ge [sflag:s30], $0x20  }
0x124: {  	[sflag:s30] =	ssyncset.done $0x0  }
0x125: {  	[sflag:s30] =	ssyncadd.s32 $0xFFFFFFE0  }
0x126: {  	[bflag:$0x0] =	sbarrier.arrive $0xFFFF  }
0x127: {  	s21 =	sld [smem:$0x7F9];
	_ =	sdelay $0x1  }
0x128: {  	s1 =	simm.s32 $0x0;
	s3 =	sld [smem:$0x7FA]  }
0x129: {  	[tilespmem:s11], [sflag:$0x2] =	stream.linear.gather [hbm4b:s21+s1], $0x800, $0x38;
	[tilespmem:$0x1F440] =	vst v63  }
0x12a: {  	s29 =	simm.s32 $0x10A00;
	s5 =	rddreg [dreg:$0x1f]  }
0x12b: {  	[tilespmem:s29], [sflag:$0x2] =	stream.linear.gather [hbm4b:s3+s1], $0x800, $0x38;
	[tilespmem:$0x1F440] =	vst v63  }
0x12c: {  	s4 =	simm.s32 $0x11200;
	s3 =	rddreg [dreg:$0x19]  }
0x12d: {  	[tilespmem:s4], [sflag:$0x2] =	stream.linear.gather [hbm4b:s3+s1], $0x800, $0x38;
	[tilespmem:$0x1F440] =	vst v63  }
0x12e: {  	s6 =	simm.s32 $0x11A00;
	s21 =	sld [smem:$0x7FC]  }
0x12f: {  	[tilespmem:s6], [sflag:$0x2] =	stream.linear.gather [hbm4b:s5+s1], $0x800, $0x38;
	[tilespmem:$0x1F440] =	vst v63  }
0x130: {  	s31 =	simm.s32 $0x15200;
	s2 =	simm.s32 $0x0;
	s29 =	simm.s32 $0x12200  }
0x131: {  	[tilespmem:s29], [sflag:$0x2] =	stream.linear.gather [hbm4b:s21+s1], $0x800, $0x38;
	[tilespmem:$0x1F440] =	vst v63  }
.LBB2_19:
0x132: {  	s3 =	sshll.u32 s2, $0xC  }
0x133: {  	s4 =	sor.u32 s20, s3  }
0x134: {  	s5 =	sor.u32 s14, s4  }
0x135: {  	s21 =	rddreg [dreg:$0x13];
	s4 =	sand.u32 $0xF800, s4;
	s5 =	sshrl.u32 s5, $0x3  }
0x136: {  	s4 =	sor.u32 s21, s4;
	s6 =	sadd.s32 s8, s5  }
0x137: {  	[tilespmem:s22], [sflag:$0x3] =	stream.linear.gather [hbm4b:s6+s1], $0x800, $0x38;
	[tilespmem:$0x1F440] =	vst v63  }
0x138: {  	s5 =	sadd.s32 s9, s5;
	s4 =	sshrl.u32 s4, $0x3  }
0x139: {  	[tilespmem:s24], [sflag:$0x3] =	stream.linear.gather [hbm4b:s5+s1], $0x800, $0x38;
	[tilespmem:$0x1F440] =	vst v63  }
0x13a: {  	s4 =	sadd.s32 s10, s4  }
0x13b: {  	[tilespmem:s12], [sflag:$0x3] =	stream.linear.gather [hbm4b:s4+s1], $0x800, $0x38;
	[tilespmem:$0x1F440] =	vst v63  }
0x13c: {  	s21 =	sadd.s32 $0x2000, s4  }
0x13d: {  	[tilespmem:s13], [sflag:$0x3] =	stream.linear.gather [hbm4b:s21+s1], $0x800, $0x38;
	[tilespmem:$0x1F440] =	vst v63  }
0x13e: {  	s4 =	sadd.s32 $0x4000, s4  }
0x13f: {  	[tilespmem:s15], [sflag:$0x3] =	stream.linear.gather [hbm4b:s4+s1], $0x800, $0x38;
	[tilespmem:$0x1F440] =	vst v63  }
0x140: {  	_ =	swait.ge [sflag:s25], $0x800  }
0x141: {  	[sflag:s25] =	ssyncset.done $0x0  }
0x142: {  	[sflag:s25] =	ssyncadd.s32 $0xFFFFF800  }
0x143: {  	_ =	swait.ge [sflag:s25], $0x800  }
0x144: {  	[sflag:s25] =	ssyncset.done $0x0  }
0x145: {  	[sflag:s25] =	ssyncadd.s32 $0xFFFFF800  }
0x146: {  	_ =	swait.ge [sflag:s25], $0x800  }
0x147: {  	[sflag:s25] =	ssyncset.done $0x0  }
0x148: {  	[sflag:s25] =	ssyncadd.s32 $0xFFFFF800  }
0x149: {  	_ =	swait.ge [sflag:s25], $0x800  }
0x14a: {  	[sflag:s25] =	ssyncset.done $0x0  }
0x14b: {  	[sflag:s25] =	ssyncadd.s32 $0xFFFFF800  }
0x14c: {  	_ =	swait.ge [sflag:s25], $0x800  }
0x14d: {  	[sflag:s25] =	ssyncset.done $0x0  }
0x14e: {  	s4 =	simm.s32 $0x0;
	[sflag:s25] =	ssyncadd.s32 $0xFFFFF800  }
0x14f: {  	v7 =	vld [tilespmem:s4+$0x10200];
	_ =	sdelay $0x7  }
0x150: {  	v10 =	vld.idx.msk [tilespmem:v7+s7+$0x0], $0xffff;
	_ =	sdelay $0x1  }
0x151: {  	v8 =	vld [tilespmem:s4+$0x10A00]  }
0x152: {  	v9 =	vld [tilespmem:s4+$0x11200]  }
0x153: {  	v7 =	vld [tilespmem:s4+$0x11A00]  }
0x154: {  	s29 =	simm.s32 $0x80;
	s21 =	simm.s32 $0x10;
	v11 =	vmul.f32 $1.000100020e+00, v10;
	v10 =	vld [tilespmem:s4+$0x12200]  }
.LBB2_20:
0x155: {  	p0 =	sne.s32 s29, $0x1FC0;
	v12 =	vld [tilespmem:s21+$0x10200]  }
0x156: {  	vm5 =	vle.f32 v8, v11  }
0x157: {  	v8 =	vsel vm5, $0x3F800000, v6  }
0x158: {  	v9 =	vmul.f32 v8, v9;
	v7 =	vmul.f32 v8, v7;
	[tilespmem:s4+$0x15200] =	vst v8  }
0x159: {  	v8 =	vmul.f32 v10, v8  }
0x15a: {  	[tilespmem:s4+$0x11200] =	vst v9  }
0x15b: {  	[tilespmem:s4+$0x11A00] =	vst v7  }
0x15c: {  	[tilespmem:s4+$0x12200] =	vst v8;
	s4 =	smov.u32 s21  }
0x15d: {  	v10 =	vld.idx.msk [tilespmem:v12+s7+$0x0], $0xffff;
	_ =	sdelay $0x1  }
.Ltmp8:
0x15e: {  	(pc) =	sbr.rel @p0 .LBB2_20-.Ltmp8, $4  }
0x15f: {  	v8 =	vld [tilespmem:s4+$0x10A00]  }
0x160: {  	v7 =	vld [tilespmem:s4+$0x11A00]  }
0x161: {  	v9 =	vld [tilespmem:s4+$0x11200]  }
0x162: {  	s21 =	sshra.s32 s29, $0x2;
	s29 =	sadd.s32 $0x40, s29;
	v11 =	vmul.f32 $1.000100020e+00, v10;
	v10 =	vld [tilespmem:s4+$0x12200]  }
0x163: {  	v12 =	vld [tilespmem:s21+$0x10200]  }
0x164: {  	vm5 =	vle.f32 v8, v11  }
0x165: {  	v8 =	vsel vm5, $0x3F800000, v6  }
0x166: {  	v9 =	vmul.f32 v8, v9  }
0x167: {  	v7 =	vmul.f32 v8, v7;
	[tilespmem:s4+$0x15200] =	vst v8  }
0x168: {  	v8 =	vmul.f32 v10, v8;
	[tilespmem:s4+$0x11200] =	vst v9  }
0x169: {  	[tilespmem:s4+$0x11A00] =	vst v7  }
0x16a: {  	[tilespmem:s4+$0x12200] =	vst v8  }
0x16b: {  	v7 =	vld.idx.msk [tilespmem:v12+s7+$0x0], $0xffff;
	_ =	sdelay $0x1  }
0x16c: {  	v8 =	vld [tilespmem:s21+$0x10A00];
	_ =	sdelay $0x1  }
0x16d: {  	v9 =	vld [tilespmem:s21+$0x11200]  }
0x16e: {  	v10 =	vld [tilespmem:s21+$0x11A00];
	v7 =	vmul.f32 $1.000100020e+00, v7  }
0x16f: {  	v11 =	vld [tilespmem:s21+$0x12200]  }
0x170: {  	vm5 =	vle.f32 v8, v7  }
0x171: {  	v7 =	vsel vm5, $0x3F800000, v6  }
0x172: {  	v8 =	vmul.f32 v7, v9  }
0x173: {  	v9 =	vmul.f32 v7, v10;
	[tilespmem:s21+$0x15200] =	vst v7  }
0x174: {  	v7 =	vmul.f32 v11, v7;
	[tilespmem:s21+$0x11200] =	vst v8  }
0x175: {  	[tilespmem:s21+$0x11A00] =	vst v9  }
0x176: {  	s6 =	simm.s32 $0x11200;
	[tilespmem:s21+$0x12200] =	vst v7  }
0x177: {  	[spmem:s17] =	stream.indirect.scatter.add.f32 [tilespmem:s6], [sflag:$0x1], $0x1, s11, s28, $0xb8;
	[tilespmem:$0x1F440] =	vst v63  }
0x178: {  	s21 =	simm.s32 $0x11A00  }
0x179: {  	[spmem:s18] =	stream.indirect.scatter.add.f32 [tilespmem:s21], [sflag:$0x1], $0x1, s11, s28, $0xb8;
	[tilespmem:$0x1F440] =	vst v63  }
0x17a: {  	s29 =	simm.s32 $0x12200  }
0x17b: {  	[spmem:s19] =	stream.indirect.scatter.add.f32 [tilespmem:s29], [sflag:$0x1], $0x1, s11, s28, $0xb8;
	[tilespmem:$0x1F440] =	vst v63  }
0x17c: {  	_ = 	snop  }
0x17d: {  	[spmem:s23] =	stream.indirect.scatter.add.f32 [tilespmem:s31], [sflag:$0x1], $0x1, s11, s28, $0xb8;
	[tilespmem:$0x1F440] =	vst v63  }
0x17e: {  	_ =	swait.ge [sflag:s30], $0x800  }
0x17f: {  	[sflag:s30] =	ssyncset.done $0x0  }
0x180: {  	[sflag:s30] =	ssyncadd.s32 $0xFFFFF800  }
0x181: {  	_ =	swait.ge [sflag:s30], $0x800  }
0x182: {  	[sflag:s30] =	ssyncset.done $0x0  }
0x183: {  	[sflag:s30] =	ssyncadd.s32 $0xFFFFF800  }
0x184: {  	p0 =	seq.s32 s2, $0x7;
	_ =	swait.ge [sflag:s30], $0x800  }
0x185: {  	s3 =	sadd.s32 @!p0 s3, s16;
	[sflag:s30] =	ssyncset.done $0x0  }
0x186: {  	s4 =	sadd.s32 @!p0 s14, s3;
	[sflag:s30] =	ssyncadd.s32 $0xFFFFF800  }
0x187: {  	s4 =	sshrl.u32 @!p0 s4, $0x3;
	_ =	swait.ge [sflag:s30], $0x800  }
0x188: {  	s5 =	sadd.s32 @!p0 s8, s4;
	[sflag:s30] =	ssyncset.done $0x0  }
0x189: {  	s6 =	simm.s32 @!p0 $0x0;
	s21 =	simm.s32 @!p0 $0x10200;
	[sflag:s30] =	ssyncadd.s32 $0xFFFFF800  }
0x18a: {  	[tilespmem:s21], [sflag:$0x2] =	stream.linear.gather @!p0 [hbm4b:s5+s6], $0x800, $0x38;
	[tilespmem:$0x1F440] =	vst v63  }
0x18b: {  	s5 =	sshrl.u32 @!p0 s3, $0x10;
	s21 =	rddreg [dreg:$0xe]  }
0x18c: {  	s5 =	sadd.s32 @!p0 s21, s5  }
0x18d: {  	s5 =	smul.u32 @!p0 $0x30000, s5  }
0x18e: {  	s3 =	sand.u32 @!p0 $0xF000, s3  }
0x18f: {  	s4 =	sadd.s32 @!p0 s9, s4;
	s3 =	sor.u32 @!p0 s3, s5;
	s5 =	simm.s32 @!p0 $0x10A00  }
0x190: {  	[tilespmem:s5], [sflag:$0x2] =	stream.linear.gather @!p0 [hbm4b:s4+s6], $0x800, $0x38;
	[tilespmem:$0x1F440] =	vst v63  }
0x191: {  	s3 =	sshrl.u32 @!p0 s3, $0x3  }
0x192: {  	s4 =	simm.s32 @!p0 $0x11200;
	s3 =	sadd.s32 @!p0 s10, s3  }
0x193: {  	[tilespmem:s4], [sflag:$0x2] =	stream.linear.gather @!p0 [hbm4b:s3+s6], $0x800, $0x38;
	[tilespmem:$0x1F440] =	vst v63  }
0x194: {  	s5 =	simm.s32 @!p0 $0x11A00;
	s4 =	sadd.s32 @!p0 $0x2000, s3  }
0x195: {  	[tilespmem:s5], [sflag:$0x2] =	stream.linear.gather @!p0 [hbm4b:s4+s6], $0x800, $0x38;
	[tilespmem:$0x1F440] =	vst v63  }
0x196: {  	s3 =	sadd.s32 @!p0 $0x4000, s3;
	s4 =	simm.s32 @!p0 $0x12200  }
0x197: {  	[tilespmem:s4], [sflag:$0x2] =	stream.linear.gather @!p0 [hbm4b:s3+s6], $0x800, $0x38;
	[tilespmem:$0x1F440] =	vst v63  }
0x198: {  	_ =	swait.ge [sflag:s26], $0x800  }
0x199: {  	[sflag:s26] =	ssyncset.done $0x0  }
0x19a: {  	[sflag:s26] =	ssyncadd.s32 $0xFFFFF800  }
0x19b: {  	_ =	swait.ge [sflag:s26], $0x800  }
0x19c: {  	[sflag:s26] =	ssyncset.done $0x0  }
0x19d: {  	[sflag:s26] =	ssyncadd.s32 $0xFFFFF800  }
0x19e: {  	_ =	swait.ge [sflag:s26], $0x800  }
0x19f: {  	[sflag:s26] =	ssyncset.done $0x0  }
0x1a0: {  	[sflag:s26] =	ssyncadd.s32 $0xFFFFF800  }
0x1a1: {  	_ =	swait.ge [sflag:s26], $0x800  }
0x1a2: {  	[sflag:s26] =	ssyncset.done $0x0  }
0x1a3: {  	[sflag:s26] =	ssyncadd.s32 $0xFFFFF800  }
0x1a4: {  	_ =	swait.ge [sflag:s26], $0x800  }
0x1a5: {  	[sflag:s26] =	ssyncset.done $0x0  }
0x1a6: {  	s3 =	simm.s32 $0x0;
	[sflag:s26] =	ssyncadd.s32 $0xFFFFF800  }
0x1a7: {  	v7 =	vld [tilespmem:s3+$0x12A00];
	_ =	sdelay $0x7  }
0x1a8: {  	v10 =	vld.idx.msk [tilespmem:v7+s7+$0x0], $0xffff;
	_ =	sdelay $0x1  }
0x1a9: {  	v8 =	vld [tilespmem:s3+$0x13200]  }
0x1aa: {  	v9 =	vld [tilespmem:s3+$0x13A00]  }
0x1ab: {  	v7 =	vld [tilespmem:s3+$0x14200]  }
0x1ac: {  	s21 =	simm.s32 $0x80;
	s4 =	simm.s32 $0x10;
	v11 =	vmul.f32 $1.000100020e+00, v10;
	v10 =	vld [tilespmem:s3+$0x14A00]  }
.LBB2_22:
0x1ad: {  	p0 =	sne.s32 s21, $0x1FC0;
	v12 =	vld [tilespmem:s4+$0x12A00]  }
0x1ae: {  	vm5 =	vle.f32 v8, v11  }
0x1af: {  	v8 =	vsel vm5, $0x3F800000, v6  }
0x1b0: {  	v9 =	vmul.f32 v8, v9;
	v7 =	vmul.f32 v8, v7;
	[tilespmem:s3+$0x15A00] =	vst v8  }
0x1b1: {  	v8 =	vmul.f32 v10, v8  }
0x1b2: {  	[tilespmem:s3+$0x13A00] =	vst v9  }
0x1b3: {  	[tilespmem:s3+$0x14200] =	vst v7  }
0x1b4: {  	[tilespmem:s3+$0x14A00] =	vst v8;
	s3 =	smov.u32 s4  }
0x1b5: {  	v10 =	vld.idx.msk [tilespmem:v12+s7+$0x0], $0xffff;
	_ =	sdelay $0x1  }
.Ltmp9:
0x1b6: {  	(pc) =	sbr.rel @p0 .LBB2_22-.Ltmp9, $4  }
0x1b7: {  	v8 =	vld [tilespmem:s3+$0x13200]  }
0x1b8: {  	v7 =	vld [tilespmem:s3+$0x14200]  }
0x1b9: {  	v9 =	vld [tilespmem:s3+$0x13A00]  }
0x1ba: {  	s4 =	sshra.s32 s21, $0x2;
	s21 =	sadd.s32 $0x40, s21;
	v11 =	vmul.f32 $1.000100020e+00, v10;
	v10 =	vld [tilespmem:s3+$0x14A00]  }
0x1bb: {  	v12 =	vld [tilespmem:s4+$0x12A00]  }
0x1bc: {  	vm5 =	vle.f32 v8, v11  }
0x1bd: {  	v8 =	vsel vm5, $0x3F800000, v6  }
0x1be: {  	v9 =	vmul.f32 v8, v9  }
0x1bf: {  	v7 =	vmul.f32 v8, v7;
	[tilespmem:s3+$0x15A00] =	vst v8  }
0x1c0: {  	v8 =	vmul.f32 v10, v8;
	[tilespmem:s3+$0x13A00] =	vst v9  }
0x1c1: {  	[tilespmem:s3+$0x14200] =	vst v7  }
0x1c2: {  	[tilespmem:s3+$0x14A00] =	vst v8  }
0x1c3: {  	v7 =	vld.idx.msk [tilespmem:v12+s7+$0x0], $0xffff;
	_ =	sdelay $0x1  }
0x1c4: {  	v8 =	vld [tilespmem:s4+$0x13200];
	_ =	sdelay $0x1  }
0x1c5: {  	v9 =	vld [tilespmem:s4+$0x13A00]  }
0x1c6: {  	v61 =	vld [tilespmem:s4+$0x14200];
	v7 =	vmul.f32 $1.000100020e+00, v7  }
0x1c7: {  	v62 =	vld [tilespmem:s4+$0x14A00]  }
0x1c8: {  	vm5 =	vle.f32 v8, v7  }
0x1c9: {  	v7 =	vsel vm5, $0x3F800000, v6  }
0x1ca: {  	v8 =	vmul.f32 v7, v9  }
0x1cb: {  	v63 =	vmul.f32 v7, v61;
	[tilespmem:s4+$0x15A00] =	vst v7  }
0x1cc: {  	v7 =	vmul.f32 v62, v7;
	[tilespmem:s4+$0x13A00] =	vst v8  }
0x1cd: {  	[tilespmem:s4+$0x14200] =	vst v63  }
0x1ce: {  	[tilespmem:s4+$0x14A00] =	vst v7  }
0x1cf: {  	[spmem:s17] =	stream.indirect.scatter.add.f32 [tilespmem:s12], [sflag:$0x1], $0x1, s22, s28, $0xb8;
	[tilespmem:$0x1F440] =	vst v63  }
0x1d0: {  	_ = 	snop  }
0x1d1: {  	[spmem:s18] =	stream.indirect.scatter.add.f32 [tilespmem:s13], [sflag:$0x1], $0x1, s22, s28, $0xb8;
	[tilespmem:$0x1F440] =	vst v63  }
0x1d2: {  	_ = 	snop  }
0x1d3: {  	[spmem:s19] =	stream.indirect.scatter.add.f32 [tilespmem:s15], [sflag:$0x1], $0x1, s22, s28, $0xb8;
	[tilespmem:$0x1F440] =	vst v63  }
0x1d4: {  	s29 =	simm.s32 $0x15A00  }
0x1d5: {  	[spmem:s23] =	stream.indirect.scatter.add.f32 [tilespmem:s29], [sflag:$0x1], $0x1, s22, s28, $0xb8;
	[tilespmem:$0x1F440] =	vst v63  }
0x1d6: {  	_ =	swait.ge [sflag:s30], $0x800  }
0x1d7: {  	[sflag:s30] =	ssyncset.done $0x0  }
0x1d8: {  	[sflag:s30] =	ssyncadd.s32 $0xFFFFF800  }
0x1d9: {  	_ =	swait.ge [sflag:s30], $0x800  }
0x1da: {  	[sflag:s30] =	ssyncset.done $0x0  }
0x1db: {  	s2 =	sadd.s32 $0x1, s2;
	[sflag:s30] =	ssyncadd.s32 $0xFFFFF800  }
0x1dc: {  	p0 =	sne.s32 s2, $0x8;
	_ =	swait.ge [sflag:s30], $0x800  }
.Ltmp10:
0x1dd: {  	[sflag:s30] =	ssyncset.done $0x0;
	(pc) =	sbr.rel @p0 .LBB2_19-.Ltmp10, $4  }
0x1de: {  	[sflag:s30] =	ssyncadd.s32 $0xFFFFF800  }
0x1df: {  	_ =	swait.ge [sflag:s30], $0x800  }
0x1e0: {  	[sflag:s30] =	ssyncset.done $0x0  }
0x1e1: {  	[sflag:s30] =	ssyncadd.s32 $0xFFFFF800  }
0x1e2: {  	[bflag:$0x0] =	sbarrier.arrive $0xFFFF  }
0x1e3: {  	s2 =	simm.s32 $0x17280;
	s1 =	rddreg [dreg:$0x1e]  }
0x1e4: {  	[tilespmem:s2], [sflag:$0x1] =	stream.linear.gather [spmem:s1], $0x1020, $0x38;
	[tilespmem:$0x1F440] =	vst v63  }
0x1e5: {  	s5 =	simm.s32 $0x18300;
	s6 =	rddreg [dreg:$0x1b]  }
0x1e6: {  	[tilespmem:s5], [sflag:$0x1] =	stream.linear.gather [spmem:s6], $0x1020, $0x38;
	[tilespmem:$0x1F440] =	vst v63  }
0x1e7: {  	s21 =	simm.s32 $0x16200;
	s14 =	rddreg [dreg:$0x1c]  }
0x1e8: {  	[tilespmem:s21], [sflag:$0x1] =	stream.linear.gather [spmem:s14], $0x1020, $0x38;
	[tilespmem:$0x1F440] =	vst v63  }
0x1e9: {  	s29 =	simm.s32 $0x0;
	s31 =	rddreg [dreg:$0x1d]  }
0x1ea: {  	[tilespmem:s29], [sflag:$0x1] =	stream.linear.gather [spmem:s31], $0x1020, $0x38;
	[tilespmem:$0x1F440] =	vst v63  }
0x1eb: {  	_ =	swait.ge [sflag:s30], $0x1020  }
0x1ec: {  	[sflag:s30] =	ssyncset.done $0x0  }
0x1ed: {  	[sflag:s30] =	ssyncadd.s32 $0xFFFFEFE0  }
0x1ee: {  	_ =	swait.ge [sflag:s30], $0x1020  }
0x1ef: {  	[sflag:s30] =	ssyncset.done $0x0  }
0x1f0: {  	[sflag:s30] =	ssyncadd.s32 $0xFFFFEFE0  }
0x1f1: {  	_ =	swait.ge [sflag:s30], $0x1020  }
0x1f2: {  	[sflag:s30] =	ssyncset.done $0x0  }
0x1f3: {  	[sflag:s30] =	ssyncadd.s32 $0xFFFFEFE0  }
0x1f4: {  	_ =	swait.ge [sflag:s30], $0x1020  }
0x1f5: {  	[sflag:s30] =	ssyncset.done $0x0  }
0x1f6: {  	s3 =	simm.s32 $0x0;
	[sflag:s30] =	ssyncadd.s32 $0xFFFFEFE0  }
0x1f7: {  	v7 =	vld [tilespmem:s3+$0x17280];
	_ =	sdelay $0x4  }
0x1f8: {  	v7 =	vmax.f32 v7, $1.000000000e+00  }
0x1f9: {  	(erf) = vrcp.f32 v7  }
0x1fa: {  	s1 =	simm.s32 $0x10  }
0x1fb: {  	v7 =	vld [tilespmem:s1+$0x17280];
	_ =	sdelay $0x2  }
0x1fc: {  	v10 =	vld [tilespmem:s3+$0x18300]  }
0x1fd: {  	v12 =	vld [tilespmem:s3+$0x16200]  }
0x1fe: {  	v8 =	vld [tilespmem:s3+$0x0];
	v7 =	vmax.f32 v7, $1.000000000e+00  }
0x1ff: {  	(erf) = vrcp.f32 v7  }
0x200: {  	s2 =	simm.s32 $0x20;
	v9 =	vpop (erf)  }
0x201: {  	v7 =	vld [tilespmem:s2+$0x17280];
	v11 =	vmul.f32 v9, v10  }
0x202: {  	s4 =	simm.s32 $0xC0;
	v10 =	vmul.f32 v12, v9  }
.LBB2_25:
0x203: {  	p0 =	sne.s32 s4, $0x4040;
	[tilespmem:s3+$0x18300] =	vst v11;
	v8 =	vmul.f32 v8, v9  }
0x204: {  	v11 =	vld [tilespmem:s1+$0x18300];
	[tilespmem:s3+$0x16200] =	vst v10  }
0x205: {  	v10 =	vld [tilespmem:s1+$0x16200];
	[tilespmem:s3+$0x0] =	vst v8;
	s3 =	smov.u32 s1;
	s1 =	smov.u32 s2  }
.Ltmp11:
0x206: {  	v7 =	vmax.f32 v7, $1.000000000e+00;
	v8 =	vld [tilespmem:s3+$0x0];
	(pc) =	sbr.rel @p0 .LBB2_25-.Ltmp11, $4  }
0x207: {  	(erf) = vrcp.f32 v7  }
0x208: {  	s2 =	sshra.s32 s4, $0x2;
	v9 =	vpop (erf)  }
0x209: {  	v7 =	vld [tilespmem:s2+$0x17280];
	v11 =	vmul.f32 v9, v11  }
0x20a: {  	s4 =	sadd.s32 $0x40, s4;
	v10 =	vmul.f32 v10, v9  }
0x20b: {  	_ = 	snop  }
0x20c: {  	[tilespmem:s3+$0x18300] =	vst v11;
	v8 =	vmul.f32 v8, v9  }
0x20d: {  	v11 =	vld [tilespmem:s1+$0x18300];
	[tilespmem:s3+$0x16200] =	vst v10  }
0x20e: {  	v61 =	vld [tilespmem:s1+$0x16200];
	[tilespmem:s3+$0x0] =	vst v8  }
0x20f: {  	v7 =	vmax.f32 v7, $1.000000000e+00;
	v8 =	vld [tilespmem:s1+$0x0]  }
0x210: {  	v62 =	vpop (erf);
	(erf) = vrcp.f32 v7;
	_ =	sdelay $0x1  }
0x211: {  	v7 =	vmul.f32 v62, v11  }
0x212: {  	v9 =	vmul.f32 v61, v62  }
0x213: {  	[tilespmem:s1+$0x18300] =	vst v7;
	v8 =	vmul.f32 v8, v62  }
0x214: {  	v7 =	vld [tilespmem:s2+$0x18300];
	[tilespmem:s1+$0x16200] =	vst v9  }
0x215: {  	v9 =	vld [tilespmem:s2+$0x16200];
	[tilespmem:s1+$0x0] =	vst v8  }
0x216: {  	s21 =	sld [smem:$0x7F8];
	v8 =	vld [tilespmem:s2+$0x0];
	_ =	sdelay $0x1  }
0x217: {  	v63 =	vpop (erf)  }
0x218: {  	s1 =	smul.u32 $0x10200, s21;
	v7 =	vmul.f32 v63, v7  }
0x219: {  	s29 =	rddreg [dreg:$0xc];
	v9 =	vmul.f32 v9, v63  }
0x21a: {  	s1 =	sadd.s32 s29, s1;
	[tilespmem:s2+$0x18300] =	vst v7;
	v7 =	vmul.f32 v8, v63  }
0x21b: {  	s4 =	rddreg [dreg:$0x1];
	s1 =	sshrl.u32 s1, $0x3;
	[tilespmem:s2+$0x16200] =	vst v9  }
0x21c: {  	s6 =	rddreg [dreg:$0x8];
	[tilespmem:s2+$0x0] =	vst v7;
	s2 =	sadd.s32 s4, s1  }
0x21d: {  	[hbm4b:s2+s7] =	stream.linear.scatter [tilespmem:s5], [sflag:$0x1], $0x1020, $0x38;
	[tilespmem:$0x1F440] =	vst v63  }
0x21e: {  	s14 =	simm.s32 $0x16200;
	s21 =	rddreg [dreg:$0x9];
	s2 =	sadd.s32 s6, s1  }
0x21f: {  	[hbm4b:s2+s7] =	stream.linear.scatter [tilespmem:s14], [sflag:$0x1], $0x1020, $0x38;
	[tilespmem:$0x1F440] =	vst v63  }
0x220: {  	s1 =	sadd.s32 s21, s1  }
0x221: {  	[hbm4b:s1+s7] =	stream.linear.scatter [tilespmem:s7], [sflag:$0x1], $0x1020, $0x38;
	[tilespmem:$0x1F440] =	vst v63  }
0x222: {  	_ =	swait.ge [sflag:s30], $0x1020  }
0x223: {  	[sflag:s30] =	ssyncset.done $0x0  }
0x224: {  	[sflag:s30] =	ssyncadd.s32 $0xFFFFEFE0  }
0x225: {  	_ =	swait.ge [sflag:s30], $0x1020  }
0x226: {  	[sflag:s30] =	ssyncset.done $0x0  }
0x227: {  	[sflag:s30] =	ssyncadd.s32 $0xFFFFEFE0  }
0x228: {  	_ =	swait.ge [sflag:s30], $0x1020  }
0x229: {  	s29 =	sld [smem:$0x7F7];
	_ =	sdelay $0x2  }
0x22a: {  	s2 =	sadd.s32 $0x1, s29  }
0x22b: {  	p0 =	sne.s32 s2, $0x4  }
.Ltmp12:
0x22c: {  	_ = 	snop;
	(pc) =	sbr.rel @p0 .LBB2_2-.Ltmp12, $4  }
0x22d: {  	[sflag:s30] =	ssyncset.done $0x0  }
0x22e: {  	[sflag:s30] =	ssyncadd.s32 $0xFFFFEFE0  }
0x22f: {  	[bflag:$0x0] =	sbarrier.arrive $0xFFFF  }
0x230: {  	s31 =	sld [smem:$0x7FD]  }
0x231: {  	s2 =	sld [smem:$0x7FB];
	_ =	sdelay $0x2  }
0x232: {  	s1 =	rddreg [dreg:$0x1a];
	s2 =	sadd.s32 $0x1, s2  }
0x233: {  	p0 =	sne.s32 s2, s1  }
.Ltmp13:
0x234: {  	_ = 	snop;
	(pc) =	sbr.rel @p0 .LBB2_1-.Ltmp13, $1  }
0x235: {  	_ =	sdelay $0x3  }
0x236: {  	_ =	sfence.sel $0x180000  }
0x237: {  	[bflag:$0x0] =	sbarrier.arrive $0xFFFF  }
0x238: {  	_ =	strace $0x90000047  }
0x239: {  	s0 =	stileid.u32;
	[bflag:$0x2] =	sbarrier.arrive $0xFFFF  }
0x23a: {  	p0 =	sne.s32 s0, $0x0;
	s0 =	rddreg [dreg:$0x7]  }
0x23b: {  	s0 =	sadd.s32 @!p0 $0x100000, s0  }
0x23c: {  	[sflag:s0] =	ssyncadd.tile.s32 @!p0 $0x1;
	_ =	shalt  }
.Lfunc_end2:
_tile_overlayer_lowered:
.L_overlay_start_2:
0x23d: {  	(tag) =	ssettag $0x2  }
0x23e: {  	s0 =	rddreg [dreg:$0x0];
	s2 =	stileid.u32  }
0x23f: {  	s1 =	rddreg [dreg:$0x1];
	p0 =	sne.s32 s2, $0x0  }
0x240: {  	s3 =	rddreg [dreg:$0x2];
	[bflag:$0x3] =	sbarrier.arrive $0xFFFF;
	s2 =	simm.s32 @!p0 $0x1C04  }
0x241: {  	[timem:s3], [sflag:s2] =	dma.local @!p0 [hbm:s0], s1  }
0x242: {  	s0 =	simm.s32 @!p0 $0x4  }
0x243: {  	_ =	swait.ge @!p0 [sflag:s0], s1  }
0x244: {  	s1 =	ssub.s32 @!p0 $0x0, s1;
	[sflag:s0] =	ssyncset.done @!p0 $0x0  }
0x245: {  	[sflag:s0] =	ssyncadd.s32 @!p0 s1  }
0x246: {  	[bflag:$0x3] =	sbarrier.arrive $0xFFFF  }
0x247: {  	_ =	shalt  }

</sc_bundles>
